<compile_context>
chip_gen: v7x
topology: tpu7x:2x2x1
jax: 0.10.2.dev20260603
libtpu: 0.0.44.dev20260713+nightly
codegen_flags: <defaults>
</compile_context>

<pallas_src>
import functools

import jax
import jax.numpy as jnp
from jax import lax
from jax.experimental import pallas as pl
from jax.experimental.pallas import tpu as pltpu
from jax.experimental.pallas import tpu_sc as plsc

N = 10000
D = 128
G = 64
NC, NS = 2, 16
NW = NC * NS
CHUNK = 128
CPW = 80
EPW = CHUNK * CPW
E_PAD = EPW * NW
SINK = N
N_P = 10240
STRIPE = N_P // NS
BLK = 1024
NBLK = N_P // BLK



def _deg_body(dst1_hbm, out_hbm, dstv, hist):
    cid = lax.axis_index("c")
    sid = lax.axis_index("s")
    w = cid * NS + sid

    def zrow(j, carry):
        hist[pl.ds(j * 16, 16)] = jnp.zeros((16,), jnp.float32)
        return carry
    lax.fori_loop(0, N_P // 16, zrow, 0)

    pltpu.sync_copy(dst1_hbm.at[pl.ds(w * EPW, EPW)], dstv)
    ones = jnp.ones((16,), jnp.float32)

    def step(j, carry):
        d = dstv[pl.ds(j * 16, 16)]
        plsc.addupdate_scatter(hist, [d], ones)
        return carry
    lax.fori_loop(0, EPW // 16, step, 0)

    pltpu.sync_copy(hist, out_hbm.at[w])


@functools.cache
def _deg_call_factory():
    return pl.kernel(
        _deg_body,
        out_type=jax.ShapeDtypeStruct((NW, N_P), jnp.float32),
        mesh=plsc.VectorSubcoreMesh(core_axis_name="c", subcore_axis_name="s"),
        scratch_types=[
            pltpu.VMEM((EPW,), jnp.int32),
            pltpu.VMEM((N_P,), jnp.float32),
        ],
        compiler_params=pltpu.CompilerParams(needs_layout_passes=False),
    )


def _deg_call(dst1d):
    return _deg_call_factory()(dst1d)


NBUF = 2
NI = 4


def _conv_body(h_hbm, src_hbm, dst_hbm, out_hbm, rows, srcg, dstv,
               acc_sh, gsem, isem):
    cid = lax.axis_index("c")
    sid = lax.axis_index("s")
    w = cid * NS + sid
    base = sid * STRIPE

    pltpu.sync_copy(dst_hbm.at[pl.ds(w * CPW, CPW)], dstv)
    for i in range(NI):
        pltpu.make_async_copy(
            src_hbm.at[w * CPW + i], srcg.at[i], isem.at[i]).start()

    def zrow(r, carry):
        for jj in range(8):
            rows[0, r, pl.ds(jj * 16, 16)] = jnp.zeros((16,), jnp.float32)
        return carry
    lax.fori_loop(0, CHUNK, zrow, 0)
    for k in range(STRIPE // CHUNK):
        pltpu.sync_copy(rows.at[0], acc_sh.at[pl.ds(base + k * CHUNK, CHUNK)])

    for b in range(NBUF):
        pltpu.make_async_copy(
            src_hbm.at[w * CPW + b], srcg.at[b], isem.at[b]).wait()
        pltpu.make_async_copy(
            h_hbm.at[srcg.at[b, 0]], rows.at[b], gsem.at[b]).start()
    plsc.subcore_barrier()

    def grp(k, carry):
        for j in range(NI):
            c = k * NI + j
            b = j % NBUF
            pltpu.make_async_copy(
                h_hbm.at[srcg.at[j, 0]], rows.at[b], gsem.at[b]).wait()
            pltpu.sync_copy(rows.at[b], acc_sh.at[dstv.at[c]], add=True)

            @pl.when(c + NI < CPW)
            def _():
                pltpu.make_async_copy(
                    src_hbm.at[w * CPW + c + NI], srcg.at[j],
                    isem.at[j]).start()

            jn = (j + NBUF) % NI

            @pl.when(c + NBUF < CPW)
            def _():
                pltpu.make_async_copy(
                    src_hbm.at[w * CPW + c + NBUF], srcg.at[jn],
                    isem.at[jn]).wait()
                pltpu.make_async_copy(
                    h_hbm.at[srcg.at[jn, 0]], rows.at[b], gsem.at[b]).start()
        return carry
    lax.fori_loop(0, CPW // NI, grp, 0)

    plsc.subcore_barrier()
    pltpu.sync_copy(acc_sh.at[pl.ds(base, STRIPE)],
                    out_hbm.at[cid].at[pl.ds(base, STRIPE)])


@functools.cache
def _conv_call_factory():
    return pl.kernel(
        _conv_body,
        out_type=jax.ShapeDtypeStruct((NC, N_P, D), jnp.float32),
        mesh=plsc.VectorSubcoreMesh(core_axis_name="c", subcore_axis_name="s"),
        scratch_types=[
            pltpu.VMEM((NBUF, CHUNK, D), jnp.float32),
            pltpu.VMEM((NI, 1, CHUNK), jnp.int32),
            pltpu.VMEM((CPW, CHUNK), jnp.int32),
            pltpu.VMEM_SHARED((N_P, D), jnp.float32),
            pltpu.SemaphoreType.DMA((NBUF,)),
            pltpu.SemaphoreType.DMA((NI,)),
        ],
    )


def _conv_call(h, src2d, dst2d):
    return _conv_call_factory()(h, src2d, dst2d)



def _dinv_of(degp_ref):
    dg = jnp.sum(degp_ref[...], axis=0) + 1.0
    return lax.rsqrt(jnp.maximum(dg, 1.0))


def _b1_body(x_ref, w1_ref, degp_ref, out_ref):
    dinv = _dinv_of(degp_ref)
    h = jnp.dot(x_ref[...], w1_ref[...], preferred_element_type=jnp.float32)
    out_ref[...] = h * dinv[:, None]


def _b2_body(acc_ref, h1_ref, degp_ref, w2_ref, b1_ref, out_ref):
    dinv = _dinv_of(degp_ref)
    s = acc_ref[0] + acc_ref[1] + h1_ref[...]
    mid = jnp.maximum(s * dinv[:, None] + b1_ref[0], 0.0)
    out_ref[...] = jnp.dot(
        mid, w2_ref[...], preferred_element_type=jnp.float32) * dinv[:, None]


def _b3_body(acc_ref, h2_ref, degp_ref, batch_ref, gfeat_ref, wg_ref, b2_ref,
             bg_ref, wct_ref, wcb_ref, bc_ref, out_ref, sums, cnts):
    i = pl.program_id(0)

    @pl.when(i == 0)
    def _():
        sums[...] = jnp.zeros_like(sums)
        cnts[...] = jnp.zeros_like(cnts)

    dinv = _dinv_of(degp_ref)
    o = (acc_ref[0] + acc_ref[1] + h2_ref[...]) * dinv[:, None] + b2_ref[0]
    b = batch_ref[0, 0, :]
    P = (lax.broadcasted_iota(jnp.int32, (G, BLK), 0) == b[None, :])
    P = P.astype(jnp.float32)
    sums[...] += jnp.dot(P, o, preferred_element_type=jnp.float32)
    cnts[...] += jnp.sum(P, axis=1)[:, None]

    @pl.when(i == NBLK - 1)
    def _():
        mean = sums[...] / jnp.maximum(cnts[...], 1.0)
        gf = jnp.dot(gfeat_ref[...], wg_ref[...],
                     preferred_element_type=jnp.float32) + bg_ref[0]
        out_ref[...] = (
            jnp.dot(mean, wct_ref[...], preferred_element_type=jnp.float32)
            + jnp.dot(gf, wcb_ref[...], preferred_element_type=jnp.float32)
            + bc_ref[0])


def _full(shape):
    return pl.BlockSpec(shape, lambda i: tuple(0 for _ in shape))


_b1_call = pl.pallas_call(
    _b1_body,
    grid=(NBLK,),
    in_specs=[
        pl.BlockSpec((BLK, D), lambda i: (i, 0)),
        _full((D, D)),
        pl.BlockSpec((NW, BLK), lambda i: (0, i)),
    ],
    out_specs=pl.BlockSpec((BLK, D), lambda i: (i, 0)),
    out_shape=jax.ShapeDtypeStruct((N_P, D), jnp.float32),
)

_b2_call = pl.pallas_call(
    _b2_body,
    grid=(NBLK,),
    in_specs=[
        pl.BlockSpec((NC, BLK, D), lambda i: (0, i, 0)),
        pl.BlockSpec((BLK, D), lambda i: (i, 0)),
        pl.BlockSpec((NW, BLK), lambda i: (0, i)),
        _full((D, D)),
        _full((1, D)),
    ],
    out_specs=pl.BlockSpec((BLK, D), lambda i: (i, 0)),
    out_shape=jax.ShapeDtypeStruct((N_P, D), jnp.float32),
)

_b3_call = pl.pallas_call(
    _b3_body,
    grid=(NBLK,),
    in_specs=[
        pl.BlockSpec((NC, BLK, D), lambda i: (0, i, 0)),
        pl.BlockSpec((BLK, D), lambda i: (i, 0)),
        pl.BlockSpec((NW, BLK), lambda i: (0, i)),
        pl.BlockSpec((1, 1, BLK), lambda i: (i, 0, 0)),
        _full((G, 2)),
        _full((2, D)),
        _full((1, D)),
        _full((1, D)),
        _full((D, 2)),
        _full((D, 2)),
        _full((1, 2)),
    ],
    out_specs=pl.BlockSpec((G, 2), lambda i: (0, 0)),
    out_shape=jax.ShapeDtypeStruct((G, 2), jnp.float32),
    scratch_shapes=[
        pltpu.VMEM((G, D), jnp.float32),
        pltpu.VMEM((G, D), jnp.float32),
    ],
)


def kernel(x, edge_index, batch, global_features, W1, b1, W2, b2, Wg, bg, Wc, bc):
    src = edge_index[0]
    dst = edge_index[1]
    pad = E_PAD - src.shape[0]
    src3d = jnp.concatenate(
        [src, jnp.zeros((pad,), jnp.int32)]).reshape(NW * CPW, 1, CHUNK)
    dst1d = jnp.concatenate([dst, jnp.full((pad,), SINK, jnp.int32)])
    dst2d = dst1d.reshape(NW * CPW, CHUNK)
    x_p = jnp.pad(x, ((0, N_P - N), (0, 0)))
    batch_p = jnp.pad(batch, (0, N_P - N), constant_values=G)

    degp = _deg_call(dst1d)
    h1p = _b1_call(x_p, W1, degp)
    acc1 = _conv_call(h1p, src3d, dst2d)
    h2p = _b2_call(acc1, h1p, degp, W2, b1.reshape(1, D))
    acc2 = _conv_call(h2p, src3d, dst2d)
    return _b3_call(acc2, h2p, degp, batch_p.reshape(NBLK, 1, BLK),
                    global_features, Wg, b2.reshape(1, D), bg.reshape(1, D),
                    Wc[:D], Wc[D:], bc.reshape(1, 2))

# --- scband reference (transcript-rebuilt; emitter-appended) ---
"""Pipeline reference for scband-crystal-gnn-37417755083093 (READ-ONLY COPY).

The authoritative reference and input builder live on the scoring server;
editing this copy changes nothing except your own understanding.
"""

import jax, jax.numpy as jnp
import numpy as np

N = 10000
E = 320000
D = 128
H = 128
G = 64
GF = 2

def setup_inputs(seed: int = 0) -> dict:
    key = jax.random.key(seed)
    ks = jax.random.split(key, 12)
    x = jax.random.normal(ks[0], (N, D), dtype=jnp.float32)
    edge_index = jax.random.randint(ks[1], (2, E), 0, N, dtype=jnp.int32)
    batch = jnp.sort(jax.random.randint(ks[2], (N,), 0, G, dtype=jnp.int32))
    global_features = jax.random.normal(ks[3], (G, GF), dtype=jnp.float32)
    W1 = jax.random.normal(ks[4], (D, H), dtype=jnp.float32) / np.sqrt(D)
    b1 = jnp.zeros((H,), dtype=jnp.float32)
    W2 = jax.random.normal(ks[5], (H, H), dtype=jnp.float32) / np.sqrt(H)
    b2 = jnp.zeros((H,), dtype=jnp.float32)
    Wg = jax.random.normal(ks[6], (GF, H), dtype=jnp.float32) / np.sqrt(GF)
    bg = jnp.zeros((H,), dtype=jnp.float32)
    Wc = jax.random.normal(ks[7], (2 * H, 2), dtype=jnp.float32) / np.sqrt(2 * H)
    bc = jnp.zeros((2,), dtype=jnp.float32)
    return {"x": x, "edge_index": edge_index, "batch": batch, "global_features": global_features,
            "W1": W1, "b1": b1, "W2": W2, "b2": b2, "Wg": Wg, "bg": bg, "Wc": Wc, "bc": bc}

def _gcn_conv(x, edge_index, W, b):
    n = x.shape[0]
    loop = jnp.arange(n, dtype=edge_index.dtype)
    src = jnp.concatenate([edge_index[0], loop])
    dst = jnp.concatenate([edge_index[1], loop])
    h = x @ W
    deg = jax.ops.segment_sum(jnp.ones_like(dst, dtype=jnp.float32), dst, num_segments=n)
    dinv = 1.0 / jnp.sqrt(jnp.clip(deg, 1.0, None))
    norm = dinv[src] * dinv[dst]
    msgs = h[src] * norm[:, None]
    out = jax.ops.segment_sum(msgs, dst, num_segments=n)
    return out + b

def _global_mean_pool(x, batch, num_graphs):
    sums = jax.ops.segment_sum(x, batch, num_segments=num_graphs)
    cnts = jax.ops.segment_sum(jnp.ones((x.shape[0],), dtype=jnp.float32), batch, num_segments=num_graphs)
    return sums / jnp.clip(cnts, 1.0, None)[:, None]

def reference(x, edge_index, batch, global_features, W1, b1, W2, b2, Wg, bg, Wc, bc):
    h = jax.nn.relu(_gcn_conv(x, edge_index, W1, b1))
    h = _gcn_conv(h, edge_index, W2, b2)
    x_global = _global_mean_pool(h, batch, G)
    gf = global_features @ Wg + bg
    x_global = jnp.concatenate([x_global, gf], axis=1)
    return x_global @ Wc + bc

if __name__ == "__main__":
    import jax
    _d = setup_inputs()
    print(jax.jit(kernel)(*tuple(_d.values())))

</pallas_src>

<mosaic_0001>
#map = affine_map<(d0, d1) -> (0)>
#map1 = affine_map<(d0, d1) -> (0, 0)>
module attributes {stable_mosaic.version = 14 : i64} {
  func.func @_deg_body(%arg0: i32, %arg1: i32, %arg2: memref<327680xi32, #tpu.memory_space<hbm>>, %arg3: memref<32x10240xf32, #tpu.memory_space<hbm>>, %arg4: memref<10240xi32, #tpu.memory_space<vmem>>, %arg5: memref<10240xf32, #tpu.memory_space<vmem>>) attributes {dimension_semantics = [#tpu.dimension_semantics<core_parallel>, #tpu.dimension_semantics<subcore_parallel>], iteration_bounds = array<i64: 2, 16>, scalar_prefetch = 0 : i64, scratch_operands = 2 : i64, tpu.core_type = #tpu.core_type<sc_vector_subcore>, window_params = [{transform_indices = #map}, {transform_indices = #map1}]} {
    %mul3A = arith.constant 16 : i32
    %mul3A_0 = arith.muli %arg0, %mul3A : i32
    %add3A = arith.addi %mul3A_0, %arg1 : i32
    %scan3A = arith.constant 0 : i32
    %scan3A_1 = arith.constant 0 : i32
    %scan3A_2 = arith.constant 640 : i32
    %scan3A_3 = arith.addi %scan3A_1, %scan3A_2 : i32
    %scan3A_4 = arith.constant 1 : i32
    scf.for %scan3A_15 = %scan3A_1 to %scan3A_3 step %scan3A_4  : i32 {
      %broadcast_in_dim3A_16 = arith.constant 0.000000e+00 : f32
      %broadcast_in_dim3A_17 = vector.broadcast %broadcast_in_dim3A_16 : f32 to vector<16xf32>
      %mul3A_18 = arith.constant 16 : i32
      %mul3A_19 = arith.muli %scan3A_15, %mul3A_18 : i32
      %swap3A = arith.index_cast %mul3A_19 : i32 to index
      %swap3A_20 = tpu.vector_load %arg5[%swap3A] {strides = array<i32>} : memref<10240xf32, #tpu.memory_space<vmem>>, vector<16xf32>,
      tpu.vector_store %arg5[%swap3A], %broadcast_in_dim3A_17 {strides = array<i32>} : memref<10240xf32, #tpu.memory_space<vmem>>, vector<16xf32>,
    }
    %scan3A_5 = arith.constant 640 : i32
    %mul3A_6 = arith.constant 10240 : i32
    %mul3A_7 = arith.muli %add3A, %mul3A_6 : i32
    "tpu.region"() ({
      %run_scoped3A = tpu.sem_alloc : memref<!tpu.dma_semaphore, #tpu.memory_space<semaphore_mem>>
      %dma_start3A = tpu.memref_slice %arg2[%mul3A_7] : memref<327680xi32, #tpu.memory_space<hbm>> -> memref<10240xi32, #tpu.memory_space<hbm>>
      %dma_start3A_15 = tpu.memref_slice %arg2[%mul3A_7] : memref<327680xi32, #tpu.memory_space<hbm>> -> memref<10240xi32, #tpu.memory_space<hbm>>
      tpu.enqueue_dma source(%dma_start3A_15 : memref<10240xi32, #tpu.memory_space<hbm>>) target(%arg4 : memref<10240xi32, #tpu.memory_space<vmem>>) target_semaphore(%run_scoped3A : memref<!tpu.dma_semaphore, #tpu.memory_space<semaphore_mem>>)
      %dma_wait3A = tpu.memref_slice %arg2[%mul3A_7] : memref<327680xi32, #tpu.memory_space<hbm>> -> memref<10240xi32, #tpu.memory_space<hbm>>
      %dma_wait3A_16 = tpu.memref_slice %arg2[%mul3A_7] : memref<327680xi32, #tpu.memory_space<hbm>> -> memref<10240xi32, #tpu.memory_space<hbm>>
      tpu.wait_dma2 semaphore(%run_scoped3A : memref<!tpu.dma_semaphore, #tpu.memory_space<semaphore_mem>>) src(%dma_wait3A_16 : memref<10240xi32, #tpu.memory_space<hbm>>) dst(%arg4 : memref<10240xi32, #tpu.memory_space<vmem>>)
      tpu.yield
    }) : () -> ()
    %broadcast_in_dim3A = arith.constant 1.000000e+00 : f32
    %broadcast_in_dim3A_8 = vector.broadcast %broadcast_in_dim3A : f32 to vector<16xf32>
    %scan3A_9 = arith.constant 0 : i32
    %scan3A_10 = arith.constant 0 : i32
    %scan3A_11 = arith.constant 640 : i32
    %scan3A_12 = arith.addi %scan3A_10, %scan3A_11 : i32
    %scan3A_13 = arith.constant 1 : i32
    scf.for %scan3A_15 = %scan3A_10 to %scan3A_12 step %scan3A_13  : i32 {
      %mul3A_16 = arith.constant 16 : i32
      %mul3A_17 = arith.muli %scan3A_15, %mul3A_16 : i32
      %get3A = arith.index_cast %mul3A_17 : i32 to index
      %get3A_18 = tpu.vector_load %arg4[%get3A] {strides = array<i32>} : memref<10240xi32, #tpu.memory_space<vmem>>, vector<16xi32>,
      tpu.vector_store_idx %arg5[%get3A_18], %broadcast_in_dim3A_8 {add = true} : memref<10240xf32, #tpu.memory_space<vmem>>[vector<16xi32>], vector<16xf32>,
    }
    %scan3A_14 = arith.constant 640 : i32
    "tpu.region"() ({
      %run_scoped3A = tpu.sem_alloc : memref<!tpu.dma_semaphore, #tpu.memory_space<semaphore_mem>>
      %dma_start3A = arith.constant 0 : i32
      %dma_start3A_15 = tpu.memref_slice %arg3[%add3A, %dma_start3A] : memref<32x10240xf32, #tpu.memory_space<hbm>> -> memref<1x10240xf32, #tpu.memory_space<hbm>>
      %dma_start3A_16 = tpu.memref_squeeze %dma_start3A_15 : memref<1x10240xf32, #tpu.memory_space<hbm>> -> memref<10240xf32, #tpu.memory_space<hbm>>
      %dma_start3A_17 = arith.constant 0 : i32
      %dma_start3A_18 = tpu.memref_slice %arg3[%add3A, %dma_start3A_17] : memref<32x10240xf32, #tpu.memory_space<hbm>> -> memref<1x10240xf32, #tpu.memory_space<hbm>>
      %dma_start3A_19 = tpu.memref_squeeze %dma_start3A_18 : memref<1x10240xf32, #tpu.memory_space<hbm>> -> memref<10240xf32, #tpu.memory_space<hbm>>
      tpu.enqueue_dma source(%arg5 : memref<10240xf32, #tpu.memory_space<vmem>>) target(%dma_start3A_19 : memref<10240xf32, #tpu.memory_space<hbm>>) target_semaphore(%run_scoped3A : memref<!tpu.dma_semaphore, #tpu.memory_space<semaphore_mem>>)
      %dma_wait3A = arith.constant 0 : i32
      %dma_wait3A_20 = tpu.memref_slice %arg3[%add3A, %dma_wait3A] : memref<32x10240xf32, #tpu.memory_space<hbm>> -> memref<1x10240xf32, #tpu.memory_space<hbm>>
      %dma_wait3A_21 = tpu.memref_squeeze %dma_wait3A_20 : memref<1x10240xf32, #tpu.memory_space<hbm>> -> memref<10240xf32, #tpu.memory_space<hbm>>
      %dma_wait3A_22 = arith.constant 0 : i32
      %dma_wait3A_23 = tpu.memref_slice %arg3[%add3A, %dma_wait3A_22] : memref<32x10240xf32, #tpu.memory_space<hbm>> -> memref<1x10240xf32, #tpu.memory_space<hbm>>
      %dma_wait3A_24 = tpu.memref_squeeze %dma_wait3A_23 : memref<1x10240xf32, #tpu.memory_space<hbm>> -> memref<10240xf32, #tpu.memory_space<hbm>>
      tpu.wait_dma2 semaphore(%run_scoped3A : memref<!tpu.dma_semaphore, #tpu.memory_space<semaphore_mem>>) src(%arg5 : memref<10240xf32, #tpu.memory_space<vmem>>) dst(%dma_wait3A_24 : memref<10240xf32, #tpu.memory_space<hbm>>)
      tpu.yield
    }) : () -> ()
    return
  }
}

#map = affine_map<(d0, d1) -> (0, 0)>
#map1 = affine_map<(d0, d1) -> (0, 0, 0)>
module attributes {stable_mosaic.version = 14 : i64} {
  func.func @_conv_body(%arg0: i32, %arg1: i32, %arg2: memref<10240x128xf32, #tpu.memory_space<hbm>>, %arg3: memref<2560x1x128xi32, #tpu.memory_space<hbm>>, %arg4: memref<2560x128xi32, #tpu.memory_space<hbm>>, %arg5: memref<2x10240x128xf32, #tpu.memory_space<hbm>>, %arg6: memref<2x128x128xf32, #tpu.memory_space<vmem>>, %arg7: memref<4x1x128xi32, #tpu.memory_space<vmem>>, %arg8: memref<80x128xi32, #tpu.memory_space<vmem>>, %arg9: memref<10240x128xf32, #tpu.memory_space<vmem_shared>>, %arg10: memref<2x!tpu.dma_semaphore, #tpu.memory_space<semaphore_mem>>, %arg11: memref<4x!tpu.dma_semaphore, #tpu.memory_space<semaphore_mem>>) attributes {dimension_semantics = [#tpu.dimension_semantics<core_parallel>, #tpu.dimension_semantics<subcore_parallel>], iteration_bounds = array<i64: 2, 16>, scalar_prefetch = 0 : i64, scratch_operands = 6 : i64, tpu.core_type = #tpu.core_type<sc_vector_subcore>, window_params = [{transform_indices = #map}, {transform_indices = #map1}, {transform_indices = #map}, {transform_indices = #map1}]} {
    %mul3A = arith.constant 16 : i32
    %mul3A_0 = arith.muli %arg0, %mul3A : i32
    %add3A = arith.addi %mul3A_0, %arg1 : i32
    %mul3A_1 = arith.constant 640 : i32
    %mul3A_2 = arith.muli %arg1, %mul3A_1 : i32
    %mul3A_3 = arith.constant 80 : i32
    %mul3A_4 = arith.muli %add3A, %mul3A_3 : i32
    "tpu.region"() ({
      %run_scoped3A_205 = tpu.sem_alloc : memref<!tpu.dma_semaphore, #tpu.memory_space<semaphore_mem>>
      %dma_start3A_206 = arith.constant 0 : i32
      %dma_start3A_207 = tpu.memref_slice %arg4[%mul3A_4, %dma_start3A_206] : memref<2560x128xi32, #tpu.memory_space<hbm>> -> memref<80x128xi32, #tpu.memory_space<hbm>>
      %dma_start3A_208 = arith.constant 0 : i32
      %dma_start3A_209 = tpu.memref_slice %arg4[%mul3A_4, %dma_start3A_208] : memref<2560x128xi32, #tpu.memory_space<hbm>> -> memref<80x128xi32, #tpu.memory_space<hbm>>
      tpu.enqueue_dma source(%dma_start3A_209 : memref<80x128xi32, #tpu.memory_space<hbm>>) target(%arg8 : memref<80x128xi32, #tpu.memory_space<vmem>>) target_semaphore(%run_scoped3A_205 : memref<!tpu.dma_semaphore, #tpu.memory_space<semaphore_mem>>)
      %dma_wait3A_210 = arith.constant 0 : i32
      %dma_wait3A_211 = tpu.memref_slice %arg4[%mul3A_4, %dma_wait3A_210] : memref<2560x128xi32, #tpu.memory_space<hbm>> -> memref<80x128xi32, #tpu.memory_space<hbm>>
      %dma_wait3A_212 = arith.constant 0 : i32
      %dma_wait3A_213 = tpu.memref_slice %arg4[%mul3A_4, %dma_wait3A_212] : memref<2560x128xi32, #tpu.memory_space<hbm>> -> memref<80x128xi32, #tpu.memory_space<hbm>>
      tpu.wait_dma2 semaphore(%run_scoped3A_205 : memref<!tpu.dma_semaphore, #tpu.memory_space<semaphore_mem>>) src(%dma_wait3A_213 : memref<80x128xi32, #tpu.memory_space<hbm>>) dst(%arg8 : memref<80x128xi32, #tpu.memory_space<vmem>>)
      tpu.yield
    }) : () -> ()
    %mul3A_5 = arith.constant 80 : i32
    %mul3A_6 = arith.muli %add3A, %mul3A_5 : i32
    %add3A_7 = arith.constant 0 : i32
    %add3A_8 = arith.addi %mul3A_6, %add3A_7 : i32
    %dma_start3A = arith.constant 0 : i32
    %dma_start3A_9 = arith.constant 0 : i32
    %dma_start3A_10 = arith.constant 0 : i32
    %dma_start3A_11 = arith.constant 0 : i32
    %dma_start3A_12 = tpu.memref_slice %arg7[%dma_start3A, %dma_start3A_10, %dma_start3A_11] : memref<4x1x128xi32, #tpu.memory_space<vmem>> -> memref<1x1x128xi32, #tpu.memory_space<vmem>>
    %dma_start3A_13 = tpu.memref_squeeze %dma_start3A_12 : memref<1x1x128xi32, #tpu.memory_space<vmem>> -> memref<1x128xi32, #tpu.memory_space<vmem>>
    %dma_start3A_14 = arith.constant 0 : i32
    %dma_start3A_15 = arith.constant 0 : i32
    %dma_start3A_16 = tpu.memref_slice %arg3[%add3A_8, %dma_start3A_14, %dma_start3A_15] : memref<2560x1x128xi32, #tpu.memory_space<hbm>> -> memref<1x1x128xi32, #tpu.memory_space<hbm>>
    %dma_start3A_17 = tpu.memref_squeeze %dma_start3A_16 : memref<1x1x128xi32, #tpu.memory_space<hbm>> -> memref<1x128xi32, #tpu.memory_space<hbm>>
    %dma_start3A_18 = tpu.memref_slice %arg11[%dma_start3A_9] : memref<4x!tpu.dma_semaphore, #tpu.memory_space<semaphore_mem>> -> memref<1x!tpu.dma_semaphore, #tpu.memory_space<semaphore_mem>>
    %dma_start3A_19 = tpu.memref_squeeze %dma_start3A_18 : memref<1x!tpu.dma_semaphore, #tpu.memory_space<semaphore_mem>> -> memref<!tpu.dma_semaphore, #tpu.memory_space<semaphore_mem>>
    %dma_start3A_20 = arith.constant 0 : i32
    %dma_start3A_21 = arith.constant 0 : i32
    %dma_start3A_22 = tpu.memref_slice %arg7[%dma_start3A, %dma_start3A_20, %dma_start3A_21] : memref<4x1x128xi32, #tpu.memory_space<vmem>> -> memref<1x1x128xi32, #tpu.memory_space<vmem>>
    %dma_start3A_23 = tpu.memref_squeeze %dma_start3A_22 : memref<1x1x128xi32, #tpu.memory_space<vmem>> -> memref<1x128xi32, #tpu.memory_space<vmem>>
    %dma_start3A_24 = arith.constant 0 : i32
    %dma_start3A_25 = arith.constant 0 : i32
    %dma_start3A_26 = tpu.memref_slice %arg3[%add3A_8, %dma_start3A_24, %dma_start3A_25] : memref<2560x1x128xi32, #tpu.memory_space<hbm>> -> memref<1x1x128xi32, #tpu.memory_space<hbm>>
    %dma_start3A_27 = tpu.memref_squeeze %dma_start3A_26 : memref<1x1x128xi32, #tpu.memory_space<hbm>> -> memref<1x128xi32, #tpu.memory_space<hbm>>
    tpu.enqueue_dma source(%dma_start3A_27 : memref<1x128xi32, #tpu.memory_space<hbm>>) target(%dma_start3A_23 : memref<1x128xi32, #tpu.memory_space<vmem>>) target_semaphore(%dma_start3A_19 : memref<!tpu.dma_semaphore, #tpu.memory_space<semaphore_mem>>)
    %mul3A_28 = arith.constant 80 : i32
    %mul3A_29 = arith.muli %add3A, %mul3A_28 : i32
    %add3A_30 = arith.constant 1 : i32
    %add3A_31 = arith.addi %mul3A_29, %add3A_30 : i32
    %dma_start3A_32 = arith.constant 1 : i32
    %dma_start3A_33 = arith.constant 1 : i32
    %dma_start3A_34 = arith.constant 0 : i32
    %dma_start3A_35 = arith.constant 0 : i32
    %dma_start3A_36 = tpu.memref_slice %arg7[%dma_start3A_32, %dma_start3A_34, %dma_start3A_35] : memref<4x1x128xi32, #tpu.memory_space<vmem>> -> memref<1x1x128xi32, #tpu.memory_space<vmem>>
    %dma_start3A_37 = tpu.memref_squeeze %dma_start3A_36 : memref<1x1x128xi32, #tpu.memory_space<vmem>> -> memref<1x128xi32, #tpu.memory_space<vmem>>
    %dma_start3A_38 = arith.constant 0 : i32
    %dma_start3A_39 = arith.constant 0 : i32
    %dma_start3A_40 = tpu.memref_slice %arg3[%add3A_31, %dma_start3A_38, %dma_start3A_39] : memref<2560x1x128xi32, #tpu.memory_space<hbm>> -> memref<1x1x128xi32, #tpu.memory_space<hbm>>
    %dma_start3A_41 = tpu.memref_squeeze %dma_start3A_40 : memref<1x1x128xi32, #tpu.memory_space<hbm>> -> memref<1x128xi32, #tpu.memory_space<hbm>>
    %dma_start3A_42 = tpu.memref_slice %arg11[%dma_start3A_33] : memref<4x!tpu.dma_semaphore, #tpu.memory_space<semaphore_mem>> -> memref<1x!tpu.dma_semaphore, #tpu.memory_space<semaphore_mem>>
    %dma_start3A_43 = tpu.memref_squeeze %dma_start3A_42 : memref<1x!tpu.dma_semaphore, #tpu.memory_space<semaphore_mem>> -> memref<!tpu.dma_semaphore, #tpu.memory_space<semaphore_mem>>
    %dma_start3A_44 = arith.constant 0 : i32
    %dma_start3A_45 = arith.constant 0 : i32
    %dma_start3A_46 = tpu.memref_slice %arg7[%dma_start3A_32, %dma_start3A_44, %dma_start3A_45] : memref<4x1x128xi32, #tpu.memory_space<vmem>> -> memref<1x1x128xi32, #tpu.memory_space<vmem>>
    %dma_start3A_47 = tpu.memref_squeeze %dma_start3A_46 : memref<1x1x128xi32, #tpu.memory_space<vmem>> -> memref<1x128xi32, #tpu.memory_space<vmem>>
    %dma_start3A_48 = arith.constant 0 : i32
    %dma_start3A_49 = arith.constant 0 : i32
    %dma_start3A_50 = tpu.memref_slice %arg3[%add3A_31, %dma_start3A_48, %dma_start3A_49] : memref<2560x1x128xi32, #tpu.memory_space<hbm>> -> memref<1x1x128xi32, #tpu.memory_space<hbm>>
    %dma_start3A_51 = tpu.memref_squeeze %dma_start3A_50 : memref<1x1x128xi32, #tpu.memory_space<hbm>> -> memref<1x128xi32, #tpu.memory_space<hbm>>
    tpu.enqueue_dma source(%dma_start3A_51 : memref<1x128xi32, #tpu.memory_space<hbm>>) target(%dma_start3A_47 : memref<1x128xi32, #tpu.memory_space<vmem>>) target_semaphore(%dma_start3A_43 : memref<!tpu.dma_semaphore, #tpu.memory_space<semaphore_mem>>)
    %mul3A_52 = arith.constant 80 : i32
    %mul3A_53 = arith.muli %add3A, %mul3A_52 : i32
    %add3A_54 = arith.constant 2 : i32
    %add3A_55 = arith.addi %mul3A_53, %add3A_54 : i32
    %dma_start3A_56 = arith.constant 2 : i32
    %dma_start3A_57 = arith.constant 2 : i32
    %dma_start3A_58 = arith.constant 0 : i32
    %dma_start3A_59 = arith.constant 0 : i32
    %dma_start3A_60 = tpu.memref_slice %arg7[%dma_start3A_56, %dma_start3A_58, %dma_start3A_59] : memref<4x1x128xi32, #tpu.memory_space<vmem>> -> memref<1x1x128xi32, #tpu.memory_space<vmem>>
    %dma_start3A_61 = tpu.memref_squeeze %dma_start3A_60 : memref<1x1x128xi32, #tpu.memory_space<vmem>> -> memref<1x128xi32, #tpu.memory_space<vmem>>
    %dma_start3A_62 = arith.constant 0 : i32
    %dma_start3A_63 = arith.constant 0 : i32
    %dma_start3A_64 = tpu.memref_slice %arg3[%add3A_55, %dma_start3A_62, %dma_start3A_63] : memref<2560x1x128xi32, #tpu.memory_space<hbm>> -> memref<1x1x128xi32, #tpu.memory_space<hbm>>
    %dma_start3A_65 = tpu.memref_squeeze %dma_start3A_64 : memref<1x1x128xi32, #tpu.memory_space<hbm>> -> memref<1x128xi32, #tpu.memory_space<hbm>>
    %dma_start3A_66 = tpu.memref_slice %arg11[%dma_start3A_57] : memref<4x!tpu.dma_semaphore, #tpu.memory_space<semaphore_mem>> -> memref<1x!tpu.dma_semaphore, #tpu.memory_space<semaphore_mem>>
    %dma_start3A_67 = tpu.memref_squeeze %dma_start3A_66 : memref<1x!tpu.dma_semaphore, #tpu.memory_space<semaphore_mem>> -> memref<!tpu.dma_semaphore, #tpu.memory_space<semaphore_mem>>
    %dma_start3A_68 = arith.constant 0 : i32
    %dma_start3A_69 = arith.constant 0 : i32
    %dma_start3A_70 = tpu.memref_slice %arg7[%dma_start3A_56, %dma_start3A_68, %dma_start3A_69] : memref<4x1x128xi32, #tpu.memory_space<vmem>> -> memref<1x1x128xi32, #tpu.memory_space<vmem>>
    %dma_start3A_71 = tpu.memref_squeeze %dma_start3A_70 : memref<1x1x128xi32, #tpu.memory_space<vmem>> -> memref<1x128xi32, #tpu.memory_space<vmem>>
    %dma_start3A_72 = arith.constant 0 : i32
    %dma_start3A_73 = arith.constant 0 : i32
    %dma_start3A_74 = tpu.memref_slice %arg3[%add3A_55, %dma_start3A_72, %dma_start3A_73] : memref<2560x1x128xi32, #tpu.memory_space<hbm>> -> memref<1x1x128xi32, #tpu.memory_space<hbm>>
    %dma_start3A_75 = tpu.memref_squeeze %dma_start3A_74 : memref<1x1x128xi32, #tpu.memory_space<hbm>> -> memref<1x128xi32, #tpu.memory_space<hbm>>
    tpu.enqueue_dma source(%dma_start3A_75 : memref<1x128xi32, #tpu.memory_space<hbm>>) target(%dma_start3A_71 : memref<1x128xi32, #tpu.memory_space<vmem>>) target_semaphore(%dma_start3A_67 : memref<!tpu.dma_semaphore, #tpu.memory_space<semaphore_mem>>)
    %mul3A_76 = arith.constant 80 : i32
    %mul3A_77 = arith.muli %add3A, %mul3A_76 : i32
    %add3A_78 = arith.constant 3 : i32
    %add3A_79 = arith.addi %mul3A_77, %add3A_78 : i32
    %dma_start3A_80 = arith.constant 3 : i32
    %dma_start3A_81 = arith.constant 3 : i32
    %dma_start3A_82 = arith.constant 0 : i32
    %dma_start3A_83 = arith.constant 0 : i32
    %dma_start3A_84 = tpu.memref_slice %arg7[%dma_start3A_80, %dma_start3A_82, %dma_start3A_83] : memref<4x1x128xi32, #tpu.memory_space<vmem>> -> memref<1x1x128xi32, #tpu.memory_space<vmem>>
    %dma_start3A_85 = tpu.memref_squeeze %dma_start3A_84 : memref<1x1x128xi32, #tpu.memory_space<vmem>> -> memref<1x128xi32, #tpu.memory_space<vmem>>
    %dma_start3A_86 = arith.constant 0 : i32
    %dma_start3A_87 = arith.constant 0 : i32
    %dma_start3A_88 = tpu.memref_slice %arg3[%add3A_79, %dma_start3A_86, %dma_start3A_87] : memref<2560x1x128xi32, #tpu.memory_space<hbm>> -> memref<1x1x128xi32, #tpu.memory_space<hbm>>
    %dma_start3A_89 = tpu.memref_squeeze %dma_start3A_88 : memref<1x1x128xi32, #tpu.memory_space<hbm>> -> memref<1x128xi32, #tpu.memory_space<hbm>>
    %dma_start3A_90 = tpu.memref_slice %arg11[%dma_start3A_81] : memref<4x!tpu.dma_semaphore, #tpu.memory_space<semaphore_mem>> -> memref<1x!tpu.dma_semaphore, #tpu.memory_space<semaphore_mem>>
    %dma_start3A_91 = tpu.memref_squeeze %dma_start3A_90 : memref<1x!tpu.dma_semaphore, #tpu.memory_space<semaphore_mem>> -> memref<!tpu.dma_semaphore, #tpu.memory_space<semaphore_mem>>
    %dma_start3A_92 = arith.constant 0 : i32
    %dma_start3A_93 = arith.constant 0 : i32
    %dma_start3A_94 = tpu.memref_slice %arg7[%dma_start3A_80, %dma_start3A_92, %dma_start3A_93] : memref<4x1x128xi32, #tpu.memory_space<vmem>> -> memref<1x1x128xi32, #tpu.memory_space<vmem>>
    %dma_start3A_95 = tpu.memref_squeeze %dma_start3A_94 : memref<1x1x128xi32, #tpu.memory_space<vmem>> -> memref<1x128xi32, #tpu.memory_space<vmem>>
    %dma_start3A_96 = arith.constant 0 : i32
    %dma_start3A_97 = arith.constant 0 : i32
    %dma_start3A_98 = tpu.memref_slice %arg3[%add3A_79, %dma_start3A_96, %dma_start3A_97] : memref<2560x1x128xi32, #tpu.memory_space<hbm>> -> memref<1x1x128xi32, #tpu.memory_space<hbm>>
    %dma_start3A_99 = tpu.memref_squeeze %dma_start3A_98 : memref<1x1x128xi32, #tpu.memory_space<hbm>> -> memref<1x128xi32, #tpu.memory_space<hbm>>
    tpu.enqueue_dma source(%dma_start3A_99 : memref<1x128xi32, #tpu.memory_space<hbm>>) target(%dma_start3A_95 : memref<1x128xi32, #tpu.memory_space<vmem>>) target_semaphore(%dma_start3A_91 : memref<!tpu.dma_semaphore, #tpu.memory_space<semaphore_mem>>)
    %scan3A = arith.constant 0 : i32
    %scan3A_100 = arith.constant 0 : i32
    %scan3A_101 = arith.constant 128 : i32
    %scan3A_102 = arith.addi %scan3A_100, %scan3A_101 : i32
    %scan3A_103 = arith.constant 1 : i32
    scf.for %scan3A_205 = %scan3A_100 to %scan3A_102 step %scan3A_103  : i32 {
      %broadcast_in_dim3A = arith.constant 0.000000e+00 : f32
      %broadcast_in_dim3A_206 = vector.broadcast %broadcast_in_dim3A : f32 to vector<16xf32>
      %swap3A = arith.constant 0 : i32
      %swap3A_207 = arith.index_cast %swap3A : i32 to index
      %swap3A_208 = arith.index_cast %scan3A_205 : i32 to index
      %swap3A_209 = arith.constant 0 : index
      %swap3A_210 = tpu.vector_load %arg6[%swap3A_207, %swap3A_208, %swap3A_209] {strides = array<i32>} : memref<2x128x128xf32, #tpu.memory_space<vmem>>, vector<1x1x16xf32>,
      %swap3A_211 = vector.shape_cast %swap3A_210 : vector<1x1x16xf32> to vector<16xf32>
      %swap3A_212 = vector.shape_cast %broadcast_in_dim3A_206 : vector<16xf32> to vector<1x1x16xf32>
      tpu.vector_store %arg6[%swap3A_207, %swap3A_208, %swap3A_209], %swap3A_212 {strides = array<i32>} : memref<2x128x128xf32, #tpu.memory_space<vmem>>, vector<1x1x16xf32>,
      %broadcast_in_dim3A_213 = arith.constant 0.000000e+00 : f32
      %broadcast_in_dim3A_214 = vector.broadcast %broadcast_in_dim3A_213 : f32 to vector<16xf32>
      %swap3A_215 = arith.constant 0 : i32
      %swap3A_216 = arith.index_cast %swap3A_215 : i32 to index
      %swap3A_217 = arith.index_cast %scan3A_205 : i32 to index
      %swap3A_218 = arith.constant 16 : index
      %swap3A_219 = tpu.vector_load %arg6[%swap3A_216, %swap3A_217, %swap3A_218] {strides = array<i32>} : memref<2x128x128xf32, #tpu.memory_space<vmem>>, vector<1x1x16xf32>,
      %swap3A_220 = vector.shape_cast %swap3A_219 : vector<1x1x16xf32> to vector<16xf32>
      %swap3A_221 = vector.shape_cast %broadcast_in_dim3A_214 : vector<16xf32> to vector<1x1x16xf32>
      tpu.vector_store %arg6[%swap3A_216, %swap3A_217, %swap3A_218], %swap3A_221 {strides = array<i32>} : memref<2x128x128xf32, #tpu.memory_space<vmem>>, vector<1x1x16xf32>,
      %broadcast_in_dim3A_222 = arith.constant 0.000000e+00 : f32
      %broadcast_in_dim3A_223 = vector.broadcast %broadcast_in_dim3A_222 : f32 to vector<16xf32>
      %swap3A_224 = arith.constant 0 : i32
      %swap3A_225 = arith.index_cast %swap3A_224 : i32 to index
      %swap3A_226 = arith.index_cast %scan3A_205 : i32 to index
      %swap3A_227 = arith.constant 32 : index
      %swap3A_228 = tpu.vector_load %arg6[%swap3A_225, %swap3A_226, %swap3A_227] {strides = array<i32>} : memref<2x128x128xf32, #tpu.memory_space<vmem>>, vector<1x1x16xf32>,
      %swap3A_229 = vector.shape_cast %swap3A_228 : vector<1x1x16xf32> to vector<16xf32>
      %swap3A_230 = vector.shape_cast %broadcast_in_dim3A_223 : vector<16xf32> to vector<1x1x16xf32>
      tpu.vector_store %arg6[%swap3A_225, %swap3A_226, %swap3A_227], %swap3A_230 {strides = array<i32>} : memref<2x128x128xf32, #tpu.memory_space<vmem>>, vector<1x1x16xf32>,
      %broadcast_in_dim3A_231 = arith.constant 0.000000e+00 : f32
      %broadcast_in_dim3A_232 = vector.broadcast %broadcast_in_dim3A_231 : f32 to vector<16xf32>
      %swap3A_233 = arith.constant 0 : i32
      %swap3A_234 = arith.index_cast %swap3A_233 : i32 to index
      %swap3A_235 = arith.index_cast %scan3A_205 : i32 to index
      %swap3A_236 = arith.constant 48 : index
      %swap3A_237 = tpu.vector_load %arg6[%swap3A_234, %swap3A_235, %swap3A_236] {strides = array<i32>} : memref<2x128x128xf32, #tpu.memory_space<vmem>>, vector<1x1x16xf32>,
      %swap3A_238 = vector.shape_cast %swap3A_237 : vector<1x1x16xf32> to vector<16xf32>
      %swap3A_239 = vector.shape_cast %broadcast_in_dim3A_232 : vector<16xf32> to vector<1x1x16xf32>
      tpu.vector_store %arg6[%swap3A_234, %swap3A_235, %swap3A_236], %swap3A_239 {strides = array<i32>} : memref<2x128x128xf32, #tpu.memory_space<vmem>>, vector<1x1x16xf32>,
      %broadcast_in_dim3A_240 = arith.constant 0.000000e+00 : f32
      %broadcast_in_dim3A_241 = vector.broadcast %broadcast_in_dim3A_240 : f32 to vector<16xf32>
      %swap3A_242 = arith.constant 0 : i32
      %swap3A_243 = arith.index_cast %swap3A_242 : i32 to index
      %swap3A_244 = arith.index_cast %scan3A_205 : i32 to index
      %swap3A_245 = arith.constant 64 : index
      %swap3A_246 = tpu.vector_load %arg6[%swap3A_243, %swap3A_244, %swap3A_245] {strides = array<i32>} : memref<2x128x128xf32, #tpu.memory_space<vmem>>, vector<1x1x16xf32>,
      %swap3A_247 = vector.shape_cast %swap3A_246 : vector<1x1x16xf32> to vector<16xf32>
      %swap3A_248 = vector.shape_cast %broadcast_in_dim3A_241 : vector<16xf32> to vector<1x1x16xf32>
      tpu.vector_store %arg6[%swap3A_243, %swap3A_244, %swap3A_245], %swap3A_248 {strides = array<i32>} : memref<2x128x128xf32, #tpu.memory_space<vmem>>, vector<1x1x16xf32>,
      %broadcast_in_dim3A_249 = arith.constant 0.000000e+00 : f32
      %broadcast_in_dim3A_250 = vector.broadcast %broadcast_in_dim3A_249 : f32 to vector<16xf32>
      %swap3A_251 = arith.constant 0 : i32
      %swap3A_252 = arith.index_cast %swap3A_251 : i32 to index
      %swap3A_253 = arith.index_cast %scan3A_205 : i32 to index
      %swap3A_254 = arith.constant 80 : index
      %swap3A_255 = tpu.vector_load %arg6[%swap3A_252, %swap3A_253, %swap3A_254] {strides = array<i32>} : memref<2x128x128xf32, #tpu.memory_space<vmem>>, vector<1x1x16xf32>,
      %swap3A_256 = vector.shape_cast %swap3A_255 : vector<1x1x16xf32> to vector<16xf32>
      %swap3A_257 = vector.shape_cast %broadcast_in_dim3A_250 : vector<16xf32> to vector<1x1x16xf32>
      tpu.vector_store %arg6[%swap3A_252, %swap3A_253, %swap3A_254], %swap3A_257 {strides = array<i32>} : memref<2x128x128xf32, #tpu.memory_space<vmem>>, vector<1x1x16xf32>,
      %broadcast_in_dim3A_258 = arith.constant 0.000000e+00 : f32
      %broadcast_in_dim3A_259 = vector.broadcast %broadcast_in_dim3A_258 : f32 to vector<16xf32>
      %swap3A_260 = arith.constant 0 : i32
      %swap3A_261 = arith.index_cast %swap3A_260 : i32 to index
      %swap3A_262 = arith.index_cast %scan3A_205 : i32 to index
      %swap3A_263 = arith.constant 96 : index
      %swap3A_264 = tpu.vector_load %arg6[%swap3A_261, %swap3A_262, %swap3A_263] {strides = array<i32>} : memref<2x128x128xf32, #tpu.memory_space<vmem>>, vector<1x1x16xf32>,
      %swap3A_265 = vector.shape_cast %swap3A_264 : vector<1x1x16xf32> to vector<16xf32>
      %swap3A_266 = vector.shape_cast %broadcast_in_dim3A_259 : vector<16xf32> to vector<1x1x16xf32>
      tpu.vector_store %arg6[%swap3A_261, %swap3A_262, %swap3A_263], %swap3A_266 {strides = array<i32>} : memref<2x128x128xf32, #tpu.memory_space<vmem>>, vector<1x1x16xf32>,
      %broadcast_in_dim3A_267 = arith.constant 0.000000e+00 : f32
      %broadcast_in_dim3A_268 = vector.broadcast %broadcast_in_dim3A_267 : f32 to vector<16xf32>
      %swap3A_269 = arith.constant 0 : i32
      %swap3A_270 = arith.index_cast %swap3A_269 : i32 to index
      %swap3A_271 = arith.index_cast %scan3A_205 : i32 to index
      %swap3A_272 = arith.constant 112 : index
      %swap3A_273 = tpu.vector_load %arg6[%swap3A_270, %swap3A_271, %swap3A_272] {strides = array<i32>} : memref<2x128x128xf32, #tpu.memory_space<vmem>>, vector<1x1x16xf32>,
      %swap3A_274 = vector.shape_cast %swap3A_273 : vector<1x1x16xf32> to vector<16xf32>
      %swap3A_275 = vector.shape_cast %broadcast_in_dim3A_268 : vector<16xf32> to vector<1x1x16xf32>
      tpu.vector_store %arg6[%swap3A_270, %swap3A_271, %swap3A_272], %swap3A_275 {strides = array<i32>} : memref<2x128x128xf32, #tpu.memory_space<vmem>>, vector<1x1x16xf32>,
    }
    %scan3A_104 = arith.constant 128 : i32
    %add3A_105 = arith.constant 0 : i32
    %add3A_106 = arith.addi %mul3A_2, %add3A_105 : i32
    %run_scoped3A = arith.constant 0 : i32
    "tpu.region"() ({
      %run_scoped3A_205 = tpu.sem_alloc : memref<!tpu.dma_semaphore, #tpu.memory_space<semaphore_mem>>
      %dma_start3A_206 = arith.constant 0 : i32
      %dma_start3A_207 = arith.constant 0 : i32
      %dma_start3A_208 = tpu.memref_slice %arg6[%run_scoped3A, %dma_start3A_206, %dma_start3A_207] : memref<2x128x128xf32, #tpu.memory_space<vmem>> -> memref<1x128x128xf32, #tpu.memory_space<vmem>>
      %dma_start3A_209 = tpu.memref_squeeze %dma_start3A_208 : memref<1x128x128xf32, #tpu.memory_space<vmem>> -> memref<128x128xf32, #tpu.memory_space<vmem>>
      %dma_start3A_210 = arith.constant 0 : i32
      %dma_start3A_211 = tpu.memref_slice %arg9[%add3A_106, %dma_start3A_210] : memref<10240x128xf32, #tpu.memory_space<vmem_shared>> -> memref<128x128xf32, #tpu.memory_space<vmem_shared>>
      %dma_start3A_212 = arith.constant 0 : i32
      %dma_start3A_213 = tpu.memref_slice %arg9[%add3A_106, %dma_start3A_212] : memref<10240x128xf32, #tpu.memory_space<vmem_shared>> -> memref<128x128xf32, #tpu.memory_space<vmem_shared>>
      %dma_start3A_214 = arith.constant 0 : i32
      %dma_start3A_215 = arith.constant 0 : i32
      %dma_start3A_216 = tpu.memref_slice %arg6[%run_scoped3A, %dma_start3A_214, %dma_start3A_215] : memref<2x128x128xf32, #tpu.memory_space<vmem>> -> memref<1x128x128xf32, #tpu.memory_space<vmem>>
      %dma_start3A_217 = tpu.memref_squeeze %dma_start3A_216 : memref<1x128x128xf32, #tpu.memory_space<vmem>> -> memref<128x128xf32, #tpu.memory_space<vmem>>
      tpu.enqueue_dma source(%dma_start3A_217 : memref<128x128xf32, #tpu.memory_space<vmem>>) target(%dma_start3A_213 : memref<128x128xf32, #tpu.memory_space<vmem_shared>>) target_semaphore(%run_scoped3A_205 : memref<!tpu.dma_semaphore, #tpu.memory_space<semaphore_mem>>)
      %dma_wait3A_218 = arith.constant 0 : i32
      %dma_wait3A_219 = arith.constant 0 : i32
      %dma_wait3A_220 = tpu.memref_slice %arg6[%run_scoped3A, %dma_wait3A_218, %dma_wait3A_219] : memref<2x128x128xf32, #tpu.memory_space<vmem>> -> memref<1x128x128xf32, #tpu.memory_space<vmem>>
      %dma_wait3A_221 = tpu.memref_squeeze %dma_wait3A_220 : memref<1x128x128xf32, #tpu.memory_space<vmem>> -> memref<128x128xf32, #tpu.memory_space<vmem>>
      %dma_wait3A_222 = arith.constant 0 : i32
      %dma_wait3A_223 = tpu.memref_slice %arg9[%add3A_106, %dma_wait3A_222] : memref<10240x128xf32, #tpu.memory_space<vmem_shared>> -> memref<128x128xf32, #tpu.memory_space<vmem_shared>>
      %dma_wait3A_224 = arith.constant 0 : i32
      %dma_wait3A_225 = tpu.memref_slice %arg9[%add3A_106, %dma_wait3A_224] : memref<10240x128xf32, #tpu.memory_space<vmem_shared>> -> memref<128x128xf32, #tpu.memory_space<vmem_shared>>
      %dma_wait3A_226 = arith.constant 0 : i32
      %dma_wait3A_227 = arith.constant 0 : i32
      %dma_wait3A_228 = tpu.memref_slice %arg6[%run_scoped3A, %dma_wait3A_226, %dma_wait3A_227] : memref<2x128x128xf32, #tpu.memory_space<vmem>> -> memref<1x128x128xf32, #tpu.memory_space<vmem>>
      %dma_wait3A_229 = tpu.memref_squeeze %dma_wait3A_228 : memref<1x128x128xf32, #tpu.memory_space<vmem>> -> memref<128x128xf32, #tpu.memory_space<vmem>>
      tpu.wait_dma2 semaphore(%run_scoped3A_205 : memref<!tpu.dma_semaphore, #tpu.memory_space<semaphore_mem>>) src(%dma_wait3A_229 : memref<128x128xf32, #tpu.memory_space<vmem>>) dst(%dma_wait3A_225 : memref<128x128xf32, #tpu.memory_space<vmem_shared>>)
      tpu.yield
    }) : () -> ()
    %add3A_107 = arith.constant 128 : i32
    %add3A_108 = arith.addi %mul3A_2, %add3A_107 : i32
    %run_scoped3A_109 = arith.constant 0 : i32
    "tpu.region"() ({
      %run_scoped3A_205 = tpu.sem_alloc : memref<!tpu.dma_semaphore, #tpu.memory_space<semaphore_mem>>
      %dma_start3A_206 = arith.constant 0 : i32
      %dma_start3A_207 = arith.constant 0 : i32
      %dma_start3A_208 = tpu.memref_slice %arg6[%run_scoped3A_109, %dma_start3A_206, %dma_start3A_207] : memref<2x128x128xf32, #tpu.memory_space<vmem>> -> memref<1x128x128xf32, #tpu.memory_space<vmem>>
      %dma_start3A_209 = tpu.memref_squeeze %dma_start3A_208 : memref<1x128x128xf32, #tpu.memory_space<vmem>> -> memref<128x128xf32, #tpu.memory_space<vmem>>
      %dma_start3A_210 = arith.constant 0 : i32
      %dma_start3A_211 = tpu.memref_slice %arg9[%add3A_108, %dma_start3A_210] : memref<10240x128xf32, #tpu.memory_space<vmem_shared>> -> memref<128x128xf32, #tpu.memory_space<vmem_shared>>
      %dma_start3A_212 = arith.constant 0 : i32
      %dma_start3A_213 = tpu.memref_slice %arg9[%add3A_108, %dma_start3A_212] : memref<10240x128xf32, #tpu.memory_space<vmem_shared>> -> memref<128x128xf32, #tpu.memory_space<vmem_shared>>
      %dma_start3A_214 = arith.constant 0 : i32
      %dma_start3A_215 = arith.constant 0 : i32
      %dma_start3A_216 = tpu.memref_slice %arg6[%run_scoped3A_109, %dma_start3A_214, %dma_start3A_215] : memref<2x128x128xf32, #tpu.memory_space<vmem>> -> memref<1x128x128xf32, #tpu.memory_space<vmem>>
      %dma_start3A_217 = tpu.memref_squeeze %dma_start3A_216 : memref<1x128x128xf32, #tpu.memory_space<vmem>> -> memref<128x128xf32, #tpu.memory_space<vmem>>
      tpu.enqueue_dma source(%dma_start3A_217 : memref<128x128xf32, #tpu.memory_space<vmem>>) target(%dma_start3A_213 : memref<128x128xf32, #tpu.memory_space<vmem_shared>>) target_semaphore(%run_scoped3A_205 : memref<!tpu.dma_semaphore, #tpu.memory_space<semaphore_mem>>)
      %dma_wait3A_218 = arith.constant 0 : i32
      %dma_wait3A_219 = arith.constant 0 : i32
      %dma_wait3A_220 = tpu.memref_slice %arg6[%run_scoped3A_109, %dma_wait3A_218, %dma_wait3A_219] : memref<2x128x128xf32, #tpu.memory_space<vmem>> -> memref<1x128x128xf32, #tpu.memory_space<vmem>>
      %dma_wait3A_221 = tpu.memref_squeeze %dma_wait3A_220 : memref<1x128x128xf32, #tpu.memory_space<vmem>> -> memref<128x128xf32, #tpu.memory_space<vmem>>
      %dma_wait3A_222 = arith.constant 0 : i32
      %dma_wait3A_223 = tpu.memref_slice %arg9[%add3A_108, %dma_wait3A_222] : memref<10240x128xf32, #tpu.memory_space<vmem_shared>> -> memref<128x128xf32, #tpu.memory_space<vmem_shared>>
      %dma_wait3A_224 = arith.constant 0 : i32
      %dma_wait3A_225 = tpu.memref_slice %arg9[%add3A_108, %dma_wait3A_224] : memref<10240x128xf32, #tpu.memory_space<vmem_shared>> -> memref<128x128xf32, #tpu.memory_space<vmem_shared>>
      %dma_wait3A_226 = arith.constant 0 : i32
      %dma_wait3A_227 = arith.constant 0 : i32
      %dma_wait3A_228 = tpu.memref_slice %arg6[%run_scoped3A_109, %dma_wait3A_226, %dma_wait3A_227] : memref<2x128x128xf32, #tpu.memory_space<vmem>> -> memref<1x128x128xf32, #tpu.memory_space<vmem>>
      %dma_wait3A_229 = tpu.memref_squeeze %dma_wait3A_228 : memref<1x128x128xf32, #tpu.memory_space<vmem>> -> memref<128x128xf32, #tpu.memory_space<vmem>>
      tpu.wait_dma2 semaphore(%run_scoped3A_205 : memref<!tpu.dma_semaphore, #tpu.memory_space<semaphore_mem>>) src(%dma_wait3A_229 : memref<128x128xf32, #tpu.memory_space<vmem>>) dst(%dma_wait3A_225 : memref<128x128xf32, #tpu.memory_space<vmem_shared>>)
      tpu.yield
    }) : () -> ()
    %add3A_110 = arith.constant 256 : i32
    %add3A_111 = arith.addi %mul3A_2, %add3A_110 : i32
    %run_scoped3A_112 = arith.constant 0 : i32
    "tpu.region"() ({
      %run_scoped3A_205 = tpu.sem_alloc : memref<!tpu.dma_semaphore, #tpu.memory_space<semaphore_mem>>
      %dma_start3A_206 = arith.constant 0 : i32
      %dma_start3A_207 = arith.constant 0 : i32
      %dma_start3A_208 = tpu.memref_slice %arg6[%run_scoped3A_112, %dma_start3A_206, %dma_start3A_207] : memref<2x128x128xf32, #tpu.memory_space<vmem>> -> memref<1x128x128xf32, #tpu.memory_space<vmem>>
      %dma_start3A_209 = tpu.memref_squeeze %dma_start3A_208 : memref<1x128x128xf32, #tpu.memory_space<vmem>> -> memref<128x128xf32, #tpu.memory_space<vmem>>
      %dma_start3A_210 = arith.constant 0 : i32
      %dma_start3A_211 = tpu.memref_slice %arg9[%add3A_111, %dma_start3A_210] : memref<10240x128xf32, #tpu.memory_space<vmem_shared>> -> memref<128x128xf32, #tpu.memory_space<vmem_shared>>
      %dma_start3A_212 = arith.constant 0 : i32
      %dma_start3A_213 = tpu.memref_slice %arg9[%add3A_111, %dma_start3A_212] : memref<10240x128xf32, #tpu.memory_space<vmem_shared>> -> memref<128x128xf32, #tpu.memory_space<vmem_shared>>
      %dma_start3A_214 = arith.constant 0 : i32
      %dma_start3A_215 = arith.constant 0 : i32
      %dma_start3A_216 = tpu.memref_slice %arg6[%run_scoped3A_112, %dma_start3A_214, %dma_start3A_215] : memref<2x128x128xf32, #tpu.memory_space<vmem>> -> memref<1x128x128xf32, #tpu.memory_space<vmem>>
      %dma_start3A_217 = tpu.memref_squeeze %dma_start3A_216 : memref<1x128x128xf32, #tpu.memory_space<vmem>> -> memref<128x128xf32, #tpu.memory_space<vmem>>
      tpu.enqueue_dma source(%dma_start3A_217 : memref<128x128xf32, #tpu.memory_space<vmem>>) target(%dma_start3A_213 : memref<128x128xf32, #tpu.memory_space<vmem_shared>>) target_semaphore(%run_scoped3A_205 : memref<!tpu.dma_semaphore, #tpu.memory_space<semaphore_mem>>)
      %dma_wait3A_218 = arith.constant 0 : i32
      %dma_wait3A_219 = arith.constant 0 : i32
      %dma_wait3A_220 = tpu.memref_slice %arg6[%run_scoped3A_112, %dma_wait3A_218, %dma_wait3A_219] : memref<2x128x128xf32, #tpu.memory_space<vmem>> -> memref<1x128x128xf32, #tpu.memory_space<vmem>>
      %dma_wait3A_221 = tpu.memref_squeeze %dma_wait3A_220 : memref<1x128x128xf32, #tpu.memory_space<vmem>> -> memref<128x128xf32, #tpu.memory_space<vmem>>
      %dma_wait3A_222 = arith.constant 0 : i32
      %dma_wait3A_223 = tpu.memref_slice %arg9[%add3A_111, %dma_wait3A_222] : memref<10240x128xf32, #tpu.memory_space<vmem_shared>> -> memref<128x128xf32, #tpu.memory_space<vmem_shared>>
      %dma_wait3A_224 = arith.constant 0 : i32
      %dma_wait3A_225 = tpu.memref_slice %arg9[%add3A_111, %dma_wait3A_224] : memref<10240x128xf32, #tpu.memory_space<vmem_shared>> -> memref<128x128xf32, #tpu.memory_space<vmem_shared>>
      %dma_wait3A_226 = arith.constant 0 : i32
      %dma_wait3A_227 = arith.constant 0 : i32
      %dma_wait3A_228 = tpu.memref_slice %arg6[%run_scoped3A_112, %dma_wait3A_226, %dma_wait3A_227] : memref<2x128x128xf32, #tpu.memory_space<vmem>> -> memref<1x128x128xf32, #tpu.memory_space<vmem>>
      %dma_wait3A_229 = tpu.memref_squeeze %dma_wait3A_228 : memref<1x128x128xf32, #tpu.memory_space<vmem>> -> memref<128x128xf32, #tpu.memory_space<vmem>>
      tpu.wait_dma2 semaphore(%run_scoped3A_205 : memref<!tpu.dma_semaphore, #tpu.memory_space<semaphore_mem>>) src(%dma_wait3A_229 : memref<128x128xf32, #tpu.memory_space<vmem>>) dst(%dma_wait3A_225 : memref<128x128xf32, #tpu.memory_space<vmem_shared>>)
      tpu.yield
    }) : () -> ()
    %add3A_113 = arith.constant 384 : i32
    %add3A_114 = arith.addi %mul3A_2, %add3A_113 : i32
    %run_scoped3A_115 = arith.constant 0 : i32
    "tpu.region"() ({
      %run_scoped3A_205 = tpu.sem_alloc : memref<!tpu.dma_semaphore, #tpu.memory_space<semaphore_mem>>
      %dma_start3A_206 = arith.constant 0 : i32
      %dma_start3A_207 = arith.constant 0 : i32
      %dma_start3A_208 = tpu.memref_slice %arg6[%run_scoped3A_115, %dma_start3A_206, %dma_start3A_207] : memref<2x128x128xf32, #tpu.memory_space<vmem>> -> memref<1x128x128xf32, #tpu.memory_space<vmem>>
      %dma_start3A_209 = tpu.memref_squeeze %dma_start3A_208 : memref<1x128x128xf32, #tpu.memory_space<vmem>> -> memref<128x128xf32, #tpu.memory_space<vmem>>
      %dma_start3A_210 = arith.constant 0 : i32
      %dma_start3A_211 = tpu.memref_slice %arg9[%add3A_114, %dma_start3A_210] : memref<10240x128xf32, #tpu.memory_space<vmem_shared>> -> memref<128x128xf32, #tpu.memory_space<vmem_shared>>
      %dma_start3A_212 = arith.constant 0 : i32
      %dma_start3A_213 = tpu.memref_slice %arg9[%add3A_114, %dma_start3A_212] : memref<10240x128xf32, #tpu.memory_space<vmem_shared>> -> memref<128x128xf32, #tpu.memory_space<vmem_shared>>
      %dma_start3A_214 = arith.constant 0 : i32
      %dma_start3A_215 = arith.constant 0 : i32
      %dma_start3A_216 = tpu.memref_slice %arg6[%run_scoped3A_115, %dma_start3A_214, %dma_start3A_215] : memref<2x128x128xf32, #tpu.memory_space<vmem>> -> memref<1x128x128xf32, #tpu.memory_space<vmem>>
      %dma_start3A_217 = tpu.memref_squeeze %dma_start3A_216 : memref<1x128x128xf32, #tpu.memory_space<vmem>> -> memref<128x128xf32, #tpu.memory_space<vmem>>
      tpu.enqueue_dma source(%dma_start3A_217 : memref<128x128xf32, #tpu.memory_space<vmem>>) target(%dma_start3A_213 : memref<128x128xf32, #tpu.memory_space<vmem_shared>>) target_semaphore(%run_scoped3A_205 : memref<!tpu.dma_semaphore, #tpu.memory_space<semaphore_mem>>)
      %dma_wait3A_218 = arith.constant 0 : i32
      %dma_wait3A_219 = arith.constant 0 : i32
      %dma_wait3A_220 = tpu.memref_slice %arg6[%run_scoped3A_115, %dma_wait3A_218, %dma_wait3A_219] : memref<2x128x128xf32, #tpu.memory_space<vmem>> -> memref<1x128x128xf32, #tpu.memory_space<vmem>>
      %dma_wait3A_221 = tpu.memref_squeeze %dma_wait3A_220 : memref<1x128x128xf32, #tpu.memory_space<vmem>> -> memref<128x128xf32, #tpu.memory_space<vmem>>
      %dma_wait3A_222 = arith.constant 0 : i32
      %dma_wait3A_223 = tpu.memref_slice %arg9[%add3A_114, %dma_wait3A_222] : memref<10240x128xf32, #tpu.memory_space<vmem_shared>> -> memref<128x128xf32, #tpu.memory_space<vmem_shared>>
      %dma_wait3A_224 = arith.constant 0 : i32
      %dma_wait3A_225 = tpu.memref_slice %arg9[%add3A_114, %dma_wait3A_224] : memref<10240x128xf32, #tpu.memory_space<vmem_shared>> -> memref<128x128xf32, #tpu.memory_space<vmem_shared>>
      %dma_wait3A_226 = arith.constant 0 : i32
      %dma_wait3A_227 = arith.constant 0 : i32
      %dma_wait3A_228 = tpu.memref_slice %arg6[%run_scoped3A_115, %dma_wait3A_226, %dma_wait3A_227] : memref<2x128x128xf32, #tpu.memory_space<vmem>> -> memref<1x128x128xf32, #tpu.memory_space<vmem>>
      %dma_wait3A_229 = tpu.memref_squeeze %dma_wait3A_228 : memref<1x128x128xf32, #tpu.memory_space<vmem>> -> memref<128x128xf32, #tpu.memory_space<vmem>>
      tpu.wait_dma2 semaphore(%run_scoped3A_205 : memref<!tpu.dma_semaphore, #tpu.memory_space<semaphore_mem>>) src(%dma_wait3A_229 : memref<128x128xf32, #tpu.memory_space<vmem>>) dst(%dma_wait3A_225 : memref<128x128xf32, #tpu.memory_space<vmem_shared>>)
      tpu.yield
    }) : () -> ()
    %add3A_116 = arith.constant 512 : i32
    %add3A_117 = arith.addi %mul3A_2, %add3A_116 : i32
    %run_scoped3A_118 = arith.constant 0 : i32
    "tpu.region"() ({
      %run_scoped3A_205 = tpu.sem_alloc : memref<!tpu.dma_semaphore, #tpu.memory_space<semaphore_mem>>
      %dma_start3A_206 = arith.constant 0 : i32
      %dma_start3A_207 = arith.constant 0 : i32
      %dma_start3A_208 = tpu.memref_slice %arg6[%run_scoped3A_118, %dma_start3A_206, %dma_start3A_207] : memref<2x128x128xf32, #tpu.memory_space<vmem>> -> memref<1x128x128xf32, #tpu.memory_space<vmem>>
      %dma_start3A_209 = tpu.memref_squeeze %dma_start3A_208 : memref<1x128x128xf32, #tpu.memory_space<vmem>> -> memref<128x128xf32, #tpu.memory_space<vmem>>
      %dma_start3A_210 = arith.constant 0 : i32
      %dma_start3A_211 = tpu.memref_slice %arg9[%add3A_117, %dma_start3A_210] : memref<10240x128xf32, #tpu.memory_space<vmem_shared>> -> memref<128x128xf32, #tpu.memory_space<vmem_shared>>
      %dma_start3A_212 = arith.constant 0 : i32
      %dma_start3A_213 = tpu.memref_slice %arg9[%add3A_117, %dma_start3A_212] : memref<10240x128xf32, #tpu.memory_space<vmem_shared>> -> memref<128x128xf32, #tpu.memory_space<vmem_shared>>
      %dma_start3A_214 = arith.constant 0 : i32
      %dma_start3A_215 = arith.constant 0 : i32
      %dma_start3A_216 = tpu.memref_slice %arg6[%run_scoped3A_118, %dma_start3A_214, %dma_start3A_215] : memref<2x128x128xf32, #tpu.memory_space<vmem>> -> memref<1x128x128xf32, #tpu.memory_space<vmem>>
      %dma_start3A_217 = tpu.memref_squeeze %dma_start3A_216 : memref<1x128x128xf32, #tpu.memory_space<vmem>> -> memref<128x128xf32, #tpu.memory_space<vmem>>
      tpu.enqueue_dma source(%dma_start3A_217 : memref<128x128xf32, #tpu.memory_space<vmem>>) target(%dma_start3A_213 : memref<128x128xf32, #tpu.memory_space<vmem_shared>>) target_semaphore(%run_scoped3A_205 : memref<!tpu.dma_semaphore, #tpu.memory_space<semaphore_mem>>)
      %dma_wait3A_218 = arith.constant 0 : i32
      %dma_wait3A_219 = arith.constant 0 : i32
      %dma_wait3A_220 = tpu.memref_slice %arg6[%run_scoped3A_118, %dma_wait3A_218, %dma_wait3A_219] : memref<2x128x128xf32, #tpu.memory_space<vmem>> -> memref<1x128x128xf32, #tpu.memory_space<vmem>>
      %dma_wait3A_221 = tpu.memref_squeeze %dma_wait3A_220 : memref<1x128x128xf32, #tpu.memory_space<vmem>> -> memref<128x128xf32, #tpu.memory_space<vmem>>
      %dma_wait3A_222 = arith.constant 0 : i32
      %dma_wait3A_223 = tpu.memref_slice %arg9[%add3A_117, %dma_wait3A_222] : memref<10240x128xf32, #tpu.memory_space<vmem_shared>> -> memref<128x128xf32, #tpu.memory_space<vmem_shared>>
      %dma_wait3A_224 = arith.constant 0 : i32
      %dma_wait3A_225 = tpu.memref_slice %arg9[%add3A_117, %dma_wait3A_224] : memref<10240x128xf32, #tpu.memory_space<vmem_shared>> -> memref<128x128xf32, #tpu.memory_space<vmem_shared>>
      %dma_wait3A_226 = arith.constant 0 : i32
      %dma_wait3A_227 = arith.constant 0 : i32
      %dma_wait3A_228 = tpu.memref_slice %arg6[%run_scoped3A_118, %dma_wait3A_226, %dma_wait3A_227] : memref<2x128x128xf32, #tpu.memory_space<vmem>> -> memref<1x128x128xf32, #tpu.memory_space<vmem>>
      %dma_wait3A_229 = tpu.memref_squeeze %dma_wait3A_228 : memref<1x128x128xf32, #tpu.memory_space<vmem>> -> memref<128x128xf32, #tpu.memory_space<vmem>>
      tpu.wait_dma2 semaphore(%run_scoped3A_205 : memref<!tpu.dma_semaphore, #tpu.memory_space<semaphore_mem>>) src(%dma_wait3A_229 : memref<128x128xf32, #tpu.memory_space<vmem>>) dst(%dma_wait3A_225 : memref<128x128xf32, #tpu.memory_space<vmem_shared>>)
      tpu.yield
    }) : () -> ()
    %mul3A_119 = arith.constant 80 : i32
    %mul3A_120 = arith.muli %add3A, %mul3A_119 : i32
    %add3A_121 = arith.constant 0 : i32
    %add3A_122 = arith.addi %mul3A_120, %add3A_121 : i32
    %dma_wait3A = arith.constant 0 : i32
    %dma_wait3A_123 = arith.constant 0 : i32
    %dma_wait3A_124 = arith.constant 0 : i32
    %dma_wait3A_125 = arith.constant 0 : i32
    %dma_wait3A_126 = tpu.memref_slice %arg7[%dma_wait3A, %dma_wait3A_124, %dma_wait3A_125] : memref<4x1x128xi32, #tpu.memory_space<vmem>> -> memref<1x1x128xi32, #tpu.memory_space<vmem>>
    %dma_wait3A_127 = tpu.memref_squeeze %dma_wait3A_126 : memref<1x1x128xi32, #tpu.memory_space<vmem>> -> memref<1x128xi32, #tpu.memory_space<vmem>>
    %dma_wait3A_128 = arith.constant 0 : i32
    %dma_wait3A_129 = arith.constant 0 : i32
    %dma_wait3A_130 = tpu.memref_slice %arg3[%add3A_122, %dma_wait3A_128, %dma_wait3A_129] : memref<2560x1x128xi32, #tpu.memory_space<hbm>> -> memref<1x1x128xi32, #tpu.memory_space<hbm>>
    %dma_wait3A_131 = tpu.memref_squeeze %dma_wait3A_130 : memref<1x1x128xi32, #tpu.memory_space<hbm>> -> memref<1x128xi32, #tpu.memory_space<hbm>>
    %dma_wait3A_132 = tpu.memref_slice %arg11[%dma_wait3A_123] : memref<4x!tpu.dma_semaphore, #tpu.memory_space<semaphore_mem>> -> memref<1x!tpu.dma_semaphore, #tpu.memory_space<semaphore_mem>>
    %dma_wait3A_133 = tpu.memref_squeeze %dma_wait3A_132 : memref<1x!tpu.dma_semaphore, #tpu.memory_space<semaphore_mem>> -> memref<!tpu.dma_semaphore, #tpu.memory_space<semaphore_mem>>
    %dma_wait3A_134 = arith.constant 0 : i32
    %dma_wait3A_135 = arith.constant 0 : i32
    %dma_wait3A_136 = tpu.memref_slice %arg7[%dma_wait3A, %dma_wait3A_134, %dma_wait3A_135] : memref<4x1x128xi32, #tpu.memory_space<vmem>> -> memref<1x1x128xi32, #tpu.memory_space<vmem>>
    %dma_wait3A_137 = tpu.memref_squeeze %dma_wait3A_136 : memref<1x1x128xi32, #tpu.memory_space<vmem>> -> memref<1x128xi32, #tpu.memory_space<vmem>>
    %dma_wait3A_138 = arith.constant 0 : i32
    %dma_wait3A_139 = arith.constant 0 : i32
    %dma_wait3A_140 = tpu.memref_slice %arg3[%add3A_122, %dma_wait3A_138, %dma_wait3A_139] : memref<2560x1x128xi32, #tpu.memory_space<hbm>> -> memref<1x1x128xi32, #tpu.memory_space<hbm>>
    %dma_wait3A_141 = tpu.memref_squeeze %dma_wait3A_140 : memref<1x1x128xi32, #tpu.memory_space<hbm>> -> memref<1x128xi32, #tpu.memory_space<hbm>>
    tpu.wait_dma2 semaphore(%dma_wait3A_133 : memref<!tpu.dma_semaphore, #tpu.memory_space<semaphore_mem>>) src(%dma_wait3A_141 : memref<1x128xi32, #tpu.memory_space<hbm>>) dst(%dma_wait3A_137 : memref<1x128xi32, #tpu.memory_space<vmem>>)
    %dma_start3A_142 = arith.constant 0 : i32
    %dma_start3A_143 = arith.constant 0 : i32
    %dma_start3A_144 = arith.constant 0 : i32
    %dma_start3A_145 = arith.constant 0 : i32
    %dma_start3A_146 = arith.constant 0 : i32
    %dma_start3A_147 = arith.constant 0 : i32
    %dma_start3A_148 = tpu.memref_slice %arg6[%dma_start3A_144, %dma_start3A_146, %dma_start3A_147] : memref<2x128x128xf32, #tpu.memory_space<vmem>> -> memref<1x128x128xf32, #tpu.memory_space<vmem>>
    %dma_start3A_149 = tpu.memref_squeeze %dma_start3A_148 : memref<1x128x128xf32, #tpu.memory_space<vmem>> -> memref<128x128xf32, #tpu.memory_space<vmem>>
    %dma_start3A_150 = arith.constant 0 : i32
    %dma_start3A_151 = tpu.memref_slice %arg7[%dma_start3A_142, %dma_start3A_143, %dma_start3A_150] : memref<4x1x128xi32, #tpu.memory_space<vmem>> -> memref<1x1x128xi32, #tpu.memory_space<vmem>>
    %dma_start3A_152 = tpu.memref_squeeze %dma_start3A_151 : memref<1x1x128xi32, #tpu.memory_space<vmem>> -> memref<128xi32, #tpu.memory_space<vmem>>
    %dma_start3A_153 = arith.constant 0 : i32
    %dma_start3A_154 = arith.constant 0 : i32
    %dma_start3A_155 = tpu.memref_slice %arg2[%dma_start3A_153, %dma_start3A_154] : memref<10240x128xf32, #tpu.memory_space<hbm>> -> memref<10240x128xf32, #tpu.memory_space<hbm>>
    %dma_start3A_156 = tpu.memref_slice %arg10[%dma_start3A_145] : memref<2x!tpu.dma_semaphore, #tpu.memory_space<semaphore_mem>> -> memref<1x!tpu.dma_semaphore, #tpu.memory_space<semaphore_mem>>
    %dma_start3A_157 = tpu.memref_squeeze %dma_start3A_156 : memref<1x!tpu.dma_semaphore, #tpu.memory_space<semaphore_mem>> -> memref<!tpu.dma_semaphore, #tpu.memory_space<semaphore_mem>>
    tpu.enqueue_indirect_dma source(%dma_start3A_155 : memref<10240x128xf32, #tpu.memory_space<hbm>>) target(%dma_start3A_149 : memref<128x128xf32, #tpu.memory_space<vmem>>) offsets(%dma_start3A_152 : memref<128xi32, #tpu.memory_space<vmem>>) semaphore(%dma_start3A_157 : memref<!tpu.dma_semaphore, #tpu.memory_space<semaphore_mem>>)
    %mul3A_158 = arith.constant 80 : i32
    %mul3A_159 = arith.muli %add3A, %mul3A_158 : i32
    %add3A_160 = arith.constant 1 : i32
    %add3A_161 = arith.addi %mul3A_159, %add3A_160 : i32
    %dma_wait3A_162 = arith.constant 1 : i32
    %dma_wait3A_163 = arith.constant 1 : i32
    %dma_wait3A_164 = arith.constant 0 : i32
    %dma_wait3A_165 = arith.constant 0 : i32
    %dma_wait3A_166 = tpu.memref_slice %arg7[%dma_wait3A_162, %dma_wait3A_164, %dma_wait3A_165] : memref<4x1x128xi32, #tpu.memory_space<vmem>> -> memref<1x1x128xi32, #tpu.memory_space<vmem>>
    %dma_wait3A_167 = tpu.memref_squeeze %dma_wait3A_166 : memref<1x1x128xi32, #tpu.memory_space<vmem>> -> memref<1x128xi32, #tpu.memory_space<vmem>>
    %dma_wait3A_168 = arith.constant 0 : i32
    %dma_wait3A_169 = arith.constant 0 : i32
    %dma_wait3A_170 = tpu.memref_slice %arg3[%add3A_161, %dma_wait3A_168, %dma_wait3A_169] : memref<2560x1x128xi32, #tpu.memory_space<hbm>> -> memref<1x1x128xi32, #tpu.memory_space<hbm>>
    %dma_wait3A_171 = tpu.memref_squeeze %dma_wait3A_170 : memref<1x1x128xi32, #tpu.memory_space<hbm>> -> memref<1x128xi32, #tpu.memory_space<hbm>>
    %dma_wait3A_172 = tpu.memref_slice %arg11[%dma_wait3A_163] : memref<4x!tpu.dma_semaphore, #tpu.memory_space<semaphore_mem>> -> memref<1x!tpu.dma_semaphore, #tpu.memory_space<semaphore_mem>>
    %dma_wait3A_173 = tpu.memref_squeeze %dma_wait3A_172 : memref<1x!tpu.dma_semaphore, #tpu.memory_space<semaphore_mem>> -> memref<!tpu.dma_semaphore, #tpu.memory_space<semaphore_mem>>
    %dma_wait3A_174 = arith.constant 0 : i32
    %dma_wait3A_175 = arith.constant 0 : i32
    %dma_wait3A_176 = tpu.memref_slice %arg7[%dma_wait3A_162, %dma_wait3A_174, %dma_wait3A_175] : memref<4x1x128xi32, #tpu.memory_space<vmem>> -> memref<1x1x128xi32, #tpu.memory_space<vmem>>
    %dma_wait3A_177 = tpu.memref_squeeze %dma_wait3A_176 : memref<1x1x128xi32, #tpu.memory_space<vmem>> -> memref<1x128xi32, #tpu.memory_space<vmem>>
    %dma_wait3A_178 = arith.constant 0 : i32
    %dma_wait3A_179 = arith.constant 0 : i32
    %dma_wait3A_180 = tpu.memref_slice %arg3[%add3A_161, %dma_wait3A_178, %dma_wait3A_179] : memref<2560x1x128xi32, #tpu.memory_space<hbm>> -> memref<1x1x128xi32, #tpu.memory_space<hbm>>
    %dma_wait3A_181 = tpu.memref_squeeze %dma_wait3A_180 : memref<1x1x128xi32, #tpu.memory_space<hbm>> -> memref<1x128xi32, #tpu.memory_space<hbm>>
    tpu.wait_dma2 semaphore(%dma_wait3A_173 : memref<!tpu.dma_semaphore, #tpu.memory_space<semaphore_mem>>) src(%dma_wait3A_181 : memref<1x128xi32, #tpu.memory_space<hbm>>) dst(%dma_wait3A_177 : memref<1x128xi32, #tpu.memory_space<vmem>>)
    %dma_start3A_182 = arith.constant 1 : i32
    %dma_start3A_183 = arith.constant 0 : i32
    %dma_start3A_184 = arith.constant 1 : i32
    %dma_start3A_185 = arith.constant 1 : i32
    %dma_start3A_186 = arith.constant 0 : i32
    %dma_start3A_187 = arith.constant 0 : i32
    %dma_start3A_188 = tpu.memref_slice %arg6[%dma_start3A_184, %dma_start3A_186, %dma_start3A_187] : memref<2x128x128xf32, #tpu.memory_space<vmem>> -> memref<1x128x128xf32, #tpu.memory_space<vmem>>
    %dma_start3A_189 = tpu.memref_squeeze %dma_start3A_188 : memref<1x128x128xf32, #tpu.memory_space<vmem>> -> memref<128x128xf32, #tpu.memory_space<vmem>>
    %dma_start3A_190 = arith.constant 0 : i32
    %dma_start3A_191 = tpu.memref_slice %arg7[%dma_start3A_182, %dma_start3A_183, %dma_start3A_190] : memref<4x1x128xi32, #tpu.memory_space<vmem>> -> memref<1x1x128xi32, #tpu.memory_space<vmem>>
    %dma_start3A_192 = tpu.memref_squeeze %dma_start3A_191 : memref<1x1x128xi32, #tpu.memory_space<vmem>> -> memref<128xi32, #tpu.memory_space<vmem>>
    %dma_start3A_193 = arith.constant 0 : i32
    %dma_start3A_194 = arith.constant 0 : i32
    %dma_start3A_195 = tpu.memref_slice %arg2[%dma_start3A_193, %dma_start3A_194] : memref<10240x128xf32, #tpu.memory_space<hbm>> -> memref<10240x128xf32, #tpu.memory_space<hbm>>
    %dma_start3A_196 = tpu.memref_slice %arg10[%dma_start3A_185] : memref<2x!tpu.dma_semaphore, #tpu.memory_space<semaphore_mem>> -> memref<1x!tpu.dma_semaphore, #tpu.memory_space<semaphore_mem>>
    %dma_start3A_197 = tpu.memref_squeeze %dma_start3A_196 : memref<1x!tpu.dma_semaphore, #tpu.memory_space<semaphore_mem>> -> memref<!tpu.dma_semaphore, #tpu.memory_space<semaphore_mem>>
    tpu.enqueue_indirect_dma source(%dma_start3A_195 : memref<10240x128xf32, #tpu.memory_space<hbm>>) target(%dma_start3A_189 : memref<128x128xf32, #tpu.memory_space<vmem>>) offsets(%dma_start3A_192 : memref<128xi32, #tpu.memory_space<vmem>>) semaphore(%dma_start3A_197 : memref<!tpu.dma_semaphore, #tpu.memory_space<semaphore_mem>>)
    %barrier3A = arith.constant 0 : index
    tpu.barrier barrier_id(%barrier3A)
    %scan3A_198 = arith.constant 0 : i32
    %scan3A_199 = arith.constant 0 : i32
    %scan3A_200 = arith.constant 20 : i32
    %scan3A_201 = arith.addi %scan3A_199, %scan3A_200 : i32
    %scan3A_202 = arith.constant 1 : i32
    scf.for %scan3A_205 = %scan3A_199 to %scan3A_201 step %scan3A_202  : i32 {
      %mul3A_206 = arith.constant 4 : i32
      %mul3A_207 = arith.muli %scan3A_205, %mul3A_206 : i32
      %add3A_208 = arith.constant 0 : i32
      %add3A_209 = arith.addi %mul3A_207, %add3A_208 : i32
      %dma_wait3A_210 = arith.constant 0 : i32
      %dma_wait3A_211 = arith.constant 0 : i32
      %dma_wait3A_212 = arith.constant 0 : i32
      %dma_wait3A_213 = arith.constant 0 : i32
      %dma_wait3A_214 = arith.constant 0 : i32
      %dma_wait3A_215 = arith.constant 0 : i32
      %dma_wait3A_216 = tpu.memref_slice %arg6[%dma_wait3A_212, %dma_wait3A_214, %dma_wait3A_215] : memref<2x128x128xf32, #tpu.memory_space<vmem>> -> memref<1x128x128xf32, #tpu.memory_space<vmem>>
      %dma_wait3A_217 = tpu.memref_squeeze %dma_wait3A_216 : memref<1x128x128xf32, #tpu.memory_space<vmem>> -> memref<128x128xf32, #tpu.memory_space<vmem>>
      %dma_wait3A_218 = arith.constant 0 : i32
      %dma_wait3A_219 = tpu.memref_slice %arg7[%dma_wait3A_210, %dma_wait3A_211, %dma_wait3A_218] : memref<4x1x128xi32, #tpu.memory_space<vmem>> -> memref<1x1x128xi32, #tpu.memory_space<vmem>>
      %dma_wait3A_220 = tpu.memref_squeeze %dma_wait3A_219 : memref<1x1x128xi32, #tpu.memory_space<vmem>> -> memref<128xi32, #tpu.memory_space<vmem>>
      %dma_wait3A_221 = arith.constant 0 : i32
      %dma_wait3A_222 = arith.constant 0 : i32
      %dma_wait3A_223 = tpu.memref_slice %arg2[%dma_wait3A_221, %dma_wait3A_222] : memref<10240x128xf32, #tpu.memory_space<hbm>> -> memref<10240x128xf32, #tpu.memory_space<hbm>>
      %dma_wait3A_224 = tpu.memref_slice %arg10[%dma_wait3A_213] : memref<2x!tpu.dma_semaphore, #tpu.memory_space<semaphore_mem>> -> memref<1x!tpu.dma_semaphore, #tpu.memory_space<semaphore_mem>>
      %dma_wait3A_225 = tpu.memref_squeeze %dma_wait3A_224 : memref<1x!tpu.dma_semaphore, #tpu.memory_space<semaphore_mem>> -> memref<!tpu.dma_semaphore, #tpu.memory_space<semaphore_mem>>
      tpu.wait_indirect_dma semaphore(%dma_wait3A_225 : memref<!tpu.dma_semaphore, #tpu.memory_space<semaphore_mem>>) src(%dma_wait3A_223 : memref<10240x128xf32, #tpu.memory_space<hbm>>) dst(%dma_wait3A_217 : memref<128x128xf32, #tpu.memory_space<vmem>>)
      %run_scoped3A_226 = arith.constant 0 : i32
      "tpu.region"() ({
        %run_scoped3A_343 = tpu.sem_alloc : memref<!tpu.dma_semaphore, #tpu.memory_space<semaphore_mem>>
        %dma_start3A_344 = arith.constant 0 : i32
        %dma_start3A_345 = arith.constant 0 : i32
        %dma_start3A_346 = tpu.memref_slice %arg6[%run_scoped3A_226, %dma_start3A_344, %dma_start3A_345] : memref<2x128x128xf32, #tpu.memory_space<vmem>> -> memref<1x128x128xf32, #tpu.memory_space<vmem>>
        %dma_start3A_347 = tpu.memref_squeeze %dma_start3A_346 : memref<1x128x128xf32, #tpu.memory_space<vmem>> -> memref<128x128xf32, #tpu.memory_space<vmem>>
        %dma_start3A_348 = arith.constant 0 : i32
        %dma_start3A_349 = tpu.memref_slice %arg8[%add3A_209, %dma_start3A_348] : memref<80x128xi32, #tpu.memory_space<vmem>> -> memref<1x128xi32, #tpu.memory_space<vmem>>
        %dma_start3A_350 = tpu.memref_squeeze %dma_start3A_349 : memref<1x128xi32, #tpu.memory_space<vmem>> -> memref<128xi32, #tpu.memory_space<vmem>>
        %dma_start3A_351 = arith.constant 0 : i32
        %dma_start3A_352 = arith.constant 0 : i32
        %dma_start3A_353 = tpu.memref_slice %arg9[%dma_start3A_351, %dma_start3A_352] : memref<10240x128xf32, #tpu.memory_space<vmem_shared>> -> memref<10240x128xf32, #tpu.memory_space<vmem_shared>>
        tpu.enqueue_indirect_dma source(%dma_start3A_347 : memref<128x128xf32, #tpu.memory_space<vmem>>) target(%dma_start3A_353 : memref<10240x128xf32, #tpu.memory_space<vmem_shared>>) offsets(%dma_start3A_350 : memref<128xi32, #tpu.memory_space<vmem>>) semaphore(%run_scoped3A_343 : memref<!tpu.dma_semaphore, #tpu.memory_space<semaphore_mem>>) {add = true}
        %dma_wait3A_354 = arith.constant 0 : i32
        %dma_wait3A_355 = arith.constant 0 : i32
        %dma_wait3A_356 = tpu.memref_slice %arg6[%run_scoped3A_226, %dma_wait3A_354, %dma_wait3A_355] : memref<2x128x128xf32, #tpu.memory_space<vmem>> -> memref<1x128x128xf32, #tpu.memory_space<vmem>>
        %dma_wait3A_357 = tpu.memref_squeeze %dma_wait3A_356 : memref<1x128x128xf32, #tpu.memory_space<vmem>> -> memref<128x128xf32, #tpu.memory_space<vmem>>
        %dma_wait3A_358 = arith.constant 0 : i32
        %dma_wait3A_359 = tpu.memref_slice %arg8[%add3A_209, %dma_wait3A_358] : memref<80x128xi32, #tpu.memory_space<vmem>> -> memref<1x128xi32, #tpu.memory_space<vmem>>
        %dma_wait3A_360 = tpu.memref_squeeze %dma_wait3A_359 : memref<1x128xi32, #tpu.memory_space<vmem>> -> memref<128xi32, #tpu.memory_space<vmem>>
        %dma_wait3A_361 = arith.constant 0 : i32
        %dma_wait3A_362 = arith.constant 0 : i32
        %dma_wait3A_363 = tpu.memref_slice %arg9[%dma_wait3A_361, %dma_wait3A_362] : memref<10240x128xf32, #tpu.memory_space<vmem_shared>> -> memref<10240x128xf32, #tpu.memory_space<vmem_shared>>
        tpu.wait_indirect_dma semaphore(%run_scoped3A_343 : memref<!tpu.dma_semaphore, #tpu.memory_space<semaphore_mem>>) src(%dma_wait3A_357 : memref<128x128xf32, #tpu.memory_space<vmem>>) dst(%dma_wait3A_363 : memref<10240x128xf32, #tpu.memory_space<vmem_shared>>)
        tpu.yield
      }) : () -> ()
      %add3A_227 = arith.constant 4 : i32
      %add3A_228 = arith.addi %add3A_209, %add3A_227 : i32
      %lt3A = arith.constant 80 : i32
      %lt3A_229 = arith.cmpi slt, %add3A_228, %lt3A : i32
      %convert_element_type3A = arith.extui %lt3A_229 : i1 to i32
      %cond3A = arith.constant 0 : i32
      %cond3A_230 = arith.cmpi ne, %convert_element_type3A, %cond3A : i32
      scf.if %cond3A_230 {
        %mul3A_343 = arith.constant 80 : i32
        %mul3A_344 = arith.muli %add3A, %mul3A_343 : i32
        %add3A_345 = arith.addi %mul3A_344, %add3A_209 : i32
        %add3A_346 = arith.constant 4 : i32
        %add3A_347 = arith.addi %add3A_345, %add3A_346 : i32
        %dma_start3A_348 = arith.constant 0 : i32
        %dma_start3A_349 = arith.constant 0 : i32
        %dma_start3A_350 = arith.constant 0 : i32
        %dma_start3A_351 = arith.constant 0 : i32
        %dma_start3A_352 = tpu.memref_slice %arg7[%dma_start3A_348, %dma_start3A_350, %dma_start3A_351] : memref<4x1x128xi32, #tpu.memory_space<vmem>> -> memref<1x1x128xi32, #tpu.memory_space<vmem>>
        %dma_start3A_353 = tpu.memref_squeeze %dma_start3A_352 : memref<1x1x128xi32, #tpu.memory_space<vmem>> -> memref<1x128xi32, #tpu.memory_space<vmem>>
        %dma_start3A_354 = arith.constant 0 : i32
        %dma_start3A_355 = arith.constant 0 : i32
        %dma_start3A_356 = tpu.memref_slice %arg3[%add3A_347, %dma_start3A_354, %dma_start3A_355] : memref<2560x1x128xi32, #tpu.memory_space<hbm>> -> memref<1x1x128xi32, #tpu.memory_space<hbm>>
        %dma_start3A_357 = tpu.memref_squeeze %dma_start3A_356 : memref<1x1x128xi32, #tpu.memory_space<hbm>> -> memref<1x128xi32, #tpu.memory_space<hbm>>
        %dma_start3A_358 = tpu.memref_slice %arg11[%dma_start3A_349] : memref<4x!tpu.dma_semaphore, #tpu.memory_space<semaphore_mem>> -> memref<1x!tpu.dma_semaphore, #tpu.memory_space<semaphore_mem>>
        %dma_start3A_359 = tpu.memref_squeeze %dma_start3A_358 : memref<1x!tpu.dma_semaphore, #tpu.memory_space<semaphore_mem>> -> memref<!tpu.dma_semaphore, #tpu.memory_space<semaphore_mem>>
        %dma_start3A_360 = arith.constant 0 : i32
        %dma_start3A_361 = arith.constant 0 : i32
        %dma_start3A_362 = tpu.memref_slice %arg7[%dma_start3A_348, %dma_start3A_360, %dma_start3A_361] : memref<4x1x128xi32, #tpu.memory_space<vmem>> -> memref<1x1x128xi32, #tpu.memory_space<vmem>>
        %dma_start3A_363 = tpu.memref_squeeze %dma_start3A_362 : memref<1x1x128xi32, #tpu.memory_space<vmem>> -> memref<1x128xi32, #tpu.memory_space<vmem>>
        %dma_start3A_364 = arith.constant 0 : i32
        %dma_start3A_365 = arith.constant 0 : i32
        %dma_start3A_366 = tpu.memref_slice %arg3[%add3A_347, %dma_start3A_364, %dma_start3A_365] : memref<2560x1x128xi32, #tpu.memory_space<hbm>> -> memref<1x1x128xi32, #tpu.memory_space<hbm>>
        %dma_start3A_367 = tpu.memref_squeeze %dma_start3A_366 : memref<1x1x128xi32, #tpu.memory_space<hbm>> -> memref<1x128xi32, #tpu.memory_space<hbm>>
        tpu.enqueue_dma source(%dma_start3A_367 : memref<1x128xi32, #tpu.memory_space<hbm>>) target(%dma_start3A_363 : memref<1x128xi32, #tpu.memory_space<vmem>>) target_semaphore(%dma_start3A_359 : memref<!tpu.dma_semaphore, #tpu.memory_space<semaphore_mem>>)
      } else {
      }
      %add3A_231 = arith.constant 2 : i32
      %add3A_232 = arith.addi %add3A_209, %add3A_231 : i32
      %lt3A_233 = arith.constant 80 : i32
      %lt3A_234 = arith.cmpi slt, %add3A_232, %lt3A_233 : i32
      %convert_element_type3A_235 = arith.extui %lt3A_234 : i1 to i32
      %cond3A_236 = arith.constant 0 : i32
      %cond3A_237 = arith.cmpi ne, %convert_element_type3A_235, %cond3A_236 : i32
      scf.if %cond3A_237 {
        %mul3A_343 = arith.constant 80 : i32
        %mul3A_344 = arith.muli %add3A, %mul3A_343 : i32
        %add3A_345 = arith.addi %mul3A_344, %add3A_209 : i32
        %add3A_346 = arith.constant 2 : i32
        %add3A_347 = arith.addi %add3A_345, %add3A_346 : i32
        %dma_wait3A_348 = arith.constant 2 : i32
        %dma_wait3A_349 = arith.constant 2 : i32
        %dma_wait3A_350 = arith.constant 0 : i32
        %dma_wait3A_351 = arith.constant 0 : i32
        %dma_wait3A_352 = tpu.memref_slice %arg7[%dma_wait3A_348, %dma_wait3A_350, %dma_wait3A_351] : memref<4x1x128xi32, #tpu.memory_space<vmem>> -> memref<1x1x128xi32, #tpu.memory_space<vmem>>
        %dma_wait3A_353 = tpu.memref_squeeze %dma_wait3A_352 : memref<1x1x128xi32, #tpu.memory_space<vmem>> -> memref<1x128xi32, #tpu.memory_space<vmem>>
        %dma_wait3A_354 = arith.constant 0 : i32
        %dma_wait3A_355 = arith.constant 0 : i32
        %dma_wait3A_356 = tpu.memref_slice %arg3[%add3A_347, %dma_wait3A_354, %dma_wait3A_355] : memref<2560x1x128xi32, #tpu.memory_space<hbm>> -> memref<1x1x128xi32, #tpu.memory_space<hbm>>
        %dma_wait3A_357 = tpu.memref_squeeze %dma_wait3A_356 : memref<1x1x128xi32, #tpu.memory_space<hbm>> -> memref<1x128xi32, #tpu.memory_space<hbm>>
        %dma_wait3A_358 = tpu.memref_slice %arg11[%dma_wait3A_349] : memref<4x!tpu.dma_semaphore, #tpu.memory_space<semaphore_mem>> -> memref<1x!tpu.dma_semaphore, #tpu.memory_space<semaphore_mem>>
        %dma_wait3A_359 = tpu.memref_squeeze %dma_wait3A_358 : memref<1x!tpu.dma_semaphore, #tpu.memory_space<semaphore_mem>> -> memref<!tpu.dma_semaphore, #tpu.memory_space<semaphore_mem>>
        %dma_wait3A_360 = arith.constant 0 : i32
        %dma_wait3A_361 = arith.constant 0 : i32
        %dma_wait3A_362 = tpu.memref_slice %arg7[%dma_wait3A_348, %dma_wait3A_360, %dma_wait3A_361] : memref<4x1x128xi32, #tpu.memory_space<vmem>> -> memref<1x1x128xi32, #tpu.memory_space<vmem>>
        %dma_wait3A_363 = tpu.memref_squeeze %dma_wait3A_362 : memref<1x1x128xi32, #tpu.memory_space<vmem>> -> memref<1x128xi32, #tpu.memory_space<vmem>>
        %dma_wait3A_364 = arith.constant 0 : i32
        %dma_wait3A_365 = arith.constant 0 : i32
        %dma_wait3A_366 = tpu.memref_slice %arg3[%add3A_347, %dma_wait3A_364, %dma_wait3A_365] : memref<2560x1x128xi32, #tpu.memory_space<hbm>> -> memref<1x1x128xi32, #tpu.memory_space<hbm>>
        %dma_wait3A_367 = tpu.memref_squeeze %dma_wait3A_366 : memref<1x1x128xi32, #tpu.memory_space<hbm>> -> memref<1x128xi32, #tpu.memory_space<hbm>>
        tpu.wait_dma2 semaphore(%dma_wait3A_359 : memref<!tpu.dma_semaphore, #tpu.memory_space<semaphore_mem>>) src(%dma_wait3A_367 : memref<1x128xi32, #tpu.memory_space<hbm>>) dst(%dma_wait3A_363 : memref<1x128xi32, #tpu.memory_space<vmem>>)
        %dma_start3A_368 = arith.constant 2 : i32
        %dma_start3A_369 = arith.constant 0 : i32
        %dma_start3A_370 = arith.constant 0 : i32
        %dma_start3A_371 = arith.constant 0 : i32
        %dma_start3A_372 = arith.constant 0 : i32
        %dma_start3A_373 = arith.constant 0 : i32
        %dma_start3A_374 = tpu.memref_slice %arg6[%dma_start3A_370, %dma_start3A_372, %dma_start3A_373] : memref<2x128x128xf32, #tpu.memory_space<vmem>> -> memref<1x128x128xf32, #tpu.memory_space<vmem>>
        %dma_start3A_375 = tpu.memref_squeeze %dma_start3A_374 : memref<1x128x128xf32, #tpu.memory_space<vmem>> -> memref<128x128xf32, #tpu.memory_space<vmem>>
        %dma_start3A_376 = arith.constant 0 : i32
        %dma_start3A_377 = tpu.memref_slice %arg7[%dma_start3A_368, %dma_start3A_369, %dma_start3A_376] : memref<4x1x128xi32, #tpu.memory_space<vmem>> -> memref<1x1x128xi32, #tpu.memory_space<vmem>>
        %dma_start3A_378 = tpu.memref_squeeze %dma_start3A_377 : memref<1x1x128xi32, #tpu.memory_space<vmem>> -> memref<128xi32, #tpu.memory_space<vmem>>
        %dma_start3A_379 = arith.constant 0 : i32
        %dma_start3A_380 = arith.constant 0 : i32
        %dma_start3A_381 = tpu.memref_slice %arg2[%dma_start3A_379, %dma_start3A_380] : memref<10240x128xf32, #tpu.memory_space<hbm>> -> memref<10240x128xf32, #tpu.memory_space<hbm>>
        %dma_start3A_382 = tpu.memref_slice %arg10[%dma_start3A_371] : memref<2x!tpu.dma_semaphore, #tpu.memory_space<semaphore_mem>> -> memref<1x!tpu.dma_semaphore, #tpu.memory_space<semaphore_mem>>
        %dma_start3A_383 = tpu.memref_squeeze %dma_start3A_382 : memref<1x!tpu.dma_semaphore, #tpu.memory_space<semaphore_mem>> -> memref<!tpu.dma_semaphore, #tpu.memory_space<semaphore_mem>>
        tpu.enqueue_indirect_dma source(%dma_start3A_381 : memref<10240x128xf32, #tpu.memory_space<hbm>>) target(%dma_start3A_375 : memref<128x128xf32, #tpu.memory_space<vmem>>) offsets(%dma_start3A_378 : memref<128xi32, #tpu.memory_space<vmem>>) semaphore(%dma_start3A_383 : memref<!tpu.dma_semaphore, #tpu.memory_space<semaphore_mem>>)
      } else {
      }
      %mul3A_238 = arith.constant 4 : i32
      %mul3A_239 = arith.muli %scan3A_205, %mul3A_238 : i32
      %add3A_240 = arith.constant 1 : i32
      %add3A_241 = arith.addi %mul3A_239, %add3A_240 : i32
      %dma_wait3A_242 = arith.constant 1 : i32
      %dma_wait3A_243 = arith.constant 0 : i32
      %dma_wait3A_244 = arith.constant 1 : i32
      %dma_wait3A_245 = arith.constant 1 : i32
      %dma_wait3A_246 = arith.constant 0 : i32
      %dma_wait3A_247 = arith.constant 0 : i32
      %dma_wait3A_248 = tpu.memref_slice %arg6[%dma_wait3A_244, %dma_wait3A_246, %dma_wait3A_247] : memref<2x128x128xf32, #tpu.memory_space<vmem>> -> memref<1x128x128xf32, #tpu.memory_space<vmem>>
      %dma_wait3A_249 = tpu.memref_squeeze %dma_wait3A_248 : memref<1x128x128xf32, #tpu.memory_space<vmem>> -> memref<128x128xf32, #tpu.memory_space<vmem>>
      %dma_wait3A_250 = arith.constant 0 : i32
      %dma_wait3A_251 = tpu.memref_slice %arg7[%dma_wait3A_242, %dma_wait3A_243, %dma_wait3A_250] : memref<4x1x128xi32, #tpu.memory_space<vmem>> -> memref<1x1x128xi32, #tpu.memory_space<vmem>>
      %dma_wait3A_252 = tpu.memref_squeeze %dma_wait3A_251 : memref<1x1x128xi32, #tpu.memory_space<vmem>> -> memref<128xi32, #tpu.memory_space<vmem>>
      %dma_wait3A_253 = arith.constant 0 : i32
      %dma_wait3A_254 = arith.constant 0 : i32
      %dma_wait3A_255 = tpu.memref_slice %arg2[%dma_wait3A_253, %dma_wait3A_254] : memref<10240x128xf32, #tpu.memory_space<hbm>> -> memref<10240x128xf32, #tpu.memory_space<hbm>>
      %dma_wait3A_256 = tpu.memref_slice %arg10[%dma_wait3A_245] : memref<2x!tpu.dma_semaphore, #tpu.memory_space<semaphore_mem>> -> memref<1x!tpu.dma_semaphore, #tpu.memory_space<semaphore_mem>>
      %dma_wait3A_257 = tpu.memref_squeeze %dma_wait3A_256 : memref<1x!tpu.dma_semaphore, #tpu.memory_space<semaphore_mem>> -> memref<!tpu.dma_semaphore, #tpu.memory_space<semaphore_mem>>
      tpu.wait_indirect_dma semaphore(%dma_wait3A_257 : memref<!tpu.dma_semaphore, #tpu.memory_space<semaphore_mem>>) src(%dma_wait3A_255 : memref<10240x128xf32, #tpu.memory_space<hbm>>) dst(%dma_wait3A_249 : memref<128x128xf32, #tpu.memory_space<vmem>>)
      %run_scoped3A_258 = arith.constant 1 : i32
      "tpu.region"() ({
        %run_scoped3A_343 = tpu.sem_alloc : memref<!tpu.dma_semaphore, #tpu.memory_space<semaphore_mem>>
        %dma_start3A_344 = arith.constant 0 : i32
        %dma_start3A_345 = arith.constant 0 : i32
        %dma_start3A_346 = tpu.memref_slice %arg6[%run_scoped3A_258, %dma_start3A_344, %dma_start3A_345] : memref<2x128x128xf32, #tpu.memory_space<vmem>> -> memref<1x128x128xf32, #tpu.memory_space<vmem>>
        %dma_start3A_347 = tpu.memref_squeeze %dma_start3A_346 : memref<1x128x128xf32, #tpu.memory_space<vmem>> -> memref<128x128xf32, #tpu.memory_space<vmem>>
        %dma_start3A_348 = arith.constant 0 : i32
        %dma_start3A_349 = tpu.memref_slice %arg8[%add3A_241, %dma_start3A_348] : memref<80x128xi32, #tpu.memory_space<vmem>> -> memref<1x128xi32, #tpu.memory_space<vmem>>
        %dma_start3A_350 = tpu.memref_squeeze %dma_start3A_349 : memref<1x128xi32, #tpu.memory_space<vmem>> -> memref<128xi32, #tpu.memory_space<vmem>>
        %dma_start3A_351 = arith.constant 0 : i32
        %dma_start3A_352 = arith.constant 0 : i32
        %dma_start3A_353 = tpu.memref_slice %arg9[%dma_start3A_351, %dma_start3A_352] : memref<10240x128xf32, #tpu.memory_space<vmem_shared>> -> memref<10240x128xf32, #tpu.memory_space<vmem_shared>>
        tpu.enqueue_indirect_dma source(%dma_start3A_347 : memref<128x128xf32, #tpu.memory_space<vmem>>) target(%dma_start3A_353 : memref<10240x128xf32, #tpu.memory_space<vmem_shared>>) offsets(%dma_start3A_350 : memref<128xi32, #tpu.memory_space<vmem>>) semaphore(%run_scoped3A_343 : memref<!tpu.dma_semaphore, #tpu.memory_space<semaphore_mem>>) {add = true}
        %dma_wait3A_354 = arith.constant 0 : i32
        %dma_wait3A_355 = arith.constant 0 : i32
        %dma_wait3A_356 = tpu.memref_slice %arg6[%run_scoped3A_258, %dma_wait3A_354, %dma_wait3A_355] : memref<2x128x128xf32, #tpu.memory_space<vmem>> -> memref<1x128x128xf32, #tpu.memory_space<vmem>>
        %dma_wait3A_357 = tpu.memref_squeeze %dma_wait3A_356 : memref<1x128x128xf32, #tpu.memory_space<vmem>> -> memref<128x128xf32, #tpu.memory_space<vmem>>
        %dma_wait3A_358 = arith.constant 0 : i32
        %dma_wait3A_359 = tpu.memref_slice %arg8[%add3A_241, %dma_wait3A_358] : memref<80x128xi32, #tpu.memory_space<vmem>> -> memref<1x128xi32, #tpu.memory_space<vmem>>
        %dma_wait3A_360 = tpu.memref_squeeze %dma_wait3A_359 : memref<1x128xi32, #tpu.memory_space<vmem>> -> memref<128xi32, #tpu.memory_space<vmem>>
        %dma_wait3A_361 = arith.constant 0 : i32
        %dma_wait3A_362 = arith.constant 0 : i32
        %dma_wait3A_363 = tpu.memref_slice %arg9[%dma_wait3A_361, %dma_wait3A_362] : memref<10240x128xf32, #tpu.memory_space<vmem_shared>> -> memref<10240x128xf32, #tpu.memory_space<vmem_shared>>
        tpu.wait_indirect_dma semaphore(%run_scoped3A_343 : memref<!tpu.dma_semaphore, #tpu.memory_space<semaphore_mem>>) src(%dma_wait3A_357 : memref<128x128xf32, #tpu.memory_space<vmem>>) dst(%dma_wait3A_363 : memref<10240x128xf32, #tpu.memory_space<vmem_shared>>)
        tpu.yield
      }) : () -> ()
      %add3A_259 = arith.constant 4 : i32
      %add3A_260 = arith.addi %add3A_241, %add3A_259 : i32
      %lt3A_261 = arith.constant 80 : i32
      %lt3A_262 = arith.cmpi slt, %add3A_260, %lt3A_261 : i32
      %convert_element_type3A_263 = arith.extui %lt3A_262 : i1 to i32
      %cond3A_264 = arith.constant 0 : i32
      %cond3A_265 = arith.cmpi ne, %convert_element_type3A_263, %cond3A_264 : i32
      scf.if %cond3A_265 {
        %mul3A_343 = arith.constant 80 : i32
        %mul3A_344 = arith.muli %add3A, %mul3A_343 : i32
        %add3A_345 = arith.addi %mul3A_344, %add3A_241 : i32
        %add3A_346 = arith.constant 4 : i32
        %add3A_347 = arith.addi %add3A_345, %add3A_346 : i32
        %dma_start3A_348 = arith.constant 1 : i32
        %dma_start3A_349 = arith.constant 1 : i32
        %dma_start3A_350 = arith.constant 0 : i32
        %dma_start3A_351 = arith.constant 0 : i32
        %dma_start3A_352 = tpu.memref_slice %arg7[%dma_start3A_348, %dma_start3A_350, %dma_start3A_351] : memref<4x1x128xi32, #tpu.memory_space<vmem>> -> memref<1x1x128xi32, #tpu.memory_space<vmem>>
        %dma_start3A_353 = tpu.memref_squeeze %dma_start3A_352 : memref<1x1x128xi32, #tpu.memory_space<vmem>> -> memref<1x128xi32, #tpu.memory_space<vmem>>
        %dma_start3A_354 = arith.constant 0 : i32
        %dma_start3A_355 = arith.constant 0 : i32
        %dma_start3A_356 = tpu.memref_slice %arg3[%add3A_347, %dma_start3A_354, %dma_start3A_355] : memref<2560x1x128xi32, #tpu.memory_space<hbm>> -> memref<1x1x128xi32, #tpu.memory_space<hbm>>
        %dma_start3A_357 = tpu.memref_squeeze %dma_start3A_356 : memref<1x1x128xi32, #tpu.memory_space<hbm>> -> memref<1x128xi32, #tpu.memory_space<hbm>>
        %dma_start3A_358 = tpu.memref_slice %arg11[%dma_start3A_349] : memref<4x!tpu.dma_semaphore, #tpu.memory_space<semaphore_mem>> -> memref<1x!tpu.dma_semaphore, #tpu.memory_space<semaphore_mem>>
        %dma_start3A_359 = tpu.memref_squeeze %dma_start3A_358 : memref<1x!tpu.dma_semaphore, #tpu.memory_space<semaphore_mem>> -> memref<!tpu.dma_semaphore, #tpu.memory_space<semaphore_mem>>
        %dma_start3A_360 = arith.constant 0 : i32
        %dma_start3A_361 = arith.constant 0 : i32
        %dma_start3A_362 = tpu.memref_slice %arg7[%dma_start3A_348, %dma_start3A_360, %dma_start3A_361] : memref<4x1x128xi32, #tpu.memory_space<vmem>> -> memref<1x1x128xi32, #tpu.memory_space<vmem>>
        %dma_start3A_363 = tpu.memref_squeeze %dma_start3A_362 : memref<1x1x128xi32, #tpu.memory_space<vmem>> -> memref<1x128xi32, #tpu.memory_space<vmem>>
        %dma_start3A_364 = arith.constant 0 : i32
        %dma_start3A_365 = arith.constant 0 : i32
        %dma_start3A_366 = tpu.memref_slice %arg3[%add3A_347, %dma_start3A_364, %dma_start3A_365] : memref<2560x1x128xi32, #tpu.memory_space<hbm>> -> memref<1x1x128xi32, #tpu.memory_space<hbm>>
        %dma_start3A_367 = tpu.memref_squeeze %dma_start3A_366 : memref<1x1x128xi32, #tpu.memory_space<hbm>> -> memref<1x128xi32, #tpu.memory_space<hbm>>
        tpu.enqueue_dma source(%dma_start3A_367 : memref<1x128xi32, #tpu.memory_space<hbm>>) target(%dma_start3A_363 : memref<1x128xi32, #tpu.memory_space<vmem>>) target_semaphore(%dma_start3A_359 : memref<!tpu.dma_semaphore, #tpu.memory_space<semaphore_mem>>)
      } else {
      }
      %add3A_266 = arith.constant 2 : i32
      %add3A_267 = arith.addi %add3A_241, %add3A_266 : i32
      %lt3A_268 = arith.constant 80 : i32
      %lt3A_269 = arith.cmpi slt, %add3A_267, %lt3A_268 : i32
      %convert_element_type3A_270 = arith.extui %lt3A_269 : i1 to i32
      %cond3A_271 = arith.constant 0 : i32
      %cond3A_272 = arith.cmpi ne, %convert_element_type3A_270, %cond3A_271 : i32
      scf.if %cond3A_272 {
        %mul3A_343 = arith.constant 80 : i32
        %mul3A_344 = arith.muli %add3A, %mul3A_343 : i32
        %add3A_345 = arith.addi %mul3A_344, %add3A_241 : i32
        %add3A_346 = arith.constant 2 : i32
        %add3A_347 = arith.addi %add3A_345, %add3A_346 : i32
        %dma_wait3A_348 = arith.constant 3 : i32
        %dma_wait3A_349 = arith.constant 3 : i32
        %dma_wait3A_350 = arith.constant 0 : i32
        %dma_wait3A_351 = arith.constant 0 : i32
        %dma_wait3A_352 = tpu.memref_slice %arg7[%dma_wait3A_348, %dma_wait3A_350, %dma_wait3A_351] : memref<4x1x128xi32, #tpu.memory_space<vmem>> -> memref<1x1x128xi32, #tpu.memory_space<vmem>>
        %dma_wait3A_353 = tpu.memref_squeeze %dma_wait3A_352 : memref<1x1x128xi32, #tpu.memory_space<vmem>> -> memref<1x128xi32, #tpu.memory_space<vmem>>
        %dma_wait3A_354 = arith.constant 0 : i32
        %dma_wait3A_355 = arith.constant 0 : i32
        %dma_wait3A_356 = tpu.memref_slice %arg3[%add3A_347, %dma_wait3A_354, %dma_wait3A_355] : memref<2560x1x128xi32, #tpu.memory_space<hbm>> -> memref<1x1x128xi32, #tpu.memory_space<hbm>>
        %dma_wait3A_357 = tpu.memref_squeeze %dma_wait3A_356 : memref<1x1x128xi32, #tpu.memory_space<hbm>> -> memref<1x128xi32, #tpu.memory_space<hbm>>
        %dma_wait3A_358 = tpu.memref_slice %arg11[%dma_wait3A_349] : memref<4x!tpu.dma_semaphore, #tpu.memory_space<semaphore_mem>> -> memref<1x!tpu.dma_semaphore, #tpu.memory_space<semaphore_mem>>
        %dma_wait3A_359 = tpu.memref_squeeze %dma_wait3A_358 : memref<1x!tpu.dma_semaphore, #tpu.memory_space<semaphore_mem>> -> memref<!tpu.dma_semaphore, #tpu.memory_space<semaphore_mem>>
        %dma_wait3A_360 = arith.constant 0 : i32
        %dma_wait3A_361 = arith.constant 0 : i32
        %dma_wait3A_362 = tpu.memref_slice %arg7[%dma_wait3A_348, %dma_wait3A_360, %dma_wait3A_361] : memref<4x1x128xi32, #tpu.memory_space<vmem>> -> memref<1x1x128xi32, #tpu.memory_space<vmem>>
        %dma_wait3A_363 = tpu.memref_squeeze %dma_wait3A_362 : memref<1x1x128xi32, #tpu.memory_space<vmem>> -> memref<1x128xi32, #tpu.memory_space<vmem>>
        %dma_wait3A_364 = arith.constant 0 : i32
        %dma_wait3A_365 = arith.constant 0 : i32
        %dma_wait3A_366 = tpu.memref_slice %arg3[%add3A_347, %dma_wait3A_364, %dma_wait3A_365] : memref<2560x1x128xi32, #tpu.memory_space<hbm>> -> memref<1x1x128xi32, #tpu.memory_space<hbm>>
        %dma_wait3A_367 = tpu.memref_squeeze %dma_wait3A_366 : memref<1x1x128xi32, #tpu.memory_space<hbm>> -> memref<1x128xi32, #tpu.memory_space<hbm>>
        tpu.wait_dma2 semaphore(%dma_wait3A_359 : memref<!tpu.dma_semaphore, #tpu.memory_space<semaphore_mem>>) src(%dma_wait3A_367 : memref<1x128xi32, #tpu.memory_space<hbm>>) dst(%dma_wait3A_363 : memref<1x128xi32, #tpu.memory_space<vmem>>)
        %dma_start3A_368 = arith.constant 3 : i32
        %dma_start3A_369 = arith.constant 0 : i32
        %dma_start3A_370 = arith.constant 1 : i32
        %dma_start3A_371 = arith.constant 1 : i32
        %dma_start3A_372 = arith.constant 0 : i32
        %dma_start3A_373 = arith.constant 0 : i32
        %dma_start3A_374 = tpu.memref_slice %arg6[%dma_start3A_370, %dma_start3A_372, %dma_start3A_373] : memref<2x128x128xf32, #tpu.memory_space<vmem>> -> memref<1x128x128xf32, #tpu.memory_space<vmem>>
        %dma_start3A_375 = tpu.memref_squeeze %dma_start3A_374 : memref<1x128x128xf32, #tpu.memory_space<vmem>> -> memref<128x128xf32, #tpu.memory_space<vmem>>
        %dma_start3A_376 = arith.constant 0 : i32
        %dma_start3A_377 = tpu.memref_slice %arg7[%dma_start3A_368, %dma_start3A_369, %dma_start3A_376] : memref<4x1x128xi32, #tpu.memory_space<vmem>> -> memref<1x1x128xi32, #tpu.memory_space<vmem>>
        %dma_start3A_378 = tpu.memref_squeeze %dma_start3A_377 : memref<1x1x128xi32, #tpu.memory_space<vmem>> -> memref<128xi32, #tpu.memory_space<vmem>>
        %dma_start3A_379 = arith.constant 0 : i32
        %dma_start3A_380 = arith.constant 0 : i32
        %dma_start3A_381 = tpu.memref_slice %arg2[%dma_start3A_379, %dma_start3A_380] : memref<10240x128xf32, #tpu.memory_space<hbm>> -> memref<10240x128xf32, #tpu.memory_space<hbm>>
        %dma_start3A_382 = tpu.memref_slice %arg10[%dma_start3A_371] : memref<2x!tpu.dma_semaphore, #tpu.memory_space<semaphore_mem>> -> memref<1x!tpu.dma_semaphore, #tpu.memory_space<semaphore_mem>>
        %dma_start3A_383 = tpu.memref_squeeze %dma_start3A_382 : memref<1x!tpu.dma_semaphore, #tpu.memory_space<semaphore_mem>> -> memref<!tpu.dma_semaphore, #tpu.memory_space<semaphore_mem>>
        tpu.enqueue_indirect_dma source(%dma_start3A_381 : memref<10240x128xf32, #tpu.memory_space<hbm>>) target(%dma_start3A_375 : memref<128x128xf32, #tpu.memory_space<vmem>>) offsets(%dma_start3A_378 : memref<128xi32, #tpu.memory_space<vmem>>) semaphore(%dma_start3A_383 : memref<!tpu.dma_semaphore, #tpu.memory_space<semaphore_mem>>)
      } else {
      }
      %mul3A_273 = arith.constant 4 : i32
      %mul3A_274 = arith.muli %scan3A_205, %mul3A_273 : i32
      %add3A_275 = arith.constant 2 : i32
      %add3A_276 = arith.addi %mul3A_274, %add3A_275 : i32
      %dma_wait3A_277 = arith.constant 2 : i32
      %dma_wait3A_278 = arith.constant 0 : i32
      %dma_wait3A_279 = arith.constant 0 : i32
      %dma_wait3A_280 = arith.constant 0 : i32
      %dma_wait3A_281 = arith.constant 0 : i32
      %dma_wait3A_282 = arith.constant 0 : i32
      %dma_wait3A_283 = tpu.memref_slice %arg6[%dma_wait3A_279, %dma_wait3A_281, %dma_wait3A_282] : memref<2x128x128xf32, #tpu.memory_space<vmem>> -> memref<1x128x128xf32, #tpu.memory_space<vmem>>
      %dma_wait3A_284 = tpu.memref_squeeze %dma_wait3A_283 : memref<1x128x128xf32, #tpu.memory_space<vmem>> -> memref<128x128xf32, #tpu.memory_space<vmem>>
      %dma_wait3A_285 = arith.constant 0 : i32
      %dma_wait3A_286 = tpu.memref_slice %arg7[%dma_wait3A_277, %dma_wait3A_278, %dma_wait3A_285] : memref<4x1x128xi32, #tpu.memory_space<vmem>> -> memref<1x1x128xi32, #tpu.memory_space<vmem>>
      %dma_wait3A_287 = tpu.memref_squeeze %dma_wait3A_286 : memref<1x1x128xi32, #tpu.memory_space<vmem>> -> memref<128xi32, #tpu.memory_space<vmem>>
      %dma_wait3A_288 = arith.constant 0 : i32
      %dma_wait3A_289 = arith.constant 0 : i32
      %dma_wait3A_290 = tpu.memref_slice %arg2[%dma_wait3A_288, %dma_wait3A_289] : memref<10240x128xf32, #tpu.memory_space<hbm>> -> memref<10240x128xf32, #tpu.memory_space<hbm>>
      %dma_wait3A_291 = tpu.memref_slice %arg10[%dma_wait3A_280] : memref<2x!tpu.dma_semaphore, #tpu.memory_space<semaphore_mem>> -> memref<1x!tpu.dma_semaphore, #tpu.memory_space<semaphore_mem>>
      %dma_wait3A_292 = tpu.memref_squeeze %dma_wait3A_291 : memref<1x!tpu.dma_semaphore, #tpu.memory_space<semaphore_mem>> -> memref<!tpu.dma_semaphore, #tpu.memory_space<semaphore_mem>>
      tpu.wait_indirect_dma semaphore(%dma_wait3A_292 : memref<!tpu.dma_semaphore, #tpu.memory_space<semaphore_mem>>) src(%dma_wait3A_290 : memref<10240x128xf32, #tpu.memory_space<hbm>>) dst(%dma_wait3A_284 : memref<128x128xf32, #tpu.memory_space<vmem>>)
      %run_scoped3A_293 = arith.constant 0 : i32
      "tpu.region"() ({
        %run_scoped3A_343 = tpu.sem_alloc : memref<!tpu.dma_semaphore, #tpu.memory_space<semaphore_mem>>
        %dma_start3A_344 = arith.constant 0 : i32
        %dma_start3A_345 = arith.constant 0 : i32
        %dma_start3A_346 = tpu.memref_slice %arg6[%run_scoped3A_293, %dma_start3A_344, %dma_start3A_345] : memref<2x128x128xf32, #tpu.memory_space<vmem>> -> memref<1x128x128xf32, #tpu.memory_space<vmem>>
        %dma_start3A_347 = tpu.memref_squeeze %dma_start3A_346 : memref<1x128x128xf32, #tpu.memory_space<vmem>> -> memref<128x128xf32, #tpu.memory_space<vmem>>
        %dma_start3A_348 = arith.constant 0 : i32
        %dma_start3A_349 = tpu.memref_slice %arg8[%add3A_276, %dma_start3A_348] : memref<80x128xi32, #tpu.memory_space<vmem>> -> memref<1x128xi32, #tpu.memory_space<vmem>>
        %dma_start3A_350 = tpu.memref_squeeze %dma_start3A_349 : memref<1x128xi32, #tpu.memory_space<vmem>> -> memref<128xi32, #tpu.memory_space<vmem>>
        %dma_start3A_351 = arith.constant 0 : i32
        %dma_start3A_352 = arith.constant 0 : i32
        %dma_start3A_353 = tpu.memref_slice %arg9[%dma_start3A_351, %dma_start3A_352] : memref<10240x128xf32, #tpu.memory_space<vmem_shared>> -> memref<10240x128xf32, #tpu.memory_space<vmem_shared>>
        tpu.enqueue_indirect_dma source(%dma_start3A_347 : memref<128x128xf32, #tpu.memory_space<vmem>>) target(%dma_start3A_353 : memref<10240x128xf32, #tpu.memory_space<vmem_shared>>) offsets(%dma_start3A_350 : memref<128xi32, #tpu.memory_space<vmem>>) semaphore(%run_scoped3A_343 : memref<!tpu.dma_semaphore, #tpu.memory_space<semaphore_mem>>) {add = true}
        %dma_wait3A_354 = arith.constant 0 : i32
        %dma_wait3A_355 = arith.constant 0 : i32
        %dma_wait3A_356 = tpu.memref_slice %arg6[%run_scoped3A_293, %dma_wait3A_354, %dma_wait3A_355] : memref<2x128x128xf32, #tpu.memory_space<vmem>> -> memref<1x128x128xf32, #tpu.memory_space<vmem>>
        %dma_wait3A_357 = tpu.memref_squeeze %dma_wait3A_356 : memref<1x128x128xf32, #tpu.memory_space<vmem>> -> memref<128x128xf32, #tpu.memory_space<vmem>>
        %dma_wait3A_358 = arith.constant 0 : i32
        %dma_wait3A_359 = tpu.memref_slice %arg8[%add3A_276, %dma_wait3A_358] : memref<80x128xi32, #tpu.memory_space<vmem>> -> memref<1x128xi32, #tpu.memory_space<vmem>>
        %dma_wait3A_360 = tpu.memref_squeeze %dma_wait3A_359 : memref<1x128xi32, #tpu.memory_space<vmem>> -> memref<128xi32, #tpu.memory_space<vmem>>
        %dma_wait3A_361 = arith.constant 0 : i32
        %dma_wait3A_362 = arith.constant 0 : i32
        %dma_wait3A_363 = tpu.memref_slice %arg9[%dma_wait3A_361, %dma_wait3A_362] : memref<10240x128xf32, #tpu.memory_space<vmem_shared>> -> memref<10240x128xf32, #tpu.memory_space<vmem_shared>>
        tpu.wait_indirect_dma semaphore(%run_scoped3A_343 : memref<!tpu.dma_semaphore, #tpu.memory_space<semaphore_mem>>) src(%dma_wait3A_357 : memref<128x128xf32, #tpu.memory_space<vmem>>) dst(%dma_wait3A_363 : memref<10240x128xf32, #tpu.memory_space<vmem_shared>>)
        tpu.yield
      }) : () -> ()
      %add3A_294 = arith.constant 4 : i32
      %add3A_295 = arith.addi %add3A_276, %add3A_294 : i32
      %lt3A_296 = arith.constant 80 : i32
      %lt3A_297 = arith.cmpi slt, %add3A_295, %lt3A_296 : i32
      %convert_element_type3A_298 = arith.extui %lt3A_297 : i1 to i32
      %cond3A_299 = arith.constant 0 : i32
      %cond3A_300 = arith.cmpi ne, %convert_element_type3A_298, %cond3A_299 : i32
      scf.if %cond3A_300 {
        %mul3A_343 = arith.constant 80 : i32
        %mul3A_344 = arith.muli %add3A, %mul3A_343 : i32
        %add3A_345 = arith.addi %mul3A_344, %add3A_276 : i32
        %add3A_346 = arith.constant 4 : i32
        %add3A_347 = arith.addi %add3A_345, %add3A_346 : i32
        %dma_start3A_348 = arith.constant 2 : i32
        %dma_start3A_349 = arith.constant 2 : i32
        %dma_start3A_350 = arith.constant 0 : i32
        %dma_start3A_351 = arith.constant 0 : i32
        %dma_start3A_352 = tpu.memref_slice %arg7[%dma_start3A_348, %dma_start3A_350, %dma_start3A_351] : memref<4x1x128xi32, #tpu.memory_space<vmem>> -> memref<1x1x128xi32, #tpu.memory_space<vmem>>
        %dma_start3A_353 = tpu.memref_squeeze %dma_start3A_352 : memref<1x1x128xi32, #tpu.memory_space<vmem>> -> memref<1x128xi32, #tpu.memory_space<vmem>>
        %dma_start3A_354 = arith.constant 0 : i32
        %dma_start3A_355 = arith.constant 0 : i32
        %dma_start3A_356 = tpu.memref_slice %arg3[%add3A_347, %dma_start3A_354, %dma_start3A_355] : memref<2560x1x128xi32, #tpu.memory_space<hbm>> -> memref<1x1x128xi32, #tpu.memory_space<hbm>>
        %dma_start3A_357 = tpu.memref_squeeze %dma_start3A_356 : memref<1x1x128xi32, #tpu.memory_space<hbm>> -> memref<1x128xi32, #tpu.memory_space<hbm>>
        %dma_start3A_358 = tpu.memref_slice %arg11[%dma_start3A_349] : memref<4x!tpu.dma_semaphore, #tpu.memory_space<semaphore_mem>> -> memref<1x!tpu.dma_semaphore, #tpu.memory_space<semaphore_mem>>
        %dma_start3A_359 = tpu.memref_squeeze %dma_start3A_358 : memref<1x!tpu.dma_semaphore, #tpu.memory_space<semaphore_mem>> -> memref<!tpu.dma_semaphore, #tpu.memory_space<semaphore_mem>>
        %dma_start3A_360 = arith.constant 0 : i32
        %dma_start3A_361 = arith.constant 0 : i32
        %dma_start3A_362 = tpu.memref_slice %arg7[%dma_start3A_348, %dma_start3A_360, %dma_start3A_361] : memref<4x1x128xi32, #tpu.memory_space<vmem>> -> memref<1x1x128xi32, #tpu.memory_space<vmem>>
        %dma_start3A_363 = tpu.memref_squeeze %dma_start3A_362 : memref<1x1x128xi32, #tpu.memory_space<vmem>> -> memref<1x128xi32, #tpu.memory_space<vmem>>
        %dma_start3A_364 = arith.constant 0 : i32
        %dma_start3A_365 = arith.constant 0 : i32
        %dma_start3A_366 = tpu.memref_slice %arg3[%add3A_347, %dma_start3A_364, %dma_start3A_365] : memref<2560x1x128xi32, #tpu.memory_space<hbm>> -> memref<1x1x128xi32, #tpu.memory_space<hbm>>
        %dma_start3A_367 = tpu.memref_squeeze %dma_start3A_366 : memref<1x1x128xi32, #tpu.memory_space<hbm>> -> memref<1x128xi32, #tpu.memory_space<hbm>>
        tpu.enqueue_dma source(%dma_start3A_367 : memref<1x128xi32, #tpu.memory_space<hbm>>) target(%dma_start3A_363 : memref<1x128xi32, #tpu.memory_space<vmem>>) target_semaphore(%dma_start3A_359 : memref<!tpu.dma_semaphore, #tpu.memory_space<semaphore_mem>>)
      } else {
      }
      %add3A_301 = arith.constant 2 : i32
      %add3A_302 = arith.addi %add3A_276, %add3A_301 : i32
      %lt3A_303 = arith.constant 80 : i32
      %lt3A_304 = arith.cmpi slt, %add3A_302, %lt3A_303 : i32
      %convert_element_type3A_305 = arith.extui %lt3A_304 : i1 to i32
      %cond3A_306 = arith.constant 0 : i32
      %cond3A_307 = arith.cmpi ne, %convert_element_type3A_305, %cond3A_306 : i32
      scf.if %cond3A_307 {
        %mul3A_343 = arith.constant 80 : i32
        %mul3A_344 = arith.muli %add3A, %mul3A_343 : i32
        %add3A_345 = arith.addi %mul3A_344, %add3A_276 : i32
        %add3A_346 = arith.constant 2 : i32
        %add3A_347 = arith.addi %add3A_345, %add3A_346 : i32
        %dma_wait3A_348 = arith.constant 0 : i32
        %dma_wait3A_349 = arith.constant 0 : i32
        %dma_wait3A_350 = arith.constant 0 : i32
        %dma_wait3A_351 = arith.constant 0 : i32
        %dma_wait3A_352 = tpu.memref_slice %arg7[%dma_wait3A_348, %dma_wait3A_350, %dma_wait3A_351] : memref<4x1x128xi32, #tpu.memory_space<vmem>> -> memref<1x1x128xi32, #tpu.memory_space<vmem>>
        %dma_wait3A_353 = tpu.memref_squeeze %dma_wait3A_352 : memref<1x1x128xi32, #tpu.memory_space<vmem>> -> memref<1x128xi32, #tpu.memory_space<vmem>>
        %dma_wait3A_354 = arith.constant 0 : i32
        %dma_wait3A_355 = arith.constant 0 : i32
        %dma_wait3A_356 = tpu.memref_slice %arg3[%add3A_347, %dma_wait3A_354, %dma_wait3A_355] : memref<2560x1x128xi32, #tpu.memory_space<hbm>> -> memref<1x1x128xi32, #tpu.memory_space<hbm>>
        %dma_wait3A_357 = tpu.memref_squeeze %dma_wait3A_356 : memref<1x1x128xi32, #tpu.memory_space<hbm>> -> memref<1x128xi32, #tpu.memory_space<hbm>>
        %dma_wait3A_358 = tpu.memref_slice %arg11[%dma_wait3A_349] : memref<4x!tpu.dma_semaphore, #tpu.memory_space<semaphore_mem>> -> memref<1x!tpu.dma_semaphore, #tpu.memory_space<semaphore_mem>>
        %dma_wait3A_359 = tpu.memref_squeeze %dma_wait3A_358 : memref<1x!tpu.dma_semaphore, #tpu.memory_space<semaphore_mem>> -> memref<!tpu.dma_semaphore, #tpu.memory_space<semaphore_mem>>
        %dma_wait3A_360 = arith.constant 0 : i32
        %dma_wait3A_361 = arith.constant 0 : i32
        %dma_wait3A_362 = tpu.memref_slice %arg7[%dma_wait3A_348, %dma_wait3A_360, %dma_wait3A_361] : memref<4x1x128xi32, #tpu.memory_space<vmem>> -> memref<1x1x128xi32, #tpu.memory_space<vmem>>
        %dma_wait3A_363 = tpu.memref_squeeze %dma_wait3A_362 : memref<1x1x128xi32, #tpu.memory_space<vmem>> -> memref<1x128xi32, #tpu.memory_space<vmem>>
        %dma_wait3A_364 = arith.constant 0 : i32
        %dma_wait3A_365 = arith.constant 0 : i32
        %dma_wait3A_366 = tpu.memref_slice %arg3[%add3A_347, %dma_wait3A_364, %dma_wait3A_365] : memref<2560x1x128xi32, #tpu.memory_space<hbm>> -> memref<1x1x128xi32, #tpu.memory_space<hbm>>
        %dma_wait3A_367 = tpu.memref_squeeze %dma_wait3A_366 : memref<1x1x128xi32, #tpu.memory_space<hbm>> -> memref<1x128xi32, #tpu.memory_space<hbm>>
        tpu.wait_dma2 semaphore(%dma_wait3A_359 : memref<!tpu.dma_semaphore, #tpu.memory_space<semaphore_mem>>) src(%dma_wait3A_367 : memref<1x128xi32, #tpu.memory_space<hbm>>) dst(%dma_wait3A_363 : memref<1x128xi32, #tpu.memory_space<vmem>>)
        %dma_start3A_368 = arith.constant 0 : i32
        %dma_start3A_369 = arith.constant 0 : i32
        %dma_start3A_370 = arith.constant 0 : i32
        %dma_start3A_371 = arith.constant 0 : i32
        %dma_start3A_372 = arith.constant 0 : i32
        %dma_start3A_373 = arith.constant 0 : i32
        %dma_start3A_374 = tpu.memref_slice %arg6[%dma_start3A_370, %dma_start3A_372, %dma_start3A_373] : memref<2x128x128xf32, #tpu.memory_space<vmem>> -> memref<1x128x128xf32, #tpu.memory_space<vmem>>
        %dma_start3A_375 = tpu.memref_squeeze %dma_start3A_374 : memref<1x128x128xf32, #tpu.memory_space<vmem>> -> memref<128x128xf32, #tpu.memory_space<vmem>>
        %dma_start3A_376 = arith.constant 0 : i32
        %dma_start3A_377 = tpu.memref_slice %arg7[%dma_start3A_368, %dma_start3A_369, %dma_start3A_376] : memref<4x1x128xi32, #tpu.memory_space<vmem>> -> memref<1x1x128xi32, #tpu.memory_space<vmem>>
        %dma_start3A_378 = tpu.memref_squeeze %dma_start3A_377 : memref<1x1x128xi32, #tpu.memory_space<vmem>> -> memref<128xi32, #tpu.memory_space<vmem>>
        %dma_start3A_379 = arith.constant 0 : i32
        %dma_start3A_380 = arith.constant 0 : i32
        %dma_start3A_381 = tpu.memref_slice %arg2[%dma_start3A_379, %dma_start3A_380] : memref<10240x128xf32, #tpu.memory_space<hbm>> -> memref<10240x128xf32, #tpu.memory_space<hbm>>
        %dma_start3A_382 = tpu.memref_slice %arg10[%dma_start3A_371] : memref<2x!tpu.dma_semaphore, #tpu.memory_space<semaphore_mem>> -> memref<1x!tpu.dma_semaphore, #tpu.memory_space<semaphore_mem>>
        %dma_start3A_383 = tpu.memref_squeeze %dma_start3A_382 : memref<1x!tpu.dma_semaphore, #tpu.memory_space<semaphore_mem>> -> memref<!tpu.dma_semaphore, #tpu.memory_space<semaphore_mem>>
        tpu.enqueue_indirect_dma source(%dma_start3A_381 : memref<10240x128xf32, #tpu.memory_space<hbm>>) target(%dma_start3A_375 : memref<128x128xf32, #tpu.memory_space<vmem>>) offsets(%dma_start3A_378 : memref<128xi32, #tpu.memory_space<vmem>>) semaphore(%dma_start3A_383 : memref<!tpu.dma_semaphore, #tpu.memory_space<semaphore_mem>>)
      } else {
      }
      %mul3A_308 = arith.constant 4 : i32
      %mul3A_309 = arith.muli %scan3A_205, %mul3A_308 : i32
      %add3A_310 = arith.constant 3 : i32
      %add3A_311 = arith.addi %mul3A_309, %add3A_310 : i32
      %dma_wait3A_312 = arith.constant 3 : i32
      %dma_wait3A_313 = arith.constant 0 : i32
      %dma_wait3A_314 = arith.constant 1 : i32
      %dma_wait3A_315 = arith.constant 1 : i32
      %dma_wait3A_316 = arith.constant 0 : i32
      %dma_wait3A_317 = arith.constant 0 : i32
      %dma_wait3A_318 = tpu.memref_slice %arg6[%dma_wait3A_314, %dma_wait3A_316, %dma_wait3A_317] : memref<2x128x128xf32, #tpu.memory_space<vmem>> -> memref<1x128x128xf32, #tpu.memory_space<vmem>>
      %dma_wait3A_319 = tpu.memref_squeeze %dma_wait3A_318 : memref<1x128x128xf32, #tpu.memory_space<vmem>> -> memref<128x128xf32, #tpu.memory_space<vmem>>
      %dma_wait3A_320 = arith.constant 0 : i32
      %dma_wait3A_321 = tpu.memref_slice %arg7[%dma_wait3A_312, %dma_wait3A_313, %dma_wait3A_320] : memref<4x1x128xi32, #tpu.memory_space<vmem>> -> memref<1x1x128xi32, #tpu.memory_space<vmem>>
      %dma_wait3A_322 = tpu.memref_squeeze %dma_wait3A_321 : memref<1x1x128xi32, #tpu.memory_space<vmem>> -> memref<128xi32, #tpu.memory_space<vmem>>
      %dma_wait3A_323 = arith.constant 0 : i32
      %dma_wait3A_324 = arith.constant 0 : i32
      %dma_wait3A_325 = tpu.memref_slice %arg2[%dma_wait3A_323, %dma_wait3A_324] : memref<10240x128xf32, #tpu.memory_space<hbm>> -> memref<10240x128xf32, #tpu.memory_space<hbm>>
      %dma_wait3A_326 = tpu.memref_slice %arg10[%dma_wait3A_315] : memref<2x!tpu.dma_semaphore, #tpu.memory_space<semaphore_mem>> -> memref<1x!tpu.dma_semaphore, #tpu.memory_space<semaphore_mem>>
      %dma_wait3A_327 = tpu.memref_squeeze %dma_wait3A_326 : memref<1x!tpu.dma_semaphore, #tpu.memory_space<semaphore_mem>> -> memref<!tpu.dma_semaphore, #tpu.memory_space<semaphore_mem>>
      tpu.wait_indirect_dma semaphore(%dma_wait3A_327 : memref<!tpu.dma_semaphore, #tpu.memory_space<semaphore_mem>>) src(%dma_wait3A_325 : memref<10240x128xf32, #tpu.memory_space<hbm>>) dst(%dma_wait3A_319 : memref<128x128xf32, #tpu.memory_space<vmem>>)
      %run_scoped3A_328 = arith.constant 1 : i32
      "tpu.region"() ({
        %run_scoped3A_343 = tpu.sem_alloc : memref<!tpu.dma_semaphore, #tpu.memory_space<semaphore_mem>>
        %dma_start3A_344 = arith.constant 0 : i32
        %dma_start3A_345 = arith.constant 0 : i32
        %dma_start3A_346 = tpu.memref_slice %arg6[%run_scoped3A_328, %dma_start3A_344, %dma_start3A_345] : memref<2x128x128xf32, #tpu.memory_space<vmem>> -> memref<1x128x128xf32, #tpu.memory_space<vmem>>
        %dma_start3A_347 = tpu.memref_squeeze %dma_start3A_346 : memref<1x128x128xf32, #tpu.memory_space<vmem>> -> memref<128x128xf32, #tpu.memory_space<vmem>>
        %dma_start3A_348 = arith.constant 0 : i32
        %dma_start3A_349 = tpu.memref_slice %arg8[%add3A_311, %dma_start3A_348] : memref<80x128xi32, #tpu.memory_space<vmem>> -> memref<1x128xi32, #tpu.memory_space<vmem>>
        %dma_start3A_350 = tpu.memref_squeeze %dma_start3A_349 : memref<1x128xi32, #tpu.memory_space<vmem>> -> memref<128xi32, #tpu.memory_space<vmem>>
        %dma_start3A_351 = arith.constant 0 : i32
        %dma_start3A_352 = arith.constant 0 : i32
        %dma_start3A_353 = tpu.memref_slice %arg9[%dma_start3A_351, %dma_start3A_352] : memref<10240x128xf32, #tpu.memory_space<vmem_shared>> -> memref<10240x128xf32, #tpu.memory_space<vmem_shared>>
        tpu.enqueue_indirect_dma source(%dma_start3A_347 : memref<128x128xf32, #tpu.memory_space<vmem>>) target(%dma_start3A_353 : memref<10240x128xf32, #tpu.memory_space<vmem_shared>>) offsets(%dma_start3A_350 : memref<128xi32, #tpu.memory_space<vmem>>) semaphore(%run_scoped3A_343 : memref<!tpu.dma_semaphore, #tpu.memory_space<semaphore_mem>>) {add = true}
        %dma_wait3A_354 = arith.constant 0 : i32
        %dma_wait3A_355 = arith.constant 0 : i32
        %dma_wait3A_356 = tpu.memref_slice %arg6[%run_scoped3A_328, %dma_wait3A_354, %dma_wait3A_355] : memref<2x128x128xf32, #tpu.memory_space<vmem>> -> memref<1x128x128xf32, #tpu.memory_space<vmem>>
        %dma_wait3A_357 = tpu.memref_squeeze %dma_wait3A_356 : memref<1x128x128xf32, #tpu.memory_space<vmem>> -> memref<128x128xf32, #tpu.memory_space<vmem>>
        %dma_wait3A_358 = arith.constant 0 : i32
        %dma_wait3A_359 = tpu.memref_slice %arg8[%add3A_311, %dma_wait3A_358] : memref<80x128xi32, #tpu.memory_space<vmem>> -> memref<1x128xi32, #tpu.memory_space<vmem>>
        %dma_wait3A_360 = tpu.memref_squeeze %dma_wait3A_359 : memref<1x128xi32, #tpu.memory_space<vmem>> -> memref<128xi32, #tpu.memory_space<vmem>>
        %dma_wait3A_361 = arith.constant 0 : i32
        %dma_wait3A_362 = arith.constant 0 : i32
        %dma_wait3A_363 = tpu.memref_slice %arg9[%dma_wait3A_361, %dma_wait3A_362] : memref<10240x128xf32, #tpu.memory_space<vmem_shared>> -> memref<10240x128xf32, #tpu.memory_space<vmem_shared>>
        tpu.wait_indirect_dma semaphore(%run_scoped3A_343 : memref<!tpu.dma_semaphore, #tpu.memory_space<semaphore_mem>>) src(%dma_wait3A_357 : memref<128x128xf32, #tpu.memory_space<vmem>>) dst(%dma_wait3A_363 : memref<10240x128xf32, #tpu.memory_space<vmem_shared>>)
        tpu.yield
      }) : () -> ()
      %add3A_329 = arith.constant 4 : i32
      %add3A_330 = arith.addi %add3A_311, %add3A_329 : i32
      %lt3A_331 = arith.constant 80 : i32
      %lt3A_332 = arith.cmpi slt, %add3A_330, %lt3A_331 : i32
      %convert_element_type3A_333 = arith.extui %lt3A_332 : i1 to i32
      %cond3A_334 = arith.constant 0 : i32
      %cond3A_335 = arith.cmpi ne, %convert_element_type3A_333, %cond3A_334 : i32
      scf.if %cond3A_335 {
        %mul3A_343 = arith.constant 80 : i32
        %mul3A_344 = arith.muli %add3A, %mul3A_343 : i32
        %add3A_345 = arith.addi %mul3A_344, %add3A_311 : i32
        %add3A_346 = arith.constant 4 : i32
        %add3A_347 = arith.addi %add3A_345, %add3A_346 : i32
        %dma_start3A_348 = arith.constant 3 : i32
        %dma_start3A_349 = arith.constant 3 : i32
        %dma_start3A_350 = arith.constant 0 : i32
        %dma_start3A_351 = arith.constant 0 : i32
        %dma_start3A_352 = tpu.memref_slice %arg7[%dma_start3A_348, %dma_start3A_350, %dma_start3A_351] : memref<4x1x128xi32, #tpu.memory_space<vmem>> -> memref<1x1x128xi32, #tpu.memory_space<vmem>>
        %dma_start3A_353 = tpu.memref_squeeze %dma_start3A_352 : memref<1x1x128xi32, #tpu.memory_space<vmem>> -> memref<1x128xi32, #tpu.memory_space<vmem>>
        %dma_start3A_354 = arith.constant 0 : i32
        %dma_start3A_355 = arith.constant 0 : i32
        %dma_start3A_356 = tpu.memref_slice %arg3[%add3A_347, %dma_start3A_354, %dma_start3A_355] : memref<2560x1x128xi32, #tpu.memory_space<hbm>> -> memref<1x1x128xi32, #tpu.memory_space<hbm>>
        %dma_start3A_357 = tpu.memref_squeeze %dma_start3A_356 : memref<1x1x128xi32, #tpu.memory_space<hbm>> -> memref<1x128xi32, #tpu.memory_space<hbm>>
        %dma_start3A_358 = tpu.memref_slice %arg11[%dma_start3A_349] : memref<4x!tpu.dma_semaphore, #tpu.memory_space<semaphore_mem>> -> memref<1x!tpu.dma_semaphore, #tpu.memory_space<semaphore_mem>>
        %dma_start3A_359 = tpu.memref_squeeze %dma_start3A_358 : memref<1x!tpu.dma_semaphore, #tpu.memory_space<semaphore_mem>> -> memref<!tpu.dma_semaphore, #tpu.memory_space<semaphore_mem>>
        %dma_start3A_360 = arith.constant 0 : i32
        %dma_start3A_361 = arith.constant 0 : i32
        %dma_start3A_362 = tpu.memref_slice %arg7[%dma_start3A_348, %dma_start3A_360, %dma_start3A_361] : memref<4x1x128xi32, #tpu.memory_space<vmem>> -> memref<1x1x128xi32, #tpu.memory_space<vmem>>
        %dma_start3A_363 = tpu.memref_squeeze %dma_start3A_362 : memref<1x1x128xi32, #tpu.memory_space<vmem>> -> memref<1x128xi32, #tpu.memory_space<vmem>>
        %dma_start3A_364 = arith.constant 0 : i32
        %dma_start3A_365 = arith.constant 0 : i32
        %dma_start3A_366 = tpu.memref_slice %arg3[%add3A_347, %dma_start3A_364, %dma_start3A_365] : memref<2560x1x128xi32, #tpu.memory_space<hbm>> -> memref<1x1x128xi32, #tpu.memory_space<hbm>>
        %dma_start3A_367 = tpu.memref_squeeze %dma_start3A_366 : memref<1x1x128xi32, #tpu.memory_space<hbm>> -> memref<1x128xi32, #tpu.memory_space<hbm>>
        tpu.enqueue_dma source(%dma_start3A_367 : memref<1x128xi32, #tpu.memory_space<hbm>>) target(%dma_start3A_363 : memref<1x128xi32, #tpu.memory_space<vmem>>) target_semaphore(%dma_start3A_359 : memref<!tpu.dma_semaphore, #tpu.memory_space<semaphore_mem>>)
      } else {
      }
      %add3A_336 = arith.constant 2 : i32
      %add3A_337 = arith.addi %add3A_311, %add3A_336 : i32
      %lt3A_338 = arith.constant 80 : i32
      %lt3A_339 = arith.cmpi slt, %add3A_337, %lt3A_338 : i32
      %convert_element_type3A_340 = arith.extui %lt3A_339 : i1 to i32
      %cond3A_341 = arith.constant 0 : i32
      %cond3A_342 = arith.cmpi ne, %convert_element_type3A_340, %cond3A_341 : i32
      scf.if %cond3A_342 {
        %mul3A_343 = arith.constant 80 : i32
        %mul3A_344 = arith.muli %add3A, %mul3A_343 : i32
        %add3A_345 = arith.addi %mul3A_344, %add3A_311 : i32
        %add3A_346 = arith.constant 2 : i32
        %add3A_347 = arith.addi %add3A_345, %add3A_346 : i32
        %dma_wait3A_348 = arith.constant 1 : i32
        %dma_wait3A_349 = arith.constant 1 : i32
        %dma_wait3A_350 = arith.constant 0 : i32
        %dma_wait3A_351 = arith.constant 0 : i32
        %dma_wait3A_352 = tpu.memref_slice %arg7[%dma_wait3A_348, %dma_wait3A_350, %dma_wait3A_351] : memref<4x1x128xi32, #tpu.memory_space<vmem>> -> memref<1x1x128xi32, #tpu.memory_space<vmem>>
        %dma_wait3A_353 = tpu.memref_squeeze %dma_wait3A_352 : memref<1x1x128xi32, #tpu.memory_space<vmem>> -> memref<1x128xi32, #tpu.memory_space<vmem>>
        %dma_wait3A_354 = arith.constant 0 : i32
        %dma_wait3A_355 = arith.constant 0 : i32
        %dma_wait3A_356 = tpu.memref_slice %arg3[%add3A_347, %dma_wait3A_354, %dma_wait3A_355] : memref<2560x1x128xi32, #tpu.memory_space<hbm>> -> memref<1x1x128xi32, #tpu.memory_space<hbm>>
        %dma_wait3A_357 = tpu.memref_squeeze %dma_wait3A_356 : memref<1x1x128xi32, #tpu.memory_space<hbm>> -> memref<1x128xi32, #tpu.memory_space<hbm>>
        %dma_wait3A_358 = tpu.memref_slice %arg11[%dma_wait3A_349] : memref<4x!tpu.dma_semaphore, #tpu.memory_space<semaphore_mem>> -> memref<1x!tpu.dma_semaphore, #tpu.memory_space<semaphore_mem>>
        %dma_wait3A_359 = tpu.memref_squeeze %dma_wait3A_358 : memref<1x!tpu.dma_semaphore, #tpu.memory_space<semaphore_mem>> -> memref<!tpu.dma_semaphore, #tpu.memory_space<semaphore_mem>>
        %dma_wait3A_360 = arith.constant 0 : i32
        %dma_wait3A_361 = arith.constant 0 : i32
        %dma_wait3A_362 = tpu.memref_slice %arg7[%dma_wait3A_348, %dma_wait3A_360, %dma_wait3A_361] : memref<4x1x128xi32, #tpu.memory_space<vmem>> -> memref<1x1x128xi32, #tpu.memory_space<vmem>>
        %dma_wait3A_363 = tpu.memref_squeeze %dma_wait3A_362 : memref<1x1x128xi32, #tpu.memory_space<vmem>> -> memref<1x128xi32, #tpu.memory_space<vmem>>
        %dma_wait3A_364 = arith.constant 0 : i32
        %dma_wait3A_365 = arith.constant 0 : i32
        %dma_wait3A_366 = tpu.memref_slice %arg3[%add3A_347, %dma_wait3A_364, %dma_wait3A_365] : memref<2560x1x128xi32, #tpu.memory_space<hbm>> -> memref<1x1x128xi32, #tpu.memory_space<hbm>>
        %dma_wait3A_367 = tpu.memref_squeeze %dma_wait3A_366 : memref<1x1x128xi32, #tpu.memory_space<hbm>> -> memref<1x128xi32, #tpu.memory_space<hbm>>
        tpu.wait_dma2 semaphore(%dma_wait3A_359 : memref<!tpu.dma_semaphore, #tpu.memory_space<semaphore_mem>>) src(%dma_wait3A_367 : memref<1x128xi32, #tpu.memory_space<hbm>>) dst(%dma_wait3A_363 : memref<1x128xi32, #tpu.memory_space<vmem>>)
        %dma_start3A_368 = arith.constant 1 : i32
        %dma_start3A_369 = arith.constant 0 : i32
        %dma_start3A_370 = arith.constant 1 : i32
        %dma_start3A_371 = arith.constant 1 : i32
        %dma_start3A_372 = arith.constant 0 : i32
        %dma_start3A_373 = arith.constant 0 : i32
        %dma_start3A_374 = tpu.memref_slice %arg6[%dma_start3A_370, %dma_start3A_372, %dma_start3A_373] : memref<2x128x128xf32, #tpu.memory_space<vmem>> -> memref<1x128x128xf32, #tpu.memory_space<vmem>>
        %dma_start3A_375 = tpu.memref_squeeze %dma_start3A_374 : memref<1x128x128xf32, #tpu.memory_space<vmem>> -> memref<128x128xf32, #tpu.memory_space<vmem>>
        %dma_start3A_376 = arith.constant 0 : i32
        %dma_start3A_377 = tpu.memref_slice %arg7[%dma_start3A_368, %dma_start3A_369, %dma_start3A_376] : memref<4x1x128xi32, #tpu.memory_space<vmem>> -> memref<1x1x128xi32, #tpu.memory_space<vmem>>
        %dma_start3A_378 = tpu.memref_squeeze %dma_start3A_377 : memref<1x1x128xi32, #tpu.memory_space<vmem>> -> memref<128xi32, #tpu.memory_space<vmem>>
        %dma_start3A_379 = arith.constant 0 : i32
        %dma_start3A_380 = arith.constant 0 : i32
        %dma_start3A_381 = tpu.memref_slice %arg2[%dma_start3A_379, %dma_start3A_380] : memref<10240x128xf32, #tpu.memory_space<hbm>> -> memref<10240x128xf32, #tpu.memory_space<hbm>>
        %dma_start3A_382 = tpu.memref_slice %arg10[%dma_start3A_371] : memref<2x!tpu.dma_semaphore, #tpu.memory_space<semaphore_mem>> -> memref<1x!tpu.dma_semaphore, #tpu.memory_space<semaphore_mem>>
        %dma_start3A_383 = tpu.memref_squeeze %dma_start3A_382 : memref<1x!tpu.dma_semaphore, #tpu.memory_space<semaphore_mem>> -> memref<!tpu.dma_semaphore, #tpu.memory_space<semaphore_mem>>
        tpu.enqueue_indirect_dma source(%dma_start3A_381 : memref<10240x128xf32, #tpu.memory_space<hbm>>) target(%dma_start3A_375 : memref<128x128xf32, #tpu.memory_space<vmem>>) offsets(%dma_start3A_378 : memref<128xi32, #tpu.memory_space<vmem>>) semaphore(%dma_start3A_383 : memref<!tpu.dma_semaphore, #tpu.memory_space<semaphore_mem>>)
      } else {
      }
    }
    %scan3A_203 = arith.constant 20 : i32
    %barrier3A_204 = arith.constant 0 : index
    tpu.barrier barrier_id(%barrier3A_204)
    "tpu.region"() ({
      %run_scoped3A_205 = tpu.sem_alloc : memref<!tpu.dma_semaphore, #tpu.memory_space<semaphore_mem>>
      %dma_start3A_206 = arith.constant 0 : i32
      %dma_start3A_207 = arith.constant 0 : i32
      %dma_start3A_208 = tpu.memref_slice %arg5[%arg0, %dma_start3A_206, %dma_start3A_207] : memref<2x10240x128xf32, #tpu.memory_space<hbm>> -> memref<1x10240x128xf32, #tpu.memory_space<hbm>>
      %dma_start3A_209 = tpu.memref_squeeze %dma_start3A_208 : memref<1x10240x128xf32, #tpu.memory_space<hbm>> -> memref<10240x128xf32, #tpu.memory_space<hbm>>
      %dma_start3A_210 = arith.constant 0 : i32
      %dma_start3A_211 = tpu.memref_slice %dma_start3A_209[%mul3A_2, %dma_start3A_210] : memref<10240x128xf32, #tpu.memory_space<hbm>> -> memref<640x128xf32, #tpu.memory_space<hbm>>
      %dma_start3A_212 = arith.constant 0 : i32
      %dma_start3A_213 = tpu.memref_slice %arg9[%mul3A_2, %dma_start3A_212] : memref<10240x128xf32, #tpu.memory_space<vmem_shared>> -> memref<640x128xf32, #tpu.memory_space<vmem_shared>>
      tpu.enqueue_dma source(%dma_start3A_213 : memref<640x128xf32, #tpu.memory_space<vmem_shared>>) target(%dma_start3A_211 : memref<640x128xf32, #tpu.memory_space<hbm>>) target_semaphore(%run_scoped3A_205 : memref<!tpu.dma_semaphore, #tpu.memory_space<semaphore_mem>>)
      %dma_wait3A_214 = arith.constant 0 : i32
      %dma_wait3A_215 = arith.constant 0 : i32
      %dma_wait3A_216 = tpu.memref_slice %arg5[%arg0, %dma_wait3A_214, %dma_wait3A_215] : memref<2x10240x128xf32, #tpu.memory_space<hbm>> -> memref<1x10240x128xf32, #tpu.memory_space<hbm>>
      %dma_wait3A_217 = tpu.memref_squeeze %dma_wait3A_216 : memref<1x10240x128xf32, #tpu.memory_space<hbm>> -> memref<10240x128xf32, #tpu.memory_space<hbm>>
      %dma_wait3A_218 = arith.constant 0 : i32
      %dma_wait3A_219 = tpu.memref_slice %dma_wait3A_217[%mul3A_2, %dma_wait3A_218] : memref<10240x128xf32, #tpu.memory_space<hbm>> -> memref<640x128xf32, #tpu.memory_space<hbm>>
      %dma_wait3A_220 = arith.constant 0 : i32
      %dma_wait3A_221 = tpu.memref_slice %arg9[%mul3A_2, %dma_wait3A_220] : memref<10240x128xf32, #tpu.memory_space<vmem_shared>> -> memref<640x128xf32, #tpu.memory_space<vmem_shared>>
      tpu.wait_dma2 semaphore(%run_scoped3A_205 : memref<!tpu.dma_semaphore, #tpu.memory_space<semaphore_mem>>) src(%dma_wait3A_221 : memref<640x128xf32, #tpu.memory_space<vmem_shared>>) dst(%dma_wait3A_219 : memref<640x128xf32, #tpu.memory_space<hbm>>)
      tpu.yield
    }) : () -> ()
    return
  }
}

#map = affine_map<(d0, d1) -> (0, 0)>
#map1 = affine_map<(d0, d1) -> (0, 0, 0)>
module attributes {stable_mosaic.version = 14 : i64} {
  func.func @_conv_body(%arg0: i32, %arg1: i32, %arg2: memref<10240x128xf32, #tpu.memory_space<hbm>>, %arg3: memref<2560x1x128xi32, #tpu.memory_space<hbm>>, %arg4: memref<2560x128xi32, #tpu.memory_space<hbm>>, %arg5: memref<2x10240x128xf32, #tpu.memory_space<hbm>>, %arg6: memref<2x128x128xf32, #tpu.memory_space<vmem>>, %arg7: memref<4x1x128xi32, #tpu.memory_space<vmem>>, %arg8: memref<80x128xi32, #tpu.memory_space<vmem>>, %arg9: memref<10240x128xf32, #tpu.memory_space<vmem_shared>>, %arg10: memref<2x!tpu.dma_semaphore, #tpu.memory_space<semaphore_mem>>, %arg11: memref<4x!tpu.dma_semaphore, #tpu.memory_space<semaphore_mem>>) attributes {dimension_semantics = [#tpu.dimension_semantics<core_parallel>, #tpu.dimension_semantics<subcore_parallel>], iteration_bounds = array<i64: 2, 16>, scalar_prefetch = 0 : i64, scratch_operands = 6 : i64, tpu.core_type = #tpu.core_type<sc_vector_subcore>, window_params = [{transform_indices = #map}, {transform_indices = #map1}, {transform_indices = #map}, {transform_indices = #map1}]} {
    %mul3A = arith.constant 16 : i32
    %mul3A_0 = arith.muli %arg0, %mul3A : i32
    %add3A = arith.addi %mul3A_0, %arg1 : i32
    %mul3A_1 = arith.constant 640 : i32
    %mul3A_2 = arith.muli %arg1, %mul3A_1 : i32
    %mul3A_3 = arith.constant 80 : i32
    %mul3A_4 = arith.muli %add3A, %mul3A_3 : i32
    "tpu.region"() ({
      %run_scoped3A_205 = tpu.sem_alloc : memref<!tpu.dma_semaphore, #tpu.memory_space<semaphore_mem>>
      %dma_start3A_206 = arith.constant 0 : i32
      %dma_start3A_207 = tpu.memref_slice %arg4[%mul3A_4, %dma_start3A_206] : memref<2560x128xi32, #tpu.memory_space<hbm>> -> memref<80x128xi32, #tpu.memory_space<hbm>>
      %dma_start3A_208 = arith.constant 0 : i32
      %dma_start3A_209 = tpu.memref_slice %arg4[%mul3A_4, %dma_start3A_208] : memref<2560x128xi32, #tpu.memory_space<hbm>> -> memref<80x128xi32, #tpu.memory_space<hbm>>
      tpu.enqueue_dma source(%dma_start3A_209 : memref<80x128xi32, #tpu.memory_space<hbm>>) target(%arg8 : memref<80x128xi32, #tpu.memory_space<vmem>>) target_semaphore(%run_scoped3A_205 : memref<!tpu.dma_semaphore, #tpu.memory_space<semaphore_mem>>)
      %dma_wait3A_210 = arith.constant 0 : i32
      %dma_wait3A_211 = tpu.memref_slice %arg4[%mul3A_4, %dma_wait3A_210] : memref<2560x128xi32, #tpu.memory_space<hbm>> -> memref<80x128xi32, #tpu.memory_space<hbm>>
      %dma_wait3A_212 = arith.constant 0 : i32
      %dma_wait3A_213 = tpu.memref_slice %arg4[%mul3A_4, %dma_wait3A_212] : memref<2560x128xi32, #tpu.memory_space<hbm>> -> memref<80x128xi32, #tpu.memory_space<hbm>>
      tpu.wait_dma2 semaphore(%run_scoped3A_205 : memref<!tpu.dma_semaphore, #tpu.memory_space<semaphore_mem>>) src(%dma_wait3A_213 : memref<80x128xi32, #tpu.memory_space<hbm>>) dst(%arg8 : memref<80x128xi32, #tpu.memory_space<vmem>>)
      tpu.yield
    }) : () -> ()
    %mul3A_5 = arith.constant 80 : i32
    %mul3A_6 = arith.muli %add3A, %mul3A_5 : i32
    %add3A_7 = arith.constant 0 : i32
    %add3A_8 = arith.addi %mul3A_6, %add3A_7 : i32
    %dma_start3A = arith.constant 0 : i32
    %dma_start3A_9 = arith.constant 0 : i32
    %dma_start3A_10 = arith.constant 0 : i32
    %dma_start3A_11 = arith.constant 0 : i32
    %dma_start3A_12 = tpu.memref_slice %arg7[%dma_start3A, %dma_start3A_10, %dma_start3A_11] : memref<4x1x128xi32, #tpu.memory_space<vmem>> -> memref<1x1x128xi32, #tpu.memory_space<vmem>>
    %dma_start3A_13 = tpu.memref_squeeze %dma_start3A_12 : memref<1x1x128xi32, #tpu.memory_space<vmem>> -> memref<1x128xi32, #tpu.memory_space<vmem>>
    %dma_start3A_14 = arith.constant 0 : i32
    %dma_start3A_15 = arith.constant 0 : i32
    %dma_start3A_16 = tpu.memref_slice %arg3[%add3A_8, %dma_start3A_14, %dma_start3A_15] : memref<2560x1x128xi32, #tpu.memory_space<hbm>> -> memref<1x1x128xi32, #tpu.memory_space<hbm>>
    %dma_start3A_17 = tpu.memref_squeeze %dma_start3A_16 : memref<1x1x128xi32, #tpu.memory_space<hbm>> -> memref<1x128xi32, #tpu.memory_space<hbm>>
    %dma_start3A_18 = tpu.memref_slice %arg11[%dma_start3A_9] : memref<4x!tpu.dma_semaphore, #tpu.memory_space<semaphore_mem>> -> memref<1x!tpu.dma_semaphore, #tpu.memory_space<semaphore_mem>>
    %dma_start3A_19 = tpu.memref_squeeze %dma_start3A_18 : memref<1x!tpu.dma_semaphore, #tpu.memory_space<semaphore_mem>> -> memref<!tpu.dma_semaphore, #tpu.memory_space<semaphore_mem>>
    %dma_start3A_20 = arith.constant 0 : i32
    %dma_start3A_21 = arith.constant 0 : i32
    %dma_start3A_22 = tpu.memref_slice %arg7[%dma_start3A, %dma_start3A_20, %dma_start3A_21] : memref<4x1x128xi32, #tpu.memory_space<vmem>> -> memref<1x1x128xi32, #tpu.memory_space<vmem>>
    %dma_start3A_23 = tpu.memref_squeeze %dma_start3A_22 : memref<1x1x128xi32, #tpu.memory_space<vmem>> -> memref<1x128xi32, #tpu.memory_space<vmem>>
    %dma_start3A_24 = arith.constant 0 : i32
    %dma_start3A_25 = arith.constant 0 : i32
    %dma_start3A_26 = tpu.memref_slice %arg3[%add3A_8, %dma_start3A_24, %dma_start3A_25] : memref<2560x1x128xi32, #tpu.memory_space<hbm>> -> memref<1x1x128xi32, #tpu.memory_space<hbm>>
    %dma_start3A_27 = tpu.memref_squeeze %dma_start3A_26 : memref<1x1x128xi32, #tpu.memory_space<hbm>> -> memref<1x128xi32, #tpu.memory_space<hbm>>
    tpu.enqueue_dma source(%dma_start3A_27 : memref<1x128xi32, #tpu.memory_space<hbm>>) target(%dma_start3A_23 : memref<1x128xi32, #tpu.memory_space<vmem>>) target_semaphore(%dma_start3A_19 : memref<!tpu.dma_semaphore, #tpu.memory_space<semaphore_mem>>)
    %mul3A_28 = arith.constant 80 : i32
    %mul3A_29 = arith.muli %add3A, %mul3A_28 : i32
    %add3A_30 = arith.constant 1 : i32
    %add3A_31 = arith.addi %mul3A_29, %add3A_30 : i32
    %dma_start3A_32 = arith.constant 1 : i32
    %dma_start3A_33 = arith.constant 1 : i32
    %dma_start3A_34 = arith.constant 0 : i32
    %dma_start3A_35 = arith.constant 0 : i32
    %dma_start3A_36 = tpu.memref_slice %arg7[%dma_start3A_32, %dma_start3A_34, %dma_start3A_35] : memref<4x1x128xi32, #tpu.memory_space<vmem>> -> memref<1x1x128xi32, #tpu.memory_space<vmem>>
    %dma_start3A_37 = tpu.memref_squeeze %dma_start3A_36 : memref<1x1x128xi32, #tpu.memory_space<vmem>> -> memref<1x128xi32, #tpu.memory_space<vmem>>
    %dma_start3A_38 = arith.constant 0 : i32
    %dma_start3A_39 = arith.constant 0 : i32
    %dma_start3A_40 = tpu.memref_slice %arg3[%add3A_31, %dma_start3A_38, %dma_start3A_39] : memref<2560x1x128xi32, #tpu.memory_space<hbm>> -> memref<1x1x128xi32, #tpu.memory_space<hbm>>
    %dma_start3A_41 = tpu.memref_squeeze %dma_start3A_40 : memref<1x1x128xi32, #tpu.memory_space<hbm>> -> memref<1x128xi32, #tpu.memory_space<hbm>>
    %dma_start3A_42 = tpu.memref_slice %arg11[%dma_start3A_33] : memref<4x!tpu.dma_semaphore, #tpu.memory_space<semaphore_mem>> -> memref<1x!tpu.dma_semaphore, #tpu.memory_space<semaphore_mem>>
    %dma_start3A_43 = tpu.memref_squeeze %dma_start3A_42 : memref<1x!tpu.dma_semaphore, #tpu.memory_space<semaphore_mem>> -> memref<!tpu.dma_semaphore, #tpu.memory_space<semaphore_mem>>
    %dma_start3A_44 = arith.constant 0 : i32
    %dma_start3A_45 = arith.constant 0 : i32
    %dma_start3A_46 = tpu.memref_slice %arg7[%dma_start3A_32, %dma_start3A_44, %dma_start3A_45] : memref<4x1x128xi32, #tpu.memory_space<vmem>> -> memref<1x1x128xi32, #tpu.memory_space<vmem>>
    %dma_start3A_47 = tpu.memref_squeeze %dma_start3A_46 : memref<1x1x128xi32, #tpu.memory_space<vmem>> -> memref<1x128xi32, #tpu.memory_space<vmem>>
    %dma_start3A_48 = arith.constant 0 : i32
    %dma_start3A_49 = arith.constant 0 : i32
    %dma_start3A_50 = tpu.memref_slice %arg3[%add3A_31, %dma_start3A_48, %dma_start3A_49] : memref<2560x1x128xi32, #tpu.memory_space<hbm>> -> memref<1x1x128xi32, #tpu.memory_space<hbm>>
    %dma_start3A_51 = tpu.memref_squeeze %dma_start3A_50 : memref<1x1x128xi32, #tpu.memory_space<hbm>> -> memref<1x128xi32, #tpu.memory_space<hbm>>
    tpu.enqueue_dma source(%dma_start3A_51 : memref<1x128xi32, #tpu.memory_space<hbm>>) target(%dma_start3A_47 : memref<1x128xi32, #tpu.memory_space<vmem>>) target_semaphore(%dma_start3A_43 : memref<!tpu.dma_semaphore, #tpu.memory_space<semaphore_mem>>)
    %mul3A_52 = arith.constant 80 : i32
    %mul3A_53 = arith.muli %add3A, %mul3A_52 : i32
    %add3A_54 = arith.constant 2 : i32
    %add3A_55 = arith.addi %mul3A_53, %add3A_54 : i32
    %dma_start3A_56 = arith.constant 2 : i32
    %dma_start3A_57 = arith.constant 2 : i32
    %dma_start3A_58 = arith.constant 0 : i32
    %dma_start3A_59 = arith.constant 0 : i32
    %dma_start3A_60 = tpu.memref_slice %arg7[%dma_start3A_56, %dma_start3A_58, %dma_start3A_59] : memref<4x1x128xi32, #tpu.memory_space<vmem>> -> memref<1x1x128xi32, #tpu.memory_space<vmem>>
    %dma_start3A_61 = tpu.memref_squeeze %dma_start3A_60 : memref<1x1x128xi32, #tpu.memory_space<vmem>> -> memref<1x128xi32, #tpu.memory_space<vmem>>
    %dma_start3A_62 = arith.constant 0 : i32
    %dma_start3A_63 = arith.constant 0 : i32
    %dma_start3A_64 = tpu.memref_slice %arg3[%add3A_55, %dma_start3A_62, %dma_start3A_63] : memref<2560x1x128xi32, #tpu.memory_space<hbm>> -> memref<1x1x128xi32, #tpu.memory_space<hbm>>
    %dma_start3A_65 = tpu.memref_squeeze %dma_start3A_64 : memref<1x1x128xi32, #tpu.memory_space<hbm>> -> memref<1x128xi32, #tpu.memory_space<hbm>>
    %dma_start3A_66 = tpu.memref_slice %arg11[%dma_start3A_57] : memref<4x!tpu.dma_semaphore, #tpu.memory_space<semaphore_mem>> -> memref<1x!tpu.dma_semaphore, #tpu.memory_space<semaphore_mem>>
    %dma_start3A_67 = tpu.memref_squeeze %dma_start3A_66 : memref<1x!tpu.dma_semaphore, #tpu.memory_space<semaphore_mem>> -> memref<!tpu.dma_semaphore, #tpu.memory_space<semaphore_mem>>
    %dma_start3A_68 = arith.constant 0 : i32
    %dma_start3A_69 = arith.constant 0 : i32
    %dma_start3A_70 = tpu.memref_slice %arg7[%dma_start3A_56, %dma_start3A_68, %dma_start3A_69] : memref<4x1x128xi32, #tpu.memory_space<vmem>> -> memref<1x1x128xi32, #tpu.memory_space<vmem>>
    %dma_start3A_71 = tpu.memref_squeeze %dma_start3A_70 : memref<1x1x128xi32, #tpu.memory_space<vmem>> -> memref<1x128xi32, #tpu.memory_space<vmem>>
    %dma_start3A_72 = arith.constant 0 : i32
    %dma_start3A_73 = arith.constant 0 : i32
    %dma_start3A_74 = tpu.memref_slice %arg3[%add3A_55, %dma_start3A_72, %dma_start3A_73] : memref<2560x1x128xi32, #tpu.memory_space<hbm>> -> memref<1x1x128xi32, #tpu.memory_space<hbm>>
    %dma_start3A_75 = tpu.memref_squeeze %dma_start3A_74 : memref<1x1x128xi32, #tpu.memory_space<hbm>> -> memref<1x128xi32, #tpu.memory_space<hbm>>
    tpu.enqueue_dma source(%dma_start3A_75 : memref<1x128xi32, #tpu.memory_space<hbm>>) target(%dma_start3A_71 : memref<1x128xi32, #tpu.memory_space<vmem>>) target_semaphore(%dma_start3A_67 : memref<!tpu.dma_semaphore, #tpu.memory_space<semaphore_mem>>)
    %mul3A_76 = arith.constant 80 : i32
    %mul3A_77 = arith.muli %add3A, %mul3A_76 : i32
    %add3A_78 = arith.constant 3 : i32
    %add3A_79 = arith.addi %mul3A_77, %add3A_78 : i32
    %dma_start3A_80 = arith.constant 3 : i32
    %dma_start3A_81 = arith.constant 3 : i32
    %dma_start3A_82 = arith.constant 0 : i32
    %dma_start3A_83 = arith.constant 0 : i32
    %dma_start3A_84 = tpu.memref_slice %arg7[%dma_start3A_80, %dma_start3A_82, %dma_start3A_83] : memref<4x1x128xi32, #tpu.memory_space<vmem>> -> memref<1x1x128xi32, #tpu.memory_space<vmem>>
    %dma_start3A_85 = tpu.memref_squeeze %dma_start3A_84 : memref<1x1x128xi32, #tpu.memory_space<vmem>> -> memref<1x128xi32, #tpu.memory_space<vmem>>
    %dma_start3A_86 = arith.constant 0 : i32
    %dma_start3A_87 = arith.constant 0 : i32
    %dma_start3A_88 = tpu.memref_slice %arg3[%add3A_79, %dma_start3A_86, %dma_start3A_87] : memref<2560x1x128xi32, #tpu.memory_space<hbm>> -> memref<1x1x128xi32, #tpu.memory_space<hbm>>
    %dma_start3A_89 = tpu.memref_squeeze %dma_start3A_88 : memref<1x1x128xi32, #tpu.memory_space<hbm>> -> memref<1x128xi32, #tpu.memory_space<hbm>>
    %dma_start3A_90 = tpu.memref_slice %arg11[%dma_start3A_81] : memref<4x!tpu.dma_semaphore, #tpu.memory_space<semaphore_mem>> -> memref<1x!tpu.dma_semaphore, #tpu.memory_space<semaphore_mem>>
    %dma_start3A_91 = tpu.memref_squeeze %dma_start3A_90 : memref<1x!tpu.dma_semaphore, #tpu.memory_space<semaphore_mem>> -> memref<!tpu.dma_semaphore, #tpu.memory_space<semaphore_mem>>
    %dma_start3A_92 = arith.constant 0 : i32
    %dma_start3A_93 = arith.constant 0 : i32
    %dma_start3A_94 = tpu.memref_slice %arg7[%dma_start3A_80, %dma_start3A_92, %dma_start3A_93] : memref<4x1x128xi32, #tpu.memory_space<vmem>> -> memref<1x1x128xi32, #tpu.memory_space<vmem>>
    %dma_start3A_95 = tpu.memref_squeeze %dma_start3A_94 : memref<1x1x128xi32, #tpu.memory_space<vmem>> -> memref<1x128xi32, #tpu.memory_space<vmem>>
    %dma_start3A_96 = arith.constant 0 : i32
    %dma_start3A_97 = arith.constant 0 : i32
    %dma_start3A_98 = tpu.memref_slice %arg3[%add3A_79, %dma_start3A_96, %dma_start3A_97] : memref<2560x1x128xi32, #tpu.memory_space<hbm>> -> memref<1x1x128xi32, #tpu.memory_space<hbm>>
    %dma_start3A_99 = tpu.memref_squeeze %dma_start3A_98 : memref<1x1x128xi32, #tpu.memory_space<hbm>> -> memref<1x128xi32, #tpu.memory_space<hbm>>
    tpu.enqueue_dma source(%dma_start3A_99 : memref<1x128xi32, #tpu.memory_space<hbm>>) target(%dma_start3A_95 : memref<1x128xi32, #tpu.memory_space<vmem>>) target_semaphore(%dma_start3A_91 : memref<!tpu.dma_semaphore, #tpu.memory_space<semaphore_mem>>)
    %scan3A = arith.constant 0 : i32
    %scan3A_100 = arith.constant 0 : i32
    %scan3A_101 = arith.constant 128 : i32
    %scan3A_102 = arith.addi %scan3A_100, %scan3A_101 : i32
    %scan3A_103 = arith.constant 1 : i32
    scf.for %scan3A_205 = %scan3A_100 to %scan3A_102 step %scan3A_103  : i32 {
      %broadcast_in_dim3A = arith.constant 0.000000e+00 : f32
      %broadcast_in_dim3A_206 = vector.broadcast %broadcast_in_dim3A : f32 to vector<16xf32>
      %swap3A = arith.constant 0 : i32
      %swap3A_207 = arith.index_cast %swap3A : i32 to index
      %swap3A_208 = arith.index_cast %scan3A_205 : i32 to index
      %swap3A_209 = arith.constant 0 : index
      %swap3A_210 = tpu.vector_load %arg6[%swap3A_207, %swap3A_208, %swap3A_209] {strides = array<i32>} : memref<2x128x128xf32, #tpu.memory_space<vmem>>, vector<1x1x16xf32>,
      %swap3A_211 = vector.shape_cast %swap3A_210 : vector<1x1x16xf32> to vector<16xf32>
      %swap3A_212 = vector.shape_cast %broadcast_in_dim3A_206 : vector<16xf32> to vector<1x1x16xf32>
      tpu.vector_store %arg6[%swap3A_207, %swap3A_208, %swap3A_209], %swap3A_212 {strides = array<i32>} : memref<2x128x128xf32, #tpu.memory_space<vmem>>, vector<1x1x16xf32>,
      %broadcast_in_dim3A_213 = arith.constant 0.000000e+00 : f32
      %broadcast_in_dim3A_214 = vector.broadcast %broadcast_in_dim3A_213 : f32 to vector<16xf32>
      %swap3A_215 = arith.constant 0 : i32
      %swap3A_216 = arith.index_cast %swap3A_215 : i32 to index
      %swap3A_217 = arith.index_cast %scan3A_205 : i32 to index
      %swap3A_218 = arith.constant 16 : index
      %swap3A_219 = tpu.vector_load %arg6[%swap3A_216, %swap3A_217, %swap3A_218] {strides = array<i32>} : memref<2x128x128xf32, #tpu.memory_space<vmem>>, vector<1x1x16xf32>,
      %swap3A_220 = vector.shape_cast %swap3A_219 : vector<1x1x16xf32> to vector<16xf32>
      %swap3A_221 = vector.shape_cast %broadcast_in_dim3A_214 : vector<16xf32> to vector<1x1x16xf32>
      tpu.vector_store %arg6[%swap3A_216, %swap3A_217, %swap3A_218], %swap3A_221 {strides = array<i32>} : memref<2x128x128xf32, #tpu.memory_space<vmem>>, vector<1x1x16xf32>,
      %broadcast_in_dim3A_222 = arith.constant 0.000000e+00 : f32
      %broadcast_in_dim3A_223 = vector.broadcast %broadcast_in_dim3A_222 : f32 to vector<16xf32>
      %swap3A_224 = arith.constant 0 : i32
      %swap3A_225 = arith.index_cast %swap3A_224 : i32 to index
      %swap3A_226 = arith.index_cast %scan3A_205 : i32 to index
      %swap3A_227 = arith.constant 32 : index
      %swap3A_228 = tpu.vector_load %arg6[%swap3A_225, %swap3A_226, %swap3A_227] {strides = array<i32>} : memref<2x128x128xf32, #tpu.memory_space<vmem>>, vector<1x1x16xf32>,
      %swap3A_229 = vector.shape_cast %swap3A_228 : vector<1x1x16xf32> to vector<16xf32>
      %swap3A_230 = vector.shape_cast %broadcast_in_dim3A_223 : vector<16xf32> to vector<1x1x16xf32>
      tpu.vector_store %arg6[%swap3A_225, %swap3A_226, %swap3A_227], %swap3A_230 {strides = array<i32>} : memref<2x128x128xf32, #tpu.memory_space<vmem>>, vector<1x1x16xf32>,
      %broadcast_in_dim3A_231 = arith.constant 0.000000e+00 : f32
      %broadcast_in_dim3A_232 = vector.broadcast %broadcast_in_dim3A_231 : f32 to vector<16xf32>
      %swap3A_233 = arith.constant 0 : i32
      %swap3A_234 = arith.index_cast %swap3A_233 : i32 to index
      %swap3A_235 = arith.index_cast %scan3A_205 : i32 to index
      %swap3A_236 = arith.constant 48 : index
      %swap3A_237 = tpu.vector_load %arg6[%swap3A_234, %swap3A_235, %swap3A_236] {strides = array<i32>} : memref<2x128x128xf32, #tpu.memory_space<vmem>>, vector<1x1x16xf32>,
      %swap3A_238 = vector.shape_cast %swap3A_237 : vector<1x1x16xf32> to vector<16xf32>
      %swap3A_239 = vector.shape_cast %broadcast_in_dim3A_232 : vector<16xf32> to vector<1x1x16xf32>
      tpu.vector_store %arg6[%swap3A_234, %swap3A_235, %swap3A_236], %swap3A_239 {strides = array<i32>} : memref<2x128x128xf32, #tpu.memory_space<vmem>>, vector<1x1x16xf32>,
      %broadcast_in_dim3A_240 = arith.constant 0.000000e+00 : f32
      %broadcast_in_dim3A_241 = vector.broadcast %broadcast_in_dim3A_240 : f32 to vector<16xf32>
      %swap3A_242 = arith.constant 0 : i32
      %swap3A_243 = arith.index_cast %swap3A_242 : i32 to index
      %swap3A_244 = arith.index_cast %scan3A_205 : i32 to index
      %swap3A_245 = arith.constant 64 : index
      %swap3A_246 = tpu.vector_load %arg6[%swap3A_243, %swap3A_244, %swap3A_245] {strides = array<i32>} : memref<2x128x128xf32, #tpu.memory_space<vmem>>, vector<1x1x16xf32>,
      %swap3A_247 = vector.shape_cast %swap3A_246 : vector<1x1x16xf32> to vector<16xf32>
      %swap3A_248 = vector.shape_cast %broadcast_in_dim3A_241 : vector<16xf32> to vector<1x1x16xf32>
      tpu.vector_store %arg6[%swap3A_243, %swap3A_244, %swap3A_245], %swap3A_248 {strides = array<i32>} : memref<2x128x128xf32, #tpu.memory_space<vmem>>, vector<1x1x16xf32>,
      %broadcast_in_dim3A_249 = arith.constant 0.000000e+00 : f32
      %broadcast_in_dim3A_250 = vector.broadcast %broadcast_in_dim3A_249 : f32 to vector<16xf32>
      %swap3A_251 = arith.constant 0 : i32
      %swap3A_252 = arith.index_cast %swap3A_251 : i32 to index
      %swap3A_253 = arith.index_cast %scan3A_205 : i32 to index
      %swap3A_254 = arith.constant 80 : index
      %swap3A_255 = tpu.vector_load %arg6[%swap3A_252, %swap3A_253, %swap3A_254] {strides = array<i32>} : memref<2x128x128xf32, #tpu.memory_space<vmem>>, vector<1x1x16xf32>,
      %swap3A_256 = vector.shape_cast %swap3A_255 : vector<1x1x16xf32> to vector<16xf32>
      %swap3A_257 = vector.shape_cast %broadcast_in_dim3A_250 : vector<16xf32> to vector<1x1x16xf32>
      tpu.vector_store %arg6[%swap3A_252, %swap3A_253, %swap3A_254], %swap3A_257 {strides = array<i32>} : memref<2x128x128xf32, #tpu.memory_space<vmem>>, vector<1x1x16xf32>,
      %broadcast_in_dim3A_258 = arith.constant 0.000000e+00 : f32
      %broadcast_in_dim3A_259 = vector.broadcast %broadcast_in_dim3A_258 : f32 to vector<16xf32>
      %swap3A_260 = arith.constant 0 : i32
      %swap3A_261 = arith.index_cast %swap3A_260 : i32 to index
      %swap3A_262 = arith.index_cast %scan3A_205 : i32 to index
      %swap3A_263 = arith.constant 96 : index
      %swap3A_264 = tpu.vector_load %arg6[%swap3A_261, %swap3A_262, %swap3A_263] {strides = array<i32>} : memref<2x128x128xf32, #tpu.memory_space<vmem>>, vector<1x1x16xf32>,
      %swap3A_265 = vector.shape_cast %swap3A_264 : vector<1x1x16xf32> to vector<16xf32>
      %swap3A_266 = vector.shape_cast %broadcast_in_dim3A_259 : vector<16xf32> to vector<1x1x16xf32>
      tpu.vector_store %arg6[%swap3A_261, %swap3A_262, %swap3A_263], %swap3A_266 {strides = array<i32>} : memref<2x128x128xf32, #tpu.memory_space<vmem>>, vector<1x1x16xf32>,
      %broadcast_in_dim3A_267 = arith.constant 0.000000e+00 : f32
      %broadcast_in_dim3A_268 = vector.broadcast %broadcast_in_dim3A_267 : f32 to vector<16xf32>
      %swap3A_269 = arith.constant 0 : i32
      %swap3A_270 = arith.index_cast %swap3A_269 : i32 to index
      %swap3A_271 = arith.index_cast %scan3A_205 : i32 to index
      %swap3A_272 = arith.constant 112 : index
      %swap3A_273 = tpu.vector_load %arg6[%swap3A_270, %swap3A_271, %swap3A_272] {strides = array<i32>} : memref<2x128x128xf32, #tpu.memory_space<vmem>>, vector<1x1x16xf32>,
      %swap3A_274 = vector.shape_cast %swap3A_273 : vector<1x1x16xf32> to vector<16xf32>
      %swap3A_275 = vector.shape_cast %broadcast_in_dim3A_268 : vector<16xf32> to vector<1x1x16xf32>
      tpu.vector_store %arg6[%swap3A_270, %swap3A_271, %swap3A_272], %swap3A_275 {strides = array<i32>} : memref<2x128x128xf32, #tpu.memory_space<vmem>>, vector<1x1x16xf32>,
    }
    %scan3A_104 = arith.constant 128 : i32
    %add3A_105 = arith.constant 0 : i32
    %add3A_106 = arith.addi %mul3A_2, %add3A_105 : i32
    %run_scoped3A = arith.constant 0 : i32
    "tpu.region"() ({
      %run_scoped3A_205 = tpu.sem_alloc : memref<!tpu.dma_semaphore, #tpu.memory_space<semaphore_mem>>
      %dma_start3A_206 = arith.constant 0 : i32
      %dma_start3A_207 = arith.constant 0 : i32
      %dma_start3A_208 = tpu.memref_slice %arg6[%run_scoped3A, %dma_start3A_206, %dma_start3A_207] : memref<2x128x128xf32, #tpu.memory_space<vmem>> -> memref<1x128x128xf32, #tpu.memory_space<vmem>>
      %dma_start3A_209 = tpu.memref_squeeze %dma_start3A_208 : memref<1x128x128xf32, #tpu.memory_space<vmem>> -> memref<128x128xf32, #tpu.memory_space<vmem>>
      %dma_start3A_210 = arith.constant 0 : i32
      %dma_start3A_211 = tpu.memref_slice %arg9[%add3A_106, %dma_start3A_210] : memref<10240x128xf32, #tpu.memory_space<vmem_shared>> -> memref<128x128xf32, #tpu.memory_space<vmem_shared>>
      %dma_start3A_212 = arith.constant 0 : i32
      %dma_start3A_213 = tpu.memref_slice %arg9[%add3A_106, %dma_start3A_212] : memref<10240x128xf32, #tpu.memory_space<vmem_shared>> -> memref<128x128xf32, #tpu.memory_space<vmem_shared>>
      %dma_start3A_214 = arith.constant 0 : i32
      %dma_start3A_215 = arith.constant 0 : i32
      %dma_start3A_216 = tpu.memref_slice %arg6[%run_scoped3A, %dma_start3A_214, %dma_start3A_215] : memref<2x128x128xf32, #tpu.memory_space<vmem>> -> memref<1x128x128xf32, #tpu.memory_space<vmem>>
      %dma_start3A_217 = tpu.memref_squeeze %dma_start3A_216 : memref<1x128x128xf32, #tpu.memory_space<vmem>> -> memref<128x128xf32, #tpu.memory_space<vmem>>
      tpu.enqueue_dma source(%dma_start3A_217 : memref<128x128xf32, #tpu.memory_space<vmem>>) target(%dma_start3A_213 : memref<128x128xf32, #tpu.memory_space<vmem_shared>>) target_semaphore(%run_scoped3A_205 : memref<!tpu.dma_semaphore, #tpu.memory_space<semaphore_mem>>)
      %dma_wait3A_218 = arith.constant 0 : i32
      %dma_wait3A_219 = arith.constant 0 : i32
      %dma_wait3A_220 = tpu.memref_slice %arg6[%run_scoped3A, %dma_wait3A_218, %dma_wait3A_219] : memref<2x128x128xf32, #tpu.memory_space<vmem>> -> memref<1x128x128xf32, #tpu.memory_space<vmem>>
      %dma_wait3A_221 = tpu.memref_squeeze %dma_wait3A_220 : memref<1x128x128xf32, #tpu.memory_space<vmem>> -> memref<128x128xf32, #tpu.memory_space<vmem>>
      %dma_wait3A_222 = arith.constant 0 : i32
      %dma_wait3A_223 = tpu.memref_slice %arg9[%add3A_106, %dma_wait3A_222] : memref<10240x128xf32, #tpu.memory_space<vmem_shared>> -> memref<128x128xf32, #tpu.memory_space<vmem_shared>>
      %dma_wait3A_224 = arith.constant 0 : i32
      %dma_wait3A_225 = tpu.memref_slice %arg9[%add3A_106, %dma_wait3A_224] : memref<10240x128xf32, #tpu.memory_space<vmem_shared>> -> memref<128x128xf32, #tpu.memory_space<vmem_shared>>
      %dma_wait3A_226 = arith.constant 0 : i32
      %dma_wait3A_227 = arith.constant 0 : i32
      %dma_wait3A_228 = tpu.memref_slice %arg6[%run_scoped3A, %dma_wait3A_226, %dma_wait3A_227] : memref<2x128x128xf32, #tpu.memory_space<vmem>> -> memref<1x128x128xf32, #tpu.memory_space<vmem>>
      %dma_wait3A_229 = tpu.memref_squeeze %dma_wait3A_228 : memref<1x128x128xf32, #tpu.memory_space<vmem>> -> memref<128x128xf32, #tpu.memory_space<vmem>>
      tpu.wait_dma2 semaphore(%run_scoped3A_205 : memref<!tpu.dma_semaphore, #tpu.memory_space<semaphore_mem>>) src(%dma_wait3A_229 : memref<128x128xf32, #tpu.memory_space<vmem>>) dst(%dma_wait3A_225 : memref<128x128xf32, #tpu.memory_space<vmem_shared>>)
      tpu.yield
    }) : () -> ()
    %add3A_107 = arith.constant 128 : i32
    %add3A_108 = arith.addi %mul3A_2, %add3A_107 : i32
    %run_scoped3A_109 = arith.constant 0 : i32
    "tpu.region"() ({
      %run_scoped3A_205 = tpu.sem_alloc : memref<!tpu.dma_semaphore, #tpu.memory_space<semaphore_mem>>
      %dma_start3A_206 = arith.constant 0 : i32
      %dma_start3A_207 = arith.constant 0 : i32
      %dma_start3A_208 = tpu.memref_slice %arg6[%run_scoped3A_109, %dma_start3A_206, %dma_start3A_207] : memref<2x128x128xf32, #tpu.memory_space<vmem>> -> memref<1x128x128xf32, #tpu.memory_space<vmem>>
      %dma_start3A_209 = tpu.memref_squeeze %dma_start3A_208 : memref<1x128x128xf32, #tpu.memory_space<vmem>> -> memref<128x128xf32, #tpu.memory_space<vmem>>
      %dma_start3A_210 = arith.constant 0 : i32
      %dma_start3A_211 = tpu.memref_slice %arg9[%add3A_108, %dma_start3A_210] : memref<10240x128xf32, #tpu.memory_space<vmem_shared>> -> memref<128x128xf32, #tpu.memory_space<vmem_shared>>
      %dma_start3A_212 = arith.constant 0 : i32
      %dma_start3A_213 = tpu.memref_slice %arg9[%add3A_108, %dma_start3A_212] : memref<10240x128xf32, #tpu.memory_space<vmem_shared>> -> memref<128x128xf32, #tpu.memory_space<vmem_shared>>
      %dma_start3A_214 = arith.constant 0 : i32
      %dma_start3A_215 = arith.constant 0 : i32
      %dma_start3A_216 = tpu.memref_slice %arg6[%run_scoped3A_109, %dma_start3A_214, %dma_start3A_215] : memref<2x128x128xf32, #tpu.memory_space<vmem>> -> memref<1x128x128xf32, #tpu.memory_space<vmem>>
      %dma_start3A_217 = tpu.memref_squeeze %dma_start3A_216 : memref<1x128x128xf32, #tpu.memory_space<vmem>> -> memref<128x128xf32, #tpu.memory_space<vmem>>
      tpu.enqueue_dma source(%dma_start3A_217 : memref<128x128xf32, #tpu.memory_space<vmem>>) target(%dma_start3A_213 : memref<128x128xf32, #tpu.memory_space<vmem_shared>>) target_semaphore(%run_scoped3A_205 : memref<!tpu.dma_semaphore, #tpu.memory_space<semaphore_mem>>)
      %dma_wait3A_218 = arith.constant 0 : i32
      %dma_wait3A_219 = arith.constant 0 : i32
      %dma_wait3A_220 = tpu.memref_slice %arg6[%run_scoped3A_109, %dma_wait3A_218, %dma_wait3A_219] : memref<2x128x128xf32, #tpu.memory_space<vmem>> -> memref<1x128x128xf32, #tpu.memory_space<vmem>>
      %dma_wait3A_221 = tpu.memref_squeeze %dma_wait3A_220 : memref<1x128x128xf32, #tpu.memory_space<vmem>> -> memref<128x128xf32, #tpu.memory_space<vmem>>
      %dma_wait3A_222 = arith.constant 0 : i32
      %dma_wait3A_223 = tpu.memref_slice %arg9[%add3A_108, %dma_wait3A_222] : memref<10240x128xf32, #tpu.memory_space<vmem_shared>> -> memref<128x128xf32, #tpu.memory_space<vmem_shared>>
      %dma_wait3A_224 = arith.constant 0 : i32
      %dma_wait3A_225 = tpu.memref_slice %arg9[%add3A_108, %dma_wait3A_224] : memref<10240x128xf32, #tpu.memory_space<vmem_shared>> -> memref<128x128xf32, #tpu.memory_space<vmem_shared>>
      %dma_wait3A_226 = arith.constant 0 : i32
      %dma_wait3A_227 = arith.constant 0 : i32
      %dma_wait3A_228 = tpu.memref_slice %arg6[%run_scoped3A_109, %dma_wait3A_226, %dma_wait3A_227] : memref<2x128x128xf32, #tpu.memory_space<vmem>> -> memref<1x128x128xf32, #tpu.memory_space<vmem>>
      %dma_wait3A_229 = tpu.memref_squeeze %dma_wait3A_228 : memref<1x128x128xf32, #tpu.memory_space<vmem>> -> memref<128x128xf32, #tpu.memory_space<vmem>>
      tpu.wait_dma2 semaphore(%run_scoped3A_205 : memref<!tpu.dma_semaphore, #tpu.memory_space<semaphore_mem>>) src(%dma_wait3A_229 : memref<128x128xf32, #tpu.memory_space<vmem>>) dst(%dma_wait3A_225 : memref<128x128xf32, #tpu.memory_space<vmem_shared>>)
      tpu.yield
    }) : () -> ()
    %add3A_110 = arith.constant 256 : i32
    %add3A_111 = arith.addi %mul3A_2, %add3A_110 : i32
    %run_scoped3A_112 = arith.constant 0 : i32
    "tpu.region"() ({
      %run_scoped3A_205 = tpu.sem_alloc : memref<!tpu.dma_semaphore, #tpu.memory_space<semaphore_mem>>
      %dma_start3A_206 = arith.constant 0 : i32
      %dma_start3A_207 = arith.constant 0 : i32
      %dma_start3A_208 = tpu.memref_slice %arg6[%run_scoped3A_112, %dma_start3A_206, %dma_start3A_207] : memref<2x128x128xf32, #tpu.memory_space<vmem>> -> memref<1x128x128xf32, #tpu.memory_space<vmem>>
      %dma_start3A_209 = tpu.memref_squeeze %dma_start3A_208 : memref<1x128x128xf32, #tpu.memory_space<vmem>> -> memref<128x128xf32, #tpu.memory_space<vmem>>
      %dma_start3A_210 = arith.constant 0 : i32
      %dma_start3A_211 = tpu.memref_slice %arg9[%add3A_111, %dma_start3A_210] : memref<10240x128xf32, #tpu.memory_space<vmem_shared>> -> memref<128x128xf32, #tpu.memory_space<vmem_shared>>
      %dma_start3A_212 = arith.constant 0 : i32
      %dma_start3A_213 = tpu.memref_slice %arg9[%add3A_111, %dma_start3A_212] : memref<10240x128xf32, #tpu.memory_space<vmem_shared>> -> memref<128x128xf32, #tpu.memory_space<vmem_shared>>
      %dma_start3A_214 = arith.constant 0 : i32
      %dma_start3A_215 = arith.constant 0 : i32
      %dma_start3A_216 = tpu.memref_slice %arg6[%run_scoped3A_112, %dma_start3A_214, %dma_start3A_215] : memref<2x128x128xf32, #tpu.memory_space<vmem>> -> memref<1x128x128xf32, #tpu.memory_space<vmem>>
      %dma_start3A_217 = tpu.memref_squeeze %dma_start3A_216 : memref<1x128x128xf32, #tpu.memory_space<vmem>> -> memref<128x128xf32, #tpu.memory_space<vmem>>
      tpu.enqueue_dma source(%dma_start3A_217 : memref<128x128xf32, #tpu.memory_space<vmem>>) target(%dma_start3A_213 : memref<128x128xf32, #tpu.memory_space<vmem_shared>>) target_semaphore(%run_scoped3A_205 : memref<!tpu.dma_semaphore, #tpu.memory_space<semaphore_mem>>)
      %dma_wait3A_218 = arith.constant 0 : i32
      %dma_wait3A_219 = arith.constant 0 : i32
      %dma_wait3A_220 = tpu.memref_slice %arg6[%run_scoped3A_112, %dma_wait3A_218, %dma_wait3A_219] : memref<2x128x128xf32, #tpu.memory_space<vmem>> -> memref<1x128x128xf32, #tpu.memory_space<vmem>>
      %dma_wait3A_221 = tpu.memref_squeeze %dma_wait3A_220 : memref<1x128x128xf32, #tpu.memory_space<vmem>> -> memref<128x128xf32, #tpu.memory_space<vmem>>
      %dma_wait3A_222 = arith.constant 0 : i32
      %dma_wait3A_223 = tpu.memref_slice %arg9[%add3A_111, %dma_wait3A_222] : memref<10240x128xf32, #tpu.memory_space<vmem_shared>> -> memref<128x128xf32, #tpu.memory_space<vmem_shared>>
      %dma_wait3A_224 = arith.constant 0 : i32
      %dma_wait3A_225 = tpu.memref_slice %arg9[%add3A_111, %dma_wait3A_224] : memref<10240x128xf32, #tpu.memory_space<vmem_shared>> -> memref<128x128xf32, #tpu.memory_space<vmem_shared>>
      %dma_wait3A_226 = arith.constant 0 : i32
      %dma_wait3A_227 = arith.constant 0 : i32
      %dma_wait3A_228 = tpu.memref_slice %arg6[%run_scoped3A_112, %dma_wait3A_226, %dma_wait3A_227] : memref<2x128x128xf32, #tpu.memory_space<vmem>> -> memref<1x128x128xf32, #tpu.memory_space<vmem>>
      %dma_wait3A_229 = tpu.memref_squeeze %dma_wait3A_228 : memref<1x128x128xf32, #tpu.memory_space<vmem>> -> memref<128x128xf32, #tpu.memory_space<vmem>>
      tpu.wait_dma2 semaphore(%run_scoped3A_205 : memref<!tpu.dma_semaphore, #tpu.memory_space<semaphore_mem>>) src(%dma_wait3A_229 : memref<128x128xf32, #tpu.memory_space<vmem>>) dst(%dma_wait3A_225 : memref<128x128xf32, #tpu.memory_space<vmem_shared>>)
      tpu.yield
    }) : () -> ()
    %add3A_113 = arith.constant 384 : i32
    %add3A_114 = arith.addi %mul3A_2, %add3A_113 : i32
    %run_scoped3A_115 = arith.constant 0 : i32
    "tpu.region"() ({
      %run_scoped3A_205 = tpu.sem_alloc : memref<!tpu.dma_semaphore, #tpu.memory_space<semaphore_mem>>
      %dma_start3A_206 = arith.constant 0 : i32
      %dma_start3A_207 = arith.constant 0 : i32
      %dma_start3A_208 = tpu.memref_slice %arg6[%run_scoped3A_115, %dma_start3A_206, %dma_start3A_207] : memref<2x128x128xf32, #tpu.memory_space<vmem>> -> memref<1x128x128xf32, #tpu.memory_space<vmem>>
      %dma_start3A_209 = tpu.memref_squeeze %dma_start3A_208 : memref<1x128x128xf32, #tpu.memory_space<vmem>> -> memref<128x128xf32, #tpu.memory_space<vmem>>
      %dma_start3A_210 = arith.constant 0 : i32
      %dma_start3A_211 = tpu.memref_slice %arg9[%add3A_114, %dma_start3A_210] : memref<10240x128xf32, #tpu.memory_space<vmem_shared>> -> memref<128x128xf32, #tpu.memory_space<vmem_shared>>
      %dma_start3A_212 = arith.constant 0 : i32
      %dma_start3A_213 = tpu.memref_slice %arg9[%add3A_114, %dma_start3A_212] : memref<10240x128xf32, #tpu.memory_space<vmem_shared>> -> memref<128x128xf32, #tpu.memory_space<vmem_shared>>
      %dma_start3A_214 = arith.constant 0 : i32
      %dma_start3A_215 = arith.constant 0 : i32
      %dma_start3A_216 = tpu.memref_slice %arg6[%run_scoped3A_115, %dma_start3A_214, %dma_start3A_215] : memref<2x128x128xf32, #tpu.memory_space<vmem>> -> memref<1x128x128xf32, #tpu.memory_space<vmem>>
      %dma_start3A_217 = tpu.memref_squeeze %dma_start3A_216 : memref<1x128x128xf32, #tpu.memory_space<vmem>> -> memref<128x128xf32, #tpu.memory_space<vmem>>
      tpu.enqueue_dma source(%dma_start3A_217 : memref<128x128xf32, #tpu.memory_space<vmem>>) target(%dma_start3A_213 : memref<128x128xf32, #tpu.memory_space<vmem_shared>>) target_semaphore(%run_scoped3A_205 : memref<!tpu.dma_semaphore, #tpu.memory_space<semaphore_mem>>)
      %dma_wait3A_218 = arith.constant 0 : i32
      %dma_wait3A_219 = arith.constant 0 : i32
      %dma_wait3A_220 = tpu.memref_slice %arg6[%run_scoped3A_115, %dma_wait3A_218, %dma_wait3A_219] : memref<2x128x128xf32, #tpu.memory_space<vmem>> -> memref<1x128x128xf32, #tpu.memory_space<vmem>>
      %dma_wait3A_221 = tpu.memref_squeeze %dma_wait3A_220 : memref<1x128x128xf32, #tpu.memory_space<vmem>> -> memref<128x128xf32, #tpu.memory_space<vmem>>
      %dma_wait3A_222 = arith.constant 0 : i32
      %dma_wait3A_223 = tpu.memref_slice %arg9[%add3A_114, %dma_wait3A_222] : memref<10240x128xf32, #tpu.memory_space<vmem_shared>> -> memref<128x128xf32, #tpu.memory_space<vmem_shared>>
      %dma_wait3A_224 = arith.constant 0 : i32
      %dma_wait3A_225 = tpu.memref_slice %arg9[%add3A_114, %dma_wait3A_224] : memref<10240x128xf32, #tpu.memory_space<vmem_shared>> -> memref<128x128xf32, #tpu.memory_space<vmem_shared>>
      %dma_wait3A_226 = arith.constant 0 : i32
      %dma_wait3A_227 = arith.constant 0 : i32
      %dma_wait3A_228 = tpu.memref_slice %arg6[%run_scoped3A_115, %dma_wait3A_226, %dma_wait3A_227] : memref<2x128x128xf32, #tpu.memory_space<vmem>> -> memref<1x128x128xf32, #tpu.memory_space<vmem>>
      %dma_wait3A_229 = tpu.memref_squeeze %dma_wait3A_228 : memref<1x128x128xf32, #tpu.memory_space<vmem>> -> memref<128x128xf32, #tpu.memory_space<vmem>>
      tpu.wait_dma2 semaphore(%run_scoped3A_205 : memref<!tpu.dma_semaphore, #tpu.memory_space<semaphore_mem>>) src(%dma_wait3A_229 : memref<128x128xf32, #tpu.memory_space<vmem>>) dst(%dma_wait3A_225 : memref<128x128xf32, #tpu.memory_space<vmem_shared>>)
      tpu.yield
    }) : () -> ()
    %add3A_116 = arith.constant 512 : i32
    %add3A_117 = arith.addi %mul3A_2, %add3A_116 : i32
    %run_scoped3A_118 = arith.constant 0 : i32
    "tpu.region"() ({
      %run_scoped3A_205 = tpu.sem_alloc : memref<!tpu.dma_semaphore, #tpu.memory_space<semaphore_mem>>
      %dma_start3A_206 = arith.constant 0 : i32
      %dma_start3A_207 = arith.constant 0 : i32
      %dma_start3A_208 = tpu.memref_slice %arg6[%run_scoped3A_118, %dma_start3A_206, %dma_start3A_207] : memref<2x128x128xf32, #tpu.memory_space<vmem>> -> memref<1x128x128xf32, #tpu.memory_space<vmem>>
      %dma_start3A_209 = tpu.memref_squeeze %dma_start3A_208 : memref<1x128x128xf32, #tpu.memory_space<vmem>> -> memref<128x128xf32, #tpu.memory_space<vmem>>
      %dma_start3A_210 = arith.constant 0 : i32
      %dma_start3A_211 = tpu.memref_slice %arg9[%add3A_117, %dma_start3A_210] : memref<10240x128xf32, #tpu.memory_space<vmem_shared>> -> memref<128x128xf32, #tpu.memory_space<vmem_shared>>
      %dma_start3A_212 = arith.constant 0 : i32
      %dma_start3A_213 = tpu.memref_slice %arg9[%add3A_117, %dma_start3A_212] : memref<10240x128xf32, #tpu.memory_space<vmem_shared>> -> memref<128x128xf32, #tpu.memory_space<vmem_shared>>
      %dma_start3A_214 = arith.constant 0 : i32
      %dma_start3A_215 = arith.constant 0 : i32
      %dma_start3A_216 = tpu.memref_slice %arg6[%run_scoped3A_118, %dma_start3A_214, %dma_start3A_215] : memref<2x128x128xf32, #tpu.memory_space<vmem>> -> memref<1x128x128xf32, #tpu.memory_space<vmem>>
      %dma_start3A_217 = tpu.memref_squeeze %dma_start3A_216 : memref<1x128x128xf32, #tpu.memory_space<vmem>> -> memref<128x128xf32, #tpu.memory_space<vmem>>
      tpu.enqueue_dma source(%dma_start3A_217 : memref<128x128xf32, #tpu.memory_space<vmem>>) target(%dma_start3A_213 : memref<128x128xf32, #tpu.memory_space<vmem_shared>>) target_semaphore(%run_scoped3A_205 : memref<!tpu.dma_semaphore, #tpu.memory_space<semaphore_mem>>)
      %dma_wait3A_218 = arith.constant 0 : i32
      %dma_wait3A_219 = arith.constant 0 : i32
      %dma_wait3A_220 = tpu.memref_slice %arg6[%run_scoped3A_118, %dma_wait3A_218, %dma_wait3A_219] : memref<2x128x128xf32, #tpu.memory_space<vmem>> -> memref<1x128x128xf32, #tpu.memory_space<vmem>>
      %dma_wait3A_221 = tpu.memref_squeeze %dma_wait3A_220 : memref<1x128x128xf32, #tpu.memory_space<vmem>> -> memref<128x128xf32, #tpu.memory_space<vmem>>
      %dma_wait3A_222 = arith.constant 0 : i32
      %dma_wait3A_223 = tpu.memref_slice %arg9[%add3A_117, %dma_wait3A_222] : memref<10240x128xf32, #tpu.memory_space<vmem_shared>> -> memref<128x128xf32, #tpu.memory_space<vmem_shared>>
      %dma_wait3A_224 = arith.constant 0 : i32
      %dma_wait3A_225 = tpu.memref_slice %arg9[%add3A_117, %dma_wait3A_224] : memref<10240x128xf32, #tpu.memory_space<vmem_shared>> -> memref<128x128xf32, #tpu.memory_space<vmem_shared>>
      %dma_wait3A_226 = arith.constant 0 : i32
      %dma_wait3A_227 = arith.constant 0 : i32
      %dma_wait3A_228 = tpu.memref_slice %arg6[%run_scoped3A_118, %dma_wait3A_226, %dma_wait3A_227] : memref<2x128x128xf32, #tpu.memory_space<vmem>> -> memref<1x128x128xf32, #tpu.memory_space<vmem>>
      %dma_wait3A_229 = tpu.memref_squeeze %dma_wait3A_228 : memref<1x128x128xf32, #tpu.memory_space<vmem>> -> memref<128x128xf32, #tpu.memory_space<vmem>>
      tpu.wait_dma2 semaphore(%run_scoped3A_205 : memref<!tpu.dma_semaphore, #tpu.memory_space<semaphore_mem>>) src(%dma_wait3A_229 : memref<128x128xf32, #tpu.memory_space<vmem>>) dst(%dma_wait3A_225 : memref<128x128xf32, #tpu.memory_space<vmem_shared>>)
      tpu.yield
    }) : () -> ()
    %mul3A_119 = arith.constant 80 : i32
    %mul3A_120 = arith.muli %add3A, %mul3A_119 : i32
    %add3A_121 = arith.constant 0 : i32
    %add3A_122 = arith.addi %mul3A_120, %add3A_121 : i32
    %dma_wait3A = arith.constant 0 : i32
    %dma_wait3A_123 = arith.constant 0 : i32
    %dma_wait3A_124 = arith.constant 0 : i32
    %dma_wait3A_125 = arith.constant 0 : i32
    %dma_wait3A_126 = tpu.memref_slice %arg7[%dma_wait3A, %dma_wait3A_124, %dma_wait3A_125] : memref<4x1x128xi32, #tpu.memory_space<vmem>> -> memref<1x1x128xi32, #tpu.memory_space<vmem>>
    %dma_wait3A_127 = tpu.memref_squeeze %dma_wait3A_126 : memref<1x1x128xi32, #tpu.memory_space<vmem>> -> memref<1x128xi32, #tpu.memory_space<vmem>>
    %dma_wait3A_128 = arith.constant 0 : i32
    %dma_wait3A_129 = arith.constant 0 : i32
    %dma_wait3A_130 = tpu.memref_slice %arg3[%add3A_122, %dma_wait3A_128, %dma_wait3A_129] : memref<2560x1x128xi32, #tpu.memory_space<hbm>> -> memref<1x1x128xi32, #tpu.memory_space<hbm>>
    %dma_wait3A_131 = tpu.memref_squeeze %dma_wait3A_130 : memref<1x1x128xi32, #tpu.memory_space<hbm>> -> memref<1x128xi32, #tpu.memory_space<hbm>>
    %dma_wait3A_132 = tpu.memref_slice %arg11[%dma_wait3A_123] : memref<4x!tpu.dma_semaphore, #tpu.memory_space<semaphore_mem>> -> memref<1x!tpu.dma_semaphore, #tpu.memory_space<semaphore_mem>>
    %dma_wait3A_133 = tpu.memref_squeeze %dma_wait3A_132 : memref<1x!tpu.dma_semaphore, #tpu.memory_space<semaphore_mem>> -> memref<!tpu.dma_semaphore, #tpu.memory_space<semaphore_mem>>
    %dma_wait3A_134 = arith.constant 0 : i32
    %dma_wait3A_135 = arith.constant 0 : i32
    %dma_wait3A_136 = tpu.memref_slice %arg7[%dma_wait3A, %dma_wait3A_134, %dma_wait3A_135] : memref<4x1x128xi32, #tpu.memory_space<vmem>> -> memref<1x1x128xi32, #tpu.memory_space<vmem>>
    %dma_wait3A_137 = tpu.memref_squeeze %dma_wait3A_136 : memref<1x1x128xi32, #tpu.memory_space<vmem>> -> memref<1x128xi32, #tpu.memory_space<vmem>>
    %dma_wait3A_138 = arith.constant 0 : i32
    %dma_wait3A_139 = arith.constant 0 : i32
    %dma_wait3A_140 = tpu.memref_slice %arg3[%add3A_122, %dma_wait3A_138, %dma_wait3A_139] : memref<2560x1x128xi32, #tpu.memory_space<hbm>> -> memref<1x1x128xi32, #tpu.memory_space<hbm>>
    %dma_wait3A_141 = tpu.memref_squeeze %dma_wait3A_140 : memref<1x1x128xi32, #tpu.memory_space<hbm>> -> memref<1x128xi32, #tpu.memory_space<hbm>>
    tpu.wait_dma2 semaphore(%dma_wait3A_133 : memref<!tpu.dma_semaphore, #tpu.memory_space<semaphore_mem>>) src(%dma_wait3A_141 : memref<1x128xi32, #tpu.memory_space<hbm>>) dst(%dma_wait3A_137 : memref<1x128xi32, #tpu.memory_space<vmem>>)
    %dma_start3A_142 = arith.constant 0 : i32
    %dma_start3A_143 = arith.constant 0 : i32
    %dma_start3A_144 = arith.constant 0 : i32
    %dma_start3A_145 = arith.constant 0 : i32
    %dma_start3A_146 = arith.constant 0 : i32
    %dma_start3A_147 = arith.constant 0 : i32
    %dma_start3A_148 = tpu.memref_slice %arg6[%dma_start3A_144, %dma_start3A_146, %dma_start3A_147] : memref<2x128x128xf32, #tpu.memory_space<vmem>> -> memref<1x128x128xf32, #tpu.memory_space<vmem>>
    %dma_start3A_149 = tpu.memref_squeeze %dma_start3A_148 : memref<1x128x128xf32, #tpu.memory_space<vmem>> -> memref<128x128xf32, #tpu.memory_space<vmem>>
    %dma_start3A_150 = arith.constant 0 : i32
    %dma_start3A_151 = tpu.memref_slice %arg7[%dma_start3A_142, %dma_start3A_143, %dma_start3A_150] : memref<4x1x128xi32, #tpu.memory_space<vmem>> -> memref<1x1x128xi32, #tpu.memory_space<vmem>>
    %dma_start3A_152 = tpu.memref_squeeze %dma_start3A_151 : memref<1x1x128xi32, #tpu.memory_space<vmem>> -> memref<128xi32, #tpu.memory_space<vmem>>
    %dma_start3A_153 = arith.constant 0 : i32
    %dma_start3A_154 = arith.constant 0 : i32
    %dma_start3A_155 = tpu.memref_slice %arg2[%dma_start3A_153, %dma_start3A_154] : memref<10240x128xf32, #tpu.memory_space<hbm>> -> memref<10240x128xf32, #tpu.memory_space<hbm>>
    %dma_start3A_156 = tpu.memref_slice %arg10[%dma_start3A_145] : memref<2x!tpu.dma_semaphore, #tpu.memory_space<semaphore_mem>> -> memref<1x!tpu.dma_semaphore, #tpu.memory_space<semaphore_mem>>
    %dma_start3A_157 = tpu.memref_squeeze %dma_start3A_156 : memref<1x!tpu.dma_semaphore, #tpu.memory_space<semaphore_mem>> -> memref<!tpu.dma_semaphore, #tpu.memory_space<semaphore_mem>>
    tpu.enqueue_indirect_dma source(%dma_start3A_155 : memref<10240x128xf32, #tpu.memory_space<hbm>>) target(%dma_start3A_149 : memref<128x128xf32, #tpu.memory_space<vmem>>) offsets(%dma_start3A_152 : memref<128xi32, #tpu.memory_space<vmem>>) semaphore(%dma_start3A_157 : memref<!tpu.dma_semaphore, #tpu.memory_space<semaphore_mem>>)
    %mul3A_158 = arith.constant 80 : i32
    %mul3A_159 = arith.muli %add3A, %mul3A_158 : i32
    %add3A_160 = arith.constant 1 : i32
    %add3A_161 = arith.addi %mul3A_159, %add3A_160 : i32
    %dma_wait3A_162 = arith.constant 1 : i32
    %dma_wait3A_163 = arith.constant 1 : i32
    %dma_wait3A_164 = arith.constant 0 : i32
    %dma_wait3A_165 = arith.constant 0 : i32
    %dma_wait3A_166 = tpu.memref_slice %arg7[%dma_wait3A_162, %dma_wait3A_164, %dma_wait3A_165] : memref<4x1x128xi32, #tpu.memory_space<vmem>> -> memref<1x1x128xi32, #tpu.memory_space<vmem>>
    %dma_wait3A_167 = tpu.memref_squeeze %dma_wait3A_166 : memref<1x1x128xi32, #tpu.memory_space<vmem>> -> memref<1x128xi32, #tpu.memory_space<vmem>>
    %dma_wait3A_168 = arith.constant 0 : i32
    %dma_wait3A_169 = arith.constant 0 : i32
    %dma_wait3A_170 = tpu.memref_slice %arg3[%add3A_161, %dma_wait3A_168, %dma_wait3A_169] : memref<2560x1x128xi32, #tpu.memory_space<hbm>> -> memref<1x1x128xi32, #tpu.memory_space<hbm>>
    %dma_wait3A_171 = tpu.memref_squeeze %dma_wait3A_170 : memref<1x1x128xi32, #tpu.memory_space<hbm>> -> memref<1x128xi32, #tpu.memory_space<hbm>>
    %dma_wait3A_172 = tpu.memref_slice %arg11[%dma_wait3A_163] : memref<4x!tpu.dma_semaphore, #tpu.memory_space<semaphore_mem>> -> memref<1x!tpu.dma_semaphore, #tpu.memory_space<semaphore_mem>>
    %dma_wait3A_173 = tpu.memref_squeeze %dma_wait3A_172 : memref<1x!tpu.dma_semaphore, #tpu.memory_space<semaphore_mem>> -> memref<!tpu.dma_semaphore, #tpu.memory_space<semaphore_mem>>
    %dma_wait3A_174 = arith.constant 0 : i32
    %dma_wait3A_175 = arith.constant 0 : i32
    %dma_wait3A_176 = tpu.memref_slice %arg7[%dma_wait3A_162, %dma_wait3A_174, %dma_wait3A_175] : memref<4x1x128xi32, #tpu.memory_space<vmem>> -> memref<1x1x128xi32, #tpu.memory_space<vmem>>
    %dma_wait3A_177 = tpu.memref_squeeze %dma_wait3A_176 : memref<1x1x128xi32, #tpu.memory_space<vmem>> -> memref<1x128xi32, #tpu.memory_space<vmem>>
    %dma_wait3A_178 = arith.constant 0 : i32
    %dma_wait3A_179 = arith.constant 0 : i32
    %dma_wait3A_180 = tpu.memref_slice %arg3[%add3A_161, %dma_wait3A_178, %dma_wait3A_179] : memref<2560x1x128xi32, #tpu.memory_space<hbm>> -> memref<1x1x128xi32, #tpu.memory_space<hbm>>
    %dma_wait3A_181 = tpu.memref_squeeze %dma_wait3A_180 : memref<1x1x128xi32, #tpu.memory_space<hbm>> -> memref<1x128xi32, #tpu.memory_space<hbm>>
    tpu.wait_dma2 semaphore(%dma_wait3A_173 : memref<!tpu.dma_semaphore, #tpu.memory_space<semaphore_mem>>) src(%dma_wait3A_181 : memref<1x128xi32, #tpu.memory_space<hbm>>) dst(%dma_wait3A_177 : memref<1x128xi32, #tpu.memory_space<vmem>>)
    %dma_start3A_182 = arith.constant 1 : i32
    %dma_start3A_183 = arith.constant 0 : i32
    %dma_start3A_184 = arith.constant 1 : i32
    %dma_start3A_185 = arith.constant 1 : i32
    %dma_start3A_186 = arith.constant 0 : i32
    %dma_start3A_187 = arith.constant 0 : i32
    %dma_start3A_188 = tpu.memref_slice %arg6[%dma_start3A_184, %dma_start3A_186, %dma_start3A_187] : memref<2x128x128xf32, #tpu.memory_space<vmem>> -> memref<1x128x128xf32, #tpu.memory_space<vmem>>
    %dma_start3A_189 = tpu.memref_squeeze %dma_start3A_188 : memref<1x128x128xf32, #tpu.memory_space<vmem>> -> memref<128x128xf32, #tpu.memory_space<vmem>>
    %dma_start3A_190 = arith.constant 0 : i32
    %dma_start3A_191 = tpu.memref_slice %arg7[%dma_start3A_182, %dma_start3A_183, %dma_start3A_190] : memref<4x1x128xi32, #tpu.memory_space<vmem>> -> memref<1x1x128xi32, #tpu.memory_space<vmem>>
    %dma_start3A_192 = tpu.memref_squeeze %dma_start3A_191 : memref<1x1x128xi32, #tpu.memory_space<vmem>> -> memref<128xi32, #tpu.memory_space<vmem>>
    %dma_start3A_193 = arith.constant 0 : i32
    %dma_start3A_194 = arith.constant 0 : i32
    %dma_start3A_195 = tpu.memref_slice %arg2[%dma_start3A_193, %dma_start3A_194] : memref<10240x128xf32, #tpu.memory_space<hbm>> -> memref<10240x128xf32, #tpu.memory_space<hbm>>
    %dma_start3A_196 = tpu.memref_slice %arg10[%dma_start3A_185] : memref<2x!tpu.dma_semaphore, #tpu.memory_space<semaphore_mem>> -> memref<1x!tpu.dma_semaphore, #tpu.memory_space<semaphore_mem>>
    %dma_start3A_197 = tpu.memref_squeeze %dma_start3A_196 : memref<1x!tpu.dma_semaphore, #tpu.memory_space<semaphore_mem>> -> memref<!tpu.dma_semaphore, #tpu.memory_space<semaphore_mem>>
    tpu.enqueue_indirect_dma source(%dma_start3A_195 : memref<10240x128xf32, #tpu.memory_space<hbm>>) target(%dma_start3A_189 : memref<128x128xf32, #tpu.memory_space<vmem>>) offsets(%dma_start3A_192 : memref<128xi32, #tpu.memory_space<vmem>>) semaphore(%dma_start3A_197 : memref<!tpu.dma_semaphore, #tpu.memory_space<semaphore_mem>>)
    %barrier3A = arith.constant 0 : index
    tpu.barrier barrier_id(%barrier3A)
    %scan3A_198 = arith.constant 0 : i32
    %scan3A_199 = arith.constant 0 : i32
    %scan3A_200 = arith.constant 20 : i32
    %scan3A_201 = arith.addi %scan3A_199, %scan3A_200 : i32
    %scan3A_202 = arith.constant 1 : i32
    scf.for %scan3A_205 = %scan3A_199 to %scan3A_201 step %scan3A_202  : i32 {
      %mul3A_206 = arith.constant 4 : i32
      %mul3A_207 = arith.muli %scan3A_205, %mul3A_206 : i32
      %add3A_208 = arith.constant 0 : i32
      %add3A_209 = arith.addi %mul3A_207, %add3A_208 : i32
      %dma_wait3A_210 = arith.constant 0 : i32
      %dma_wait3A_211 = arith.constant 0 : i32
      %dma_wait3A_212 = arith.constant 0 : i32
      %dma_wait3A_213 = arith.constant 0 : i32
      %dma_wait3A_214 = arith.constant 0 : i32
      %dma_wait3A_215 = arith.constant 0 : i32
      %dma_wait3A_216 = tpu.memref_slice %arg6[%dma_wait3A_212, %dma_wait3A_214, %dma_wait3A_215] : memref<2x128x128xf32, #tpu.memory_space<vmem>> -> memref<1x128x128xf32, #tpu.memory_space<vmem>>
      %dma_wait3A_217 = tpu.memref_squeeze %dma_wait3A_216 : memref<1x128x128xf32, #tpu.memory_space<vmem>> -> memref<128x128xf32, #tpu.memory_space<vmem>>
      %dma_wait3A_218 = arith.constant 0 : i32
      %dma_wait3A_219 = tpu.memref_slice %arg7[%dma_wait3A_210, %dma_wait3A_211, %dma_wait3A_218] : memref<4x1x128xi32, #tpu.memory_space<vmem>> -> memref<1x1x128xi32, #tpu.memory_space<vmem>>
      %dma_wait3A_220 = tpu.memref_squeeze %dma_wait3A_219 : memref<1x1x128xi32, #tpu.memory_space<vmem>> -> memref<128xi32, #tpu.memory_space<vmem>>
      %dma_wait3A_221 = arith.constant 0 : i32
      %dma_wait3A_222 = arith.constant 0 : i32
      %dma_wait3A_223 = tpu.memref_slice %arg2[%dma_wait3A_221, %dma_wait3A_222] : memref<10240x128xf32, #tpu.memory_space<hbm>> -> memref<10240x128xf32, #tpu.memory_space<hbm>>
      %dma_wait3A_224 = tpu.memref_slice %arg10[%dma_wait3A_213] : memref<2x!tpu.dma_semaphore, #tpu.memory_space<semaphore_mem>> -> memref<1x!tpu.dma_semaphore, #tpu.memory_space<semaphore_mem>>
      %dma_wait3A_225 = tpu.memref_squeeze %dma_wait3A_224 : memref<1x!tpu.dma_semaphore, #tpu.memory_space<semaphore_mem>> -> memref<!tpu.dma_semaphore, #tpu.memory_space<semaphore_mem>>
      tpu.wait_indirect_dma semaphore(%dma_wait3A_225 : memref<!tpu.dma_semaphore, #tpu.memory_space<semaphore_mem>>) src(%dma_wait3A_223 : memref<10240x128xf32, #tpu.memory_space<hbm>>) dst(%dma_wait3A_217 : memref<128x128xf32, #tpu.memory_space<vmem>>)
      %run_scoped3A_226 = arith.constant 0 : i32
      "tpu.region"() ({
        %run_scoped3A_343 = tpu.sem_alloc : memref<!tpu.dma_semaphore, #tpu.memory_space<semaphore_mem>>
        %dma_start3A_344 = arith.constant 0 : i32
        %dma_start3A_345 = arith.constant 0 : i32
        %dma_start3A_346 = tpu.memref_slice %arg6[%run_scoped3A_226, %dma_start3A_344, %dma_start3A_345] : memref<2x128x128xf32, #tpu.memory_space<vmem>> -> memref<1x128x128xf32, #tpu.memory_space<vmem>>
        %dma_start3A_347 = tpu.memref_squeeze %dma_start3A_346 : memref<1x128x128xf32, #tpu.memory_space<vmem>> -> memref<128x128xf32, #tpu.memory_space<vmem>>
        %dma_start3A_348 = arith.constant 0 : i32
        %dma_start3A_349 = tpu.memref_slice %arg8[%add3A_209, %dma_start3A_348] : memref<80x128xi32, #tpu.memory_space<vmem>> -> memref<1x128xi32, #tpu.memory_space<vmem>>
        %dma_start3A_350 = tpu.memref_squeeze %dma_start3A_349 : memref<1x128xi32, #tpu.memory_space<vmem>> -> memref<128xi32, #tpu.memory_space<vmem>>
        %dma_start3A_351 = arith.constant 0 : i32
        %dma_start3A_352 = arith.constant 0 : i32
        %dma_start3A_353 = tpu.memref_slice %arg9[%dma_start3A_351, %dma_start3A_352] : memref<10240x128xf32, #tpu.memory_space<vmem_shared>> -> memref<10240x128xf32, #tpu.memory_space<vmem_shared>>
        tpu.enqueue_indirect_dma source(%dma_start3A_347 : memref<128x128xf32, #tpu.memory_space<vmem>>) target(%dma_start3A_353 : memref<10240x128xf32, #tpu.memory_space<vmem_shared>>) offsets(%dma_start3A_350 : memref<128xi32, #tpu.memory_space<vmem>>) semaphore(%run_scoped3A_343 : memref<!tpu.dma_semaphore, #tpu.memory_space<semaphore_mem>>) {add = true}
        %dma_wait3A_354 = arith.constant 0 : i32
        %dma_wait3A_355 = arith.constant 0 : i32
        %dma_wait3A_356 = tpu.memref_slice %arg6[%run_scoped3A_226, %dma_wait3A_354, %dma_wait3A_355] : memref<2x128x128xf32, #tpu.memory_space<vmem>> -> memref<1x128x128xf32, #tpu.memory_space<vmem>>
        %dma_wait3A_357 = tpu.memref_squeeze %dma_wait3A_356 : memref<1x128x128xf32, #tpu.memory_space<vmem>> -> memref<128x128xf32, #tpu.memory_space<vmem>>
        %dma_wait3A_358 = arith.constant 0 : i32
        %dma_wait3A_359 = tpu.memref_slice %arg8[%add3A_209, %dma_wait3A_358] : memref<80x128xi32, #tpu.memory_space<vmem>> -> memref<1x128xi32, #tpu.memory_space<vmem>>
        %dma_wait3A_360 = tpu.memref_squeeze %dma_wait3A_359 : memref<1x128xi32, #tpu.memory_space<vmem>> -> memref<128xi32, #tpu.memory_space<vmem>>
        %dma_wait3A_361 = arith.constant 0 : i32
        %dma_wait3A_362 = arith.constant 0 : i32
        %dma_wait3A_363 = tpu.memref_slice %arg9[%dma_wait3A_361, %dma_wait3A_362] : memref<10240x128xf32, #tpu.memory_space<vmem_shared>> -> memref<10240x128xf32, #tpu.memory_space<vmem_shared>>
        tpu.wait_indirect_dma semaphore(%run_scoped3A_343 : memref<!tpu.dma_semaphore, #tpu.memory_space<semaphore_mem>>) src(%dma_wait3A_357 : memref<128x128xf32, #tpu.memory_space<vmem>>) dst(%dma_wait3A_363 : memref<10240x128xf32, #tpu.memory_space<vmem_shared>>)
        tpu.yield
      }) : () -> ()
      %add3A_227 = arith.constant 4 : i32
      %add3A_228 = arith.addi %add3A_209, %add3A_227 : i32
      %lt3A = arith.constant 80 : i32
      %lt3A_229 = arith.cmpi slt, %add3A_228, %lt3A : i32
      %convert_element_type3A = arith.extui %lt3A_229 : i1 to i32
      %cond3A = arith.constant 0 : i32
      %cond3A_230 = arith.cmpi ne, %convert_element_type3A, %cond3A : i32
      scf.if %cond3A_230 {
        %mul3A_343 = arith.constant 80 : i32
        %mul3A_344 = arith.muli %add3A, %mul3A_343 : i32
        %add3A_345 = arith.addi %mul3A_344, %add3A_209 : i32
        %add3A_346 = arith.constant 4 : i32
        %add3A_347 = arith.addi %add3A_345, %add3A_346 : i32
        %dma_start3A_348 = arith.constant 0 : i32
        %dma_start3A_349 = arith.constant 0 : i32
        %dma_start3A_350 = arith.constant 0 : i32
        %dma_start3A_351 = arith.constant 0 : i32
        %dma_start3A_352 = tpu.memref_slice %arg7[%dma_start3A_348, %dma_start3A_350, %dma_start3A_351] : memref<4x1x128xi32, #tpu.memory_space<vmem>> -> memref<1x1x128xi32, #tpu.memory_space<vmem>>
        %dma_start3A_353 = tpu.memref_squeeze %dma_start3A_352 : memref<1x1x128xi32, #tpu.memory_space<vmem>> -> memref<1x128xi32, #tpu.memory_space<vmem>>
        %dma_start3A_354 = arith.constant 0 : i32
        %dma_start3A_355 = arith.constant 0 : i32
        %dma_start3A_356 = tpu.memref_slice %arg3[%add3A_347, %dma_start3A_354, %dma_start3A_355] : memref<2560x1x128xi32, #tpu.memory_space<hbm>> -> memref<1x1x128xi32, #tpu.memory_space<hbm>>
        %dma_start3A_357 = tpu.memref_squeeze %dma_start3A_356 : memref<1x1x128xi32, #tpu.memory_space<hbm>> -> memref<1x128xi32, #tpu.memory_space<hbm>>
        %dma_start3A_358 = tpu.memref_slice %arg11[%dma_start3A_349] : memref<4x!tpu.dma_semaphore, #tpu.memory_space<semaphore_mem>> -> memref<1x!tpu.dma_semaphore, #tpu.memory_space<semaphore_mem>>
        %dma_start3A_359 = tpu.memref_squeeze %dma_start3A_358 : memref<1x!tpu.dma_semaphore, #tpu.memory_space<semaphore_mem>> -> memref<!tpu.dma_semaphore, #tpu.memory_space<semaphore_mem>>
        %dma_start3A_360 = arith.constant 0 : i32
        %dma_start3A_361 = arith.constant 0 : i32
        %dma_start3A_362 = tpu.memref_slice %arg7[%dma_start3A_348, %dma_start3A_360, %dma_start3A_361] : memref<4x1x128xi32, #tpu.memory_space<vmem>> -> memref<1x1x128xi32, #tpu.memory_space<vmem>>
        %dma_start3A_363 = tpu.memref_squeeze %dma_start3A_362 : memref<1x1x128xi32, #tpu.memory_space<vmem>> -> memref<1x128xi32, #tpu.memory_space<vmem>>
        %dma_start3A_364 = arith.constant 0 : i32
        %dma_start3A_365 = arith.constant 0 : i32
        %dma_start3A_366 = tpu.memref_slice %arg3[%add3A_347, %dma_start3A_364, %dma_start3A_365] : memref<2560x1x128xi32, #tpu.memory_space<hbm>> -> memref<1x1x128xi32, #tpu.memory_space<hbm>>
        %dma_start3A_367 = tpu.memref_squeeze %dma_start3A_366 : memref<1x1x128xi32, #tpu.memory_space<hbm>> -> memref<1x128xi32, #tpu.memory_space<hbm>>
        tpu.enqueue_dma source(%dma_start3A_367 : memref<1x128xi32, #tpu.memory_space<hbm>>) target(%dma_start3A_363 : memref<1x128xi32, #tpu.memory_space<vmem>>) target_semaphore(%dma_start3A_359 : memref<!tpu.dma_semaphore, #tpu.memory_space<semaphore_mem>>)
      } else {
      }
      %add3A_231 = arith.constant 2 : i32
      %add3A_232 = arith.addi %add3A_209, %add3A_231 : i32
      %lt3A_233 = arith.constant 80 : i32
      %lt3A_234 = arith.cmpi slt, %add3A_232, %lt3A_233 : i32
      %convert_element_type3A_235 = arith.extui %lt3A_234 : i1 to i32
      %cond3A_236 = arith.constant 0 : i32
      %cond3A_237 = arith.cmpi ne, %convert_element_type3A_235, %cond3A_236 : i32
      scf.if %cond3A_237 {
        %mul3A_343 = arith.constant 80 : i32
        %mul3A_344 = arith.muli %add3A, %mul3A_343 : i32
        %add3A_345 = arith.addi %mul3A_344, %add3A_209 : i32
        %add3A_346 = arith.constant 2 : i32
        %add3A_347 = arith.addi %add3A_345, %add3A_346 : i32
        %dma_wait3A_348 = arith.constant 2 : i32
        %dma_wait3A_349 = arith.constant 2 : i32
        %dma_wait3A_350 = arith.constant 0 : i32
        %dma_wait3A_351 = arith.constant 0 : i32
        %dma_wait3A_352 = tpu.memref_slice %arg7[%dma_wait3A_348, %dma_wait3A_350, %dma_wait3A_351] : memref<4x1x128xi32, #tpu.memory_space<vmem>> -> memref<1x1x128xi32, #tpu.memory_space<vmem>>
        %dma_wait3A_353 = tpu.memref_squeeze %dma_wait3A_352 : memref<1x1x128xi32, #tpu.memory_space<vmem>> -> memref<1x128xi32, #tpu.memory_space<vmem>>
        %dma_wait3A_354 = arith.constant 0 : i32
        %dma_wait3A_355 = arith.constant 0 : i32
        %dma_wait3A_356 = tpu.memref_slice %arg3[%add3A_347, %dma_wait3A_354, %dma_wait3A_355] : memref<2560x1x128xi32, #tpu.memory_space<hbm>> -> memref<1x1x128xi32, #tpu.memory_space<hbm>>
        %dma_wait3A_357 = tpu.memref_squeeze %dma_wait3A_356 : memref<1x1x128xi32, #tpu.memory_space<hbm>> -> memref<1x128xi32, #tpu.memory_space<hbm>>
        %dma_wait3A_358 = tpu.memref_slice %arg11[%dma_wait3A_349] : memref<4x!tpu.dma_semaphore, #tpu.memory_space<semaphore_mem>> -> memref<1x!tpu.dma_semaphore, #tpu.memory_space<semaphore_mem>>
        %dma_wait3A_359 = tpu.memref_squeeze %dma_wait3A_358 : memref<1x!tpu.dma_semaphore, #tpu.memory_space<semaphore_mem>> -> memref<!tpu.dma_semaphore, #tpu.memory_space<semaphore_mem>>
        %dma_wait3A_360 = arith.constant 0 : i32
        %dma_wait3A_361 = arith.constant 0 : i32
        %dma_wait3A_362 = tpu.memref_slice %arg7[%dma_wait3A_348, %dma_wait3A_360, %dma_wait3A_361] : memref<4x1x128xi32, #tpu.memory_space<vmem>> -> memref<1x1x128xi32, #tpu.memory_space<vmem>>
        %dma_wait3A_363 = tpu.memref_squeeze %dma_wait3A_362 : memref<1x1x128xi32, #tpu.memory_space<vmem>> -> memref<1x128xi32, #tpu.memory_space<vmem>>
        %dma_wait3A_364 = arith.constant 0 : i32
        %dma_wait3A_365 = arith.constant 0 : i32
        %dma_wait3A_366 = tpu.memref_slice %arg3[%add3A_347, %dma_wait3A_364, %dma_wait3A_365] : memref<2560x1x128xi32, #tpu.memory_space<hbm>> -> memref<1x1x128xi32, #tpu.memory_space<hbm>>
        %dma_wait3A_367 = tpu.memref_squeeze %dma_wait3A_366 : memref<1x1x128xi32, #tpu.memory_space<hbm>> -> memref<1x128xi32, #tpu.memory_space<hbm>>
        tpu.wait_dma2 semaphore(%dma_wait3A_359 : memref<!tpu.dma_semaphore, #tpu.memory_space<semaphore_mem>>) src(%dma_wait3A_367 : memref<1x128xi32, #tpu.memory_space<hbm>>) dst(%dma_wait3A_363 : memref<1x128xi32, #tpu.memory_space<vmem>>)
        %dma_start3A_368 = arith.constant 2 : i32
        %dma_start3A_369 = arith.constant 0 : i32
        %dma_start3A_370 = arith.constant 0 : i32
        %dma_start3A_371 = arith.constant 0 : i32
        %dma_start3A_372 = arith.constant 0 : i32
        %dma_start3A_373 = arith.constant 0 : i32
        %dma_start3A_374 = tpu.memref_slice %arg6[%dma_start3A_370, %dma_start3A_372, %dma_start3A_373] : memref<2x128x128xf32, #tpu.memory_space<vmem>> -> memref<1x128x128xf32, #tpu.memory_space<vmem>>
        %dma_start3A_375 = tpu.memref_squeeze %dma_start3A_374 : memref<1x128x128xf32, #tpu.memory_space<vmem>> -> memref<128x128xf32, #tpu.memory_space<vmem>>
        %dma_start3A_376 = arith.constant 0 : i32
        %dma_start3A_377 = tpu.memref_slice %arg7[%dma_start3A_368, %dma_start3A_369, %dma_start3A_376] : memref<4x1x128xi32, #tpu.memory_space<vmem>> -> memref<1x1x128xi32, #tpu.memory_space<vmem>>
        %dma_start3A_378 = tpu.memref_squeeze %dma_start3A_377 : memref<1x1x128xi32, #tpu.memory_space<vmem>> -> memref<128xi32, #tpu.memory_space<vmem>>
        %dma_start3A_379 = arith.constant 0 : i32
        %dma_start3A_380 = arith.constant 0 : i32
        %dma_start3A_381 = tpu.memref_slice %arg2[%dma_start3A_379, %dma_start3A_380] : memref<10240x128xf32, #tpu.memory_space<hbm>> -> memref<10240x128xf32, #tpu.memory_space<hbm>>
        %dma_start3A_382 = tpu.memref_slice %arg10[%dma_start3A_371] : memref<2x!tpu.dma_semaphore, #tpu.memory_space<semaphore_mem>> -> memref<1x!tpu.dma_semaphore, #tpu.memory_space<semaphore_mem>>
        %dma_start3A_383 = tpu.memref_squeeze %dma_start3A_382 : memref<1x!tpu.dma_semaphore, #tpu.memory_space<semaphore_mem>> -> memref<!tpu.dma_semaphore, #tpu.memory_space<semaphore_mem>>
        tpu.enqueue_indirect_dma source(%dma_start3A_381 : memref<10240x128xf32, #tpu.memory_space<hbm>>) target(%dma_start3A_375 : memref<128x128xf32, #tpu.memory_space<vmem>>) offsets(%dma_start3A_378 : memref<128xi32, #tpu.memory_space<vmem>>) semaphore(%dma_start3A_383 : memref<!tpu.dma_semaphore, #tpu.memory_space<semaphore_mem>>)
      } else {
      }
      %mul3A_238 = arith.constant 4 : i32
      %mul3A_239 = arith.muli %scan3A_205, %mul3A_238 : i32
      %add3A_240 = arith.constant 1 : i32
      %add3A_241 = arith.addi %mul3A_239, %add3A_240 : i32
      %dma_wait3A_242 = arith.constant 1 : i32
      %dma_wait3A_243 = arith.constant 0 : i32
      %dma_wait3A_244 = arith.constant 1 : i32
      %dma_wait3A_245 = arith.constant 1 : i32
      %dma_wait3A_246 = arith.constant 0 : i32
      %dma_wait3A_247 = arith.constant 0 : i32
      %dma_wait3A_248 = tpu.memref_slice %arg6[%dma_wait3A_244, %dma_wait3A_246, %dma_wait3A_247] : memref<2x128x128xf32, #tpu.memory_space<vmem>> -> memref<1x128x128xf32, #tpu.memory_space<vmem>>
      %dma_wait3A_249 = tpu.memref_squeeze %dma_wait3A_248 : memref<1x128x128xf32, #tpu.memory_space<vmem>> -> memref<128x128xf32, #tpu.memory_space<vmem>>
      %dma_wait3A_250 = arith.constant 0 : i32
      %dma_wait3A_251 = tpu.memref_slice %arg7[%dma_wait3A_242, %dma_wait3A_243, %dma_wait3A_250] : memref<4x1x128xi32, #tpu.memory_space<vmem>> -> memref<1x1x128xi32, #tpu.memory_space<vmem>>
      %dma_wait3A_252 = tpu.memref_squeeze %dma_wait3A_251 : memref<1x1x128xi32, #tpu.memory_space<vmem>> -> memref<128xi32, #tpu.memory_space<vmem>>
      %dma_wait3A_253 = arith.constant 0 : i32
      %dma_wait3A_254 = arith.constant 0 : i32
      %dma_wait3A_255 = tpu.memref_slice %arg2[%dma_wait3A_253, %dma_wait3A_254] : memref<10240x128xf32, #tpu.memory_space<hbm>> -> memref<10240x128xf32, #tpu.memory_space<hbm>>
      %dma_wait3A_256 = tpu.memref_slice %arg10[%dma_wait3A_245] : memref<2x!tpu.dma_semaphore, #tpu.memory_space<semaphore_mem>> -> memref<1x!tpu.dma_semaphore, #tpu.memory_space<semaphore_mem>>
      %dma_wait3A_257 = tpu.memref_squeeze %dma_wait3A_256 : memref<1x!tpu.dma_semaphore, #tpu.memory_space<semaphore_mem>> -> memref<!tpu.dma_semaphore, #tpu.memory_space<semaphore_mem>>
      tpu.wait_indirect_dma semaphore(%dma_wait3A_257 : memref<!tpu.dma_semaphore, #tpu.memory_space<semaphore_mem>>) src(%dma_wait3A_255 : memref<10240x128xf32, #tpu.memory_space<hbm>>) dst(%dma_wait3A_249 : memref<128x128xf32, #tpu.memory_space<vmem>>)
      %run_scoped3A_258 = arith.constant 1 : i32
      "tpu.region"() ({
        %run_scoped3A_343 = tpu.sem_alloc : memref<!tpu.dma_semaphore, #tpu.memory_space<semaphore_mem>>
        %dma_start3A_344 = arith.constant 0 : i32
        %dma_start3A_345 = arith.constant 0 : i32
        %dma_start3A_346 = tpu.memref_slice %arg6[%run_scoped3A_258, %dma_start3A_344, %dma_start3A_345] : memref<2x128x128xf32, #tpu.memory_space<vmem>> -> memref<1x128x128xf32, #tpu.memory_space<vmem>>
        %dma_start3A_347 = tpu.memref_squeeze %dma_start3A_346 : memref<1x128x128xf32, #tpu.memory_space<vmem>> -> memref<128x128xf32, #tpu.memory_space<vmem>>
        %dma_start3A_348 = arith.constant 0 : i32
        %dma_start3A_349 = tpu.memref_slice %arg8[%add3A_241, %dma_start3A_348] : memref<80x128xi32, #tpu.memory_space<vmem>> -> memref<1x128xi32, #tpu.memory_space<vmem>>
        %dma_start3A_350 = tpu.memref_squeeze %dma_start3A_349 : memref<1x128xi32, #tpu.memory_space<vmem>> -> memref<128xi32, #tpu.memory_space<vmem>>
        %dma_start3A_351 = arith.constant 0 : i32
        %dma_start3A_352 = arith.constant 0 : i32
        %dma_start3A_353 = tpu.memref_slice %arg9[%dma_start3A_351, %dma_start3A_352] : memref<10240x128xf32, #tpu.memory_space<vmem_shared>> -> memref<10240x128xf32, #tpu.memory_space<vmem_shared>>
        tpu.enqueue_indirect_dma source(%dma_start3A_347 : memref<128x128xf32, #tpu.memory_space<vmem>>) target(%dma_start3A_353 : memref<10240x128xf32, #tpu.memory_space<vmem_shared>>) offsets(%dma_start3A_350 : memref<128xi32, #tpu.memory_space<vmem>>) semaphore(%run_scoped3A_343 : memref<!tpu.dma_semaphore, #tpu.memory_space<semaphore_mem>>) {add = true}
        %dma_wait3A_354 = arith.constant 0 : i32
        %dma_wait3A_355 = arith.constant 0 : i32
        %dma_wait3A_356 = tpu.memref_slice %arg6[%run_scoped3A_258, %dma_wait3A_354, %dma_wait3A_355] : memref<2x128x128xf32, #tpu.memory_space<vmem>> -> memref<1x128x128xf32, #tpu.memory_space<vmem>>
        %dma_wait3A_357 = tpu.memref_squeeze %dma_wait3A_356 : memref<1x128x128xf32, #tpu.memory_space<vmem>> -> memref<128x128xf32, #tpu.memory_space<vmem>>
        %dma_wait3A_358 = arith.constant 0 : i32
        %dma_wait3A_359 = tpu.memref_slice %arg8[%add3A_241, %dma_wait3A_358] : memref<80x128xi32, #tpu.memory_space<vmem>> -> memref<1x128xi32, #tpu.memory_space<vmem>>
        %dma_wait3A_360 = tpu.memref_squeeze %dma_wait3A_359 : memref<1x128xi32, #tpu.memory_space<vmem>> -> memref<128xi32, #tpu.memory_space<vmem>>
        %dma_wait3A_361 = arith.constant 0 : i32
        %dma_wait3A_362 = arith.constant 0 : i32
        %dma_wait3A_363 = tpu.memref_slice %arg9[%dma_wait3A_361, %dma_wait3A_362] : memref<10240x128xf32, #tpu.memory_space<vmem_shared>> -> memref<10240x128xf32, #tpu.memory_space<vmem_shared>>
        tpu.wait_indirect_dma semaphore(%run_scoped3A_343 : memref<!tpu.dma_semaphore, #tpu.memory_space<semaphore_mem>>) src(%dma_wait3A_357 : memref<128x128xf32, #tpu.memory_space<vmem>>) dst(%dma_wait3A_363 : memref<10240x128xf32, #tpu.memory_space<vmem_shared>>)
        tpu.yield
      }) : () -> ()
      %add3A_259 = arith.constant 4 : i32
      %add3A_260 = arith.addi %add3A_241, %add3A_259 : i32
      %lt3A_261 = arith.constant 80 : i32
      %lt3A_262 = arith.cmpi slt, %add3A_260, %lt3A_261 : i32
      %convert_element_type3A_263 = arith.extui %lt3A_262 : i1 to i32
      %cond3A_264 = arith.constant 0 : i32
      %cond3A_265 = arith.cmpi ne, %convert_element_type3A_263, %cond3A_264 : i32
      scf.if %cond3A_265 {
        %mul3A_343 = arith.constant 80 : i32
        %mul3A_344 = arith.muli %add3A, %mul3A_343 : i32
        %add3A_345 = arith.addi %mul3A_344, %add3A_241 : i32
        %add3A_346 = arith.constant 4 : i32
        %add3A_347 = arith.addi %add3A_345, %add3A_346 : i32
        %dma_start3A_348 = arith.constant 1 : i32
        %dma_start3A_349 = arith.constant 1 : i32
        %dma_start3A_350 = arith.constant 0 : i32
        %dma_start3A_351 = arith.constant 0 : i32
        %dma_start3A_352 = tpu.memref_slice %arg7[%dma_start3A_348, %dma_start3A_350, %dma_start3A_351] : memref<4x1x128xi32, #tpu.memory_space<vmem>> -> memref<1x1x128xi32, #tpu.memory_space<vmem>>
        %dma_start3A_353 = tpu.memref_squeeze %dma_start3A_352 : memref<1x1x128xi32, #tpu.memory_space<vmem>> -> memref<1x128xi32, #tpu.memory_space<vmem>>
        %dma_start3A_354 = arith.constant 0 : i32
        %dma_start3A_355 = arith.constant 0 : i32
        %dma_start3A_356 = tpu.memref_slice %arg3[%add3A_347, %dma_start3A_354, %dma_start3A_355] : memref<2560x1x128xi32, #tpu.memory_space<hbm>> -> memref<1x1x128xi32, #tpu.memory_space<hbm>>
        %dma_start3A_357 = tpu.memref_squeeze %dma_start3A_356 : memref<1x1x128xi32, #tpu.memory_space<hbm>> -> memref<1x128xi32, #tpu.memory_space<hbm>>
        %dma_start3A_358 = tpu.memref_slice %arg11[%dma_start3A_349] : memref<4x!tpu.dma_semaphore, #tpu.memory_space<semaphore_mem>> -> memref<1x!tpu.dma_semaphore, #tpu.memory_space<semaphore_mem>>
        %dma_start3A_359 = tpu.memref_squeeze %dma_start3A_358 : memref<1x!tpu.dma_semaphore, #tpu.memory_space<semaphore_mem>> -> memref<!tpu.dma_semaphore, #tpu.memory_space<semaphore_mem>>
        %dma_start3A_360 = arith.constant 0 : i32
        %dma_start3A_361 = arith.constant 0 : i32
        %dma_start3A_362 = tpu.memref_slice %arg7[%dma_start3A_348, %dma_start3A_360, %dma_start3A_361] : memref<4x1x128xi32, #tpu.memory_space<vmem>> -> memref<1x1x128xi32, #tpu.memory_space<vmem>>
        %dma_start3A_363 = tpu.memref_squeeze %dma_start3A_362 : memref<1x1x128xi32, #tpu.memory_space<vmem>> -> memref<1x128xi32, #tpu.memory_space<vmem>>
        %dma_start3A_364 = arith.constant 0 : i32
        %dma_start3A_365 = arith.constant 0 : i32
        %dma_start3A_366 = tpu.memref_slice %arg3[%add3A_347, %dma_start3A_364, %dma_start3A_365] : memref<2560x1x128xi32, #tpu.memory_space<hbm>> -> memref<1x1x128xi32, #tpu.memory_space<hbm>>
        %dma_start3A_367 = tpu.memref_squeeze %dma_start3A_366 : memref<1x1x128xi32, #tpu.memory_space<hbm>> -> memref<1x128xi32, #tpu.memory_space<hbm>>
        tpu.enqueue_dma source(%dma_start3A_367 : memref<1x128xi32, #tpu.memory_space<hbm>>) target(%dma_start3A_363 : memref<1x128xi32, #tpu.memory_space<vmem>>) target_semaphore(%dma_start3A_359 : memref<!tpu.dma_semaphore, #tpu.memory_space<semaphore_mem>>)
      } else {
      }
      %add3A_266 = arith.constant 2 : i32
      %add3A_267 = arith.addi %add3A_241, %add3A_266 : i32
      %lt3A_268 = arith.constant 80 : i32
      %lt3A_269 = arith.cmpi slt, %add3A_267, %lt3A_268 : i32
      %convert_element_type3A_270 = arith.extui %lt3A_269 : i1 to i32
      %cond3A_271 = arith.constant 0 : i32
      %cond3A_272 = arith.cmpi ne, %convert_element_type3A_270, %cond3A_271 : i32
      scf.if %cond3A_272 {
        %mul3A_343 = arith.constant 80 : i32
        %mul3A_344 = arith.muli %add3A, %mul3A_343 : i32
        %add3A_345 = arith.addi %mul3A_344, %add3A_241 : i32
        %add3A_346 = arith.constant 2 : i32
        %add3A_347 = arith.addi %add3A_345, %add3A_346 : i32
        %dma_wait3A_348 = arith.constant 3 : i32
        %dma_wait3A_349 = arith.constant 3 : i32
        %dma_wait3A_350 = arith.constant 0 : i32
        %dma_wait3A_351 = arith.constant 0 : i32
        %dma_wait3A_352 = tpu.memref_slice %arg7[%dma_wait3A_348, %dma_wait3A_350, %dma_wait3A_351] : memref<4x1x128xi32, #tpu.memory_space<vmem>> -> memref<1x1x128xi32, #tpu.memory_space<vmem>>
        %dma_wait3A_353 = tpu.memref_squeeze %dma_wait3A_352 : memref<1x1x128xi32, #tpu.memory_space<vmem>> -> memref<1x128xi32, #tpu.memory_space<vmem>>
        %dma_wait3A_354 = arith.constant 0 : i32
        %dma_wait3A_355 = arith.constant 0 : i32
        %dma_wait3A_356 = tpu.memref_slice %arg3[%add3A_347, %dma_wait3A_354, %dma_wait3A_355] : memref<2560x1x128xi32, #tpu.memory_space<hbm>> -> memref<1x1x128xi32, #tpu.memory_space<hbm>>
        %dma_wait3A_357 = tpu.memref_squeeze %dma_wait3A_356 : memref<1x1x128xi32, #tpu.memory_space<hbm>> -> memref<1x128xi32, #tpu.memory_space<hbm>>
        %dma_wait3A_358 = tpu.memref_slice %arg11[%dma_wait3A_349] : memref<4x!tpu.dma_semaphore, #tpu.memory_space<semaphore_mem>> -> memref<1x!tpu.dma_semaphore, #tpu.memory_space<semaphore_mem>>
        %dma_wait3A_359 = tpu.memref_squeeze %dma_wait3A_358 : memref<1x!tpu.dma_semaphore, #tpu.memory_space<semaphore_mem>> -> memref<!tpu.dma_semaphore, #tpu.memory_space<semaphore_mem>>
        %dma_wait3A_360 = arith.constant 0 : i32
        %dma_wait3A_361 = arith.constant 0 : i32
        %dma_wait3A_362 = tpu.memref_slice %arg7[%dma_wait3A_348, %dma_wait3A_360, %dma_wait3A_361] : memref<4x1x128xi32, #tpu.memory_space<vmem>> -> memref<1x1x128xi32, #tpu.memory_space<vmem>>
        %dma_wait3A_363 = tpu.memref_squeeze %dma_wait3A_362 : memref<1x1x128xi32, #tpu.memory_space<vmem>> -> memref<1x128xi32, #tpu.memory_space<vmem>>
        %dma_wait3A_364 = arith.constant 0 : i32
        %dma_wait3A_365 = arith.constant 0 : i32
        %dma_wait3A_366 = tpu.memref_slice %arg3[%add3A_347, %dma_wait3A_364, %dma_wait3A_365] : memref<2560x1x128xi32, #tpu.memory_space<hbm>> -> memref<1x1x128xi32, #tpu.memory_space<hbm>>
        %dma_wait3A_367 = tpu.memref_squeeze %dma_wait3A_366 : memref<1x1x128xi32, #tpu.memory_space<hbm>> -> memref<1x128xi32, #tpu.memory_space<hbm>>
        tpu.wait_dma2 semaphore(%dma_wait3A_359 : memref<!tpu.dma_semaphore, #tpu.memory_space<semaphore_mem>>) src(%dma_wait3A_367 : memref<1x128xi32, #tpu.memory_space<hbm>>) dst(%dma_wait3A_363 : memref<1x128xi32, #tpu.memory_space<vmem>>)
        %dma_start3A_368 = arith.constant 3 : i32
        %dma_start3A_369 = arith.constant 0 : i32
        %dma_start3A_370 = arith.constant 1 : i32
        %dma_start3A_371 = arith.constant 1 : i32
        %dma_start3A_372 = arith.constant 0 : i32
        %dma_start3A_373 = arith.constant 0 : i32
        %dma_start3A_374 = tpu.memref_slice %arg6[%dma_start3A_370, %dma_start3A_372, %dma_start3A_373] : memref<2x128x128xf32, #tpu.memory_space<vmem>> -> memref<1x128x128xf32, #tpu.memory_space<vmem>>
        %dma_start3A_375 = tpu.memref_squeeze %dma_start3A_374 : memref<1x128x128xf32, #tpu.memory_space<vmem>> -> memref<128x128xf32, #tpu.memory_space<vmem>>
        %dma_start3A_376 = arith.constant 0 : i32
        %dma_start3A_377 = tpu.memref_slice %arg7[%dma_start3A_368, %dma_start3A_369, %dma_start3A_376] : memref<4x1x128xi32, #tpu.memory_space<vmem>> -> memref<1x1x128xi32, #tpu.memory_space<vmem>>
        %dma_start3A_378 = tpu.memref_squeeze %dma_start3A_377 : memref<1x1x128xi32, #tpu.memory_space<vmem>> -> memref<128xi32, #tpu.memory_space<vmem>>
        %dma_start3A_379 = arith.constant 0 : i32
        %dma_start3A_380 = arith.constant 0 : i32
        %dma_start3A_381 = tpu.memref_slice %arg2[%dma_start3A_379, %dma_start3A_380] : memref<10240x128xf32, #tpu.memory_space<hbm>> -> memref<10240x128xf32, #tpu.memory_space<hbm>>
        %dma_start3A_382 = tpu.memref_slice %arg10[%dma_start3A_371] : memref<2x!tpu.dma_semaphore, #tpu.memory_space<semaphore_mem>> -> memref<1x!tpu.dma_semaphore, #tpu.memory_space<semaphore_mem>>
        %dma_start3A_383 = tpu.memref_squeeze %dma_start3A_382 : memref<1x!tpu.dma_semaphore, #tpu.memory_space<semaphore_mem>> -> memref<!tpu.dma_semaphore, #tpu.memory_space<semaphore_mem>>
        tpu.enqueue_indirect_dma source(%dma_start3A_381 : memref<10240x128xf32, #tpu.memory_space<hbm>>) target(%dma_start3A_375 : memref<128x128xf32, #tpu.memory_space<vmem>>) offsets(%dma_start3A_378 : memref<128xi32, #tpu.memory_space<vmem>>) semaphore(%dma_start3A_383 : memref<!tpu.dma_semaphore, #tpu.memory_space<semaphore_mem>>)
      } else {
      }
      %mul3A_273 = arith.constant 4 : i32
      %mul3A_274 = arith.muli %scan3A_205, %mul3A_273 : i32
      %add3A_275 = arith.constant 2 : i32
      %add3A_276 = arith.addi %mul3A_274, %add3A_275 : i32
      %dma_wait3A_277 = arith.constant 2 : i32
      %dma_wait3A_278 = arith.constant 0 : i32
      %dma_wait3A_279 = arith.constant 0 : i32
      %dma_wait3A_280 = arith.constant 0 : i32
      %dma_wait3A_281 = arith.constant 0 : i32
      %dma_wait3A_282 = arith.constant 0 : i32
      %dma_wait3A_283 = tpu.memref_slice %arg6[%dma_wait3A_279, %dma_wait3A_281, %dma_wait3A_282] : memref<2x128x128xf32, #tpu.memory_space<vmem>> -> memref<1x128x128xf32, #tpu.memory_space<vmem>>
      %dma_wait3A_284 = tpu.memref_squeeze %dma_wait3A_283 : memref<1x128x128xf32, #tpu.memory_space<vmem>> -> memref<128x128xf32, #tpu.memory_space<vmem>>
      %dma_wait3A_285 = arith.constant 0 : i32
      %dma_wait3A_286 = tpu.memref_slice %arg7[%dma_wait3A_277, %dma_wait3A_278, %dma_wait3A_285] : memref<4x1x128xi32, #tpu.memory_space<vmem>> -> memref<1x1x128xi32, #tpu.memory_space<vmem>>
      %dma_wait3A_287 = tpu.memref_squeeze %dma_wait3A_286 : memref<1x1x128xi32, #tpu.memory_space<vmem>> -> memref<128xi32, #tpu.memory_space<vmem>>
      %dma_wait3A_288 = arith.constant 0 : i32
      %dma_wait3A_289 = arith.constant 0 : i32
      %dma_wait3A_290 = tpu.memref_slice %arg2[%dma_wait3A_288, %dma_wait3A_289] : memref<10240x128xf32, #tpu.memory_space<hbm>> -> memref<10240x128xf32, #tpu.memory_space<hbm>>
      %dma_wait3A_291 = tpu.memref_slice %arg10[%dma_wait3A_280] : memref<2x!tpu.dma_semaphore, #tpu.memory_space<semaphore_mem>> -> memref<1x!tpu.dma_semaphore, #tpu.memory_space<semaphore_mem>>
      %dma_wait3A_292 = tpu.memref_squeeze %dma_wait3A_291 : memref<1x!tpu.dma_semaphore, #tpu.memory_space<semaphore_mem>> -> memref<!tpu.dma_semaphore, #tpu.memory_space<semaphore_mem>>
      tpu.wait_indirect_dma semaphore(%dma_wait3A_292 : memref<!tpu.dma_semaphore, #tpu.memory_space<semaphore_mem>>) src(%dma_wait3A_290 : memref<10240x128xf32, #tpu.memory_space<hbm>>) dst(%dma_wait3A_284 : memref<128x128xf32, #tpu.memory_space<vmem>>)
      %run_scoped3A_293 = arith.constant 0 : i32
      "tpu.region"() ({
        %run_scoped3A_343 = tpu.sem_alloc : memref<!tpu.dma_semaphore, #tpu.memory_space<semaphore_mem>>
        %dma_start3A_344 = arith.constant 0 : i32
        %dma_start3A_345 = arith.constant 0 : i32
        %dma_start3A_346 = tpu.memref_slice %arg6[%run_scoped3A_293, %dma_start3A_344, %dma_start3A_345] : memref<2x128x128xf32, #tpu.memory_space<vmem>> -> memref<1x128x128xf32, #tpu.memory_space<vmem>>
        %dma_start3A_347 = tpu.memref_squeeze %dma_start3A_346 : memref<1x128x128xf32, #tpu.memory_space<vmem>> -> memref<128x128xf32, #tpu.memory_space<vmem>>
        %dma_start3A_348 = arith.constant 0 : i32
        %dma_start3A_349 = tpu.memref_slice %arg8[%add3A_276, %dma_start3A_348] : memref<80x128xi32, #tpu.memory_space<vmem>> -> memref<1x128xi32, #tpu.memory_space<vmem>>
        %dma_start3A_350 = tpu.memref_squeeze %dma_start3A_349 : memref<1x128xi32, #tpu.memory_space<vmem>> -> memref<128xi32, #tpu.memory_space<vmem>>
        %dma_start3A_351 = arith.constant 0 : i32
        %dma_start3A_352 = arith.constant 0 : i32
        %dma_start3A_353 = tpu.memref_slice %arg9[%dma_start3A_351, %dma_start3A_352] : memref<10240x128xf32, #tpu.memory_space<vmem_shared>> -> memref<10240x128xf32, #tpu.memory_space<vmem_shared>>
        tpu.enqueue_indirect_dma source(%dma_start3A_347 : memref<128x128xf32, #tpu.memory_space<vmem>>) target(%dma_start3A_353 : memref<10240x128xf32, #tpu.memory_space<vmem_shared>>) offsets(%dma_start3A_350 : memref<128xi32, #tpu.memory_space<vmem>>) semaphore(%run_scoped3A_343 : memref<!tpu.dma_semaphore, #tpu.memory_space<semaphore_mem>>) {add = true}
        %dma_wait3A_354 = arith.constant 0 : i32
        %dma_wait3A_355 = arith.constant 0 : i32
        %dma_wait3A_356 = tpu.memref_slice %arg6[%run_scoped3A_293, %dma_wait3A_354, %dma_wait3A_355] : memref<2x128x128xf32, #tpu.memory_space<vmem>> -> memref<1x128x128xf32, #tpu.memory_space<vmem>>
        %dma_wait3A_357 = tpu.memref_squeeze %dma_wait3A_356 : memref<1x128x128xf32, #tpu.memory_space<vmem>> -> memref<128x128xf32, #tpu.memory_space<vmem>>
        %dma_wait3A_358 = arith.constant 0 : i32
        %dma_wait3A_359 = tpu.memref_slice %arg8[%add3A_276, %dma_wait3A_358] : memref<80x128xi32, #tpu.memory_space<vmem>> -> memref<1x128xi32, #tpu.memory_space<vmem>>
        %dma_wait3A_360 = tpu.memref_squeeze %dma_wait3A_359 : memref<1x128xi32, #tpu.memory_space<vmem>> -> memref<128xi32, #tpu.memory_space<vmem>>
        %dma_wait3A_361 = arith.constant 0 : i32
        %dma_wait3A_362 = arith.constant 0 : i32
        %dma_wait3A_363 = tpu.memref_slice %arg9[%dma_wait3A_361, %dma_wait3A_362] : memref<10240x128xf32, #tpu.memory_space<vmem_shared>> -> memref<10240x128xf32, #tpu.memory_space<vmem_shared>>
        tpu.wait_indirect_dma semaphore(%run_scoped3A_343 : memref<!tpu.dma_semaphore, #tpu.memory_space<semaphore_mem>>) src(%dma_wait3A_357 : memref<128x128xf32, #tpu.memory_space<vmem>>) dst(%dma_wait3A_363 : memref<10240x128xf32, #tpu.memory_space<vmem_shared>>)
        tpu.yield
      }) : () -> ()
      %add3A_294 = arith.constant 4 : i32
      %add3A_295 = arith.addi %add3A_276, %add3A_294 : i32
      %lt3A_296 = arith.constant 80 : i32
      %lt3A_297 = arith.cmpi slt, %add3A_295, %lt3A_296 : i32
      %convert_element_type3A_298 = arith.extui %lt3A_297 : i1 to i32
      %cond3A_299 = arith.constant 0 : i32
      %cond3A_300 = arith.cmpi ne, %convert_element_type3A_298, %cond3A_299 : i32
      scf.if %cond3A_300 {
        %mul3A_343 = arith.constant 80 : i32
        %mul3A_344 = arith.muli %add3A, %mul3A_343 : i32
        %add3A_345 = arith.addi %mul3A_344, %add3A_276 : i32
        %add3A_346 = arith.constant 4 : i32
        %add3A_347 = arith.addi %add3A_345, %add3A_346 : i32
        %dma_start3A_348 = arith.constant 2 : i32
        %dma_start3A_349 = arith.constant 2 : i32
        %dma_start3A_350 = arith.constant 0 : i32
        %dma_start3A_351 = arith.constant 0 : i32
        %dma_start3A_352 = tpu.memref_slice %arg7[%dma_start3A_348, %dma_start3A_350, %dma_start3A_351] : memref<4x1x128xi32, #tpu.memory_space<vmem>> -> memref<1x1x128xi32, #tpu.memory_space<vmem>>
        %dma_start3A_353 = tpu.memref_squeeze %dma_start3A_352 : memref<1x1x128xi32, #tpu.memory_space<vmem>> -> memref<1x128xi32, #tpu.memory_space<vmem>>
        %dma_start3A_354 = arith.constant 0 : i32
        %dma_start3A_355 = arith.constant 0 : i32
        %dma_start3A_356 = tpu.memref_slice %arg3[%add3A_347, %dma_start3A_354, %dma_start3A_355] : memref<2560x1x128xi32, #tpu.memory_space<hbm>> -> memref<1x1x128xi32, #tpu.memory_space<hbm>>
        %dma_start3A_357 = tpu.memref_squeeze %dma_start3A_356 : memref<1x1x128xi32, #tpu.memory_space<hbm>> -> memref<1x128xi32, #tpu.memory_space<hbm>>
        %dma_start3A_358 = tpu.memref_slice %arg11[%dma_start3A_349] : memref<4x!tpu.dma_semaphore, #tpu.memory_space<semaphore_mem>> -> memref<1x!tpu.dma_semaphore, #tpu.memory_space<semaphore_mem>>
        %dma_start3A_359 = tpu.memref_squeeze %dma_start3A_358 : memref<1x!tpu.dma_semaphore, #tpu.memory_space<semaphore_mem>> -> memref<!tpu.dma_semaphore, #tpu.memory_space<semaphore_mem>>
        %dma_start3A_360 = arith.constant 0 : i32
        %dma_start3A_361 = arith.constant 0 : i32
        %dma_start3A_362 = tpu.memref_slice %arg7[%dma_start3A_348, %dma_start3A_360, %dma_start3A_361] : memref<4x1x128xi32, #tpu.memory_space<vmem>> -> memref<1x1x128xi32, #tpu.memory_space<vmem>>
        %dma_start3A_363 = tpu.memref_squeeze %dma_start3A_362 : memref<1x1x128xi32, #tpu.memory_space<vmem>> -> memref<1x128xi32, #tpu.memory_space<vmem>>
        %dma_start3A_364 = arith.constant 0 : i32
        %dma_start3A_365 = arith.constant 0 : i32
        %dma_start3A_366 = tpu.memref_slice %arg3[%add3A_347, %dma_start3A_364, %dma_start3A_365] : memref<2560x1x128xi32, #tpu.memory_space<hbm>> -> memref<1x1x128xi32, #tpu.memory_space<hbm>>
        %dma_start3A_367 = tpu.memref_squeeze %dma_start3A_366 : memref<1x1x128xi32, #tpu.memory_space<hbm>> -> memref<1x128xi32, #tpu.memory_space<hbm>>
        tpu.enqueue_dma source(%dma_start3A_367 : memref<1x128xi32, #tpu.memory_space<hbm>>) target(%dma_start3A_363 : memref<1x128xi32, #tpu.memory_space<vmem>>) target_semaphore(%dma_start3A_359 : memref<!tpu.dma_semaphore, #tpu.memory_space<semaphore_mem>>)
      } else {
      }
      %add3A_301 = arith.constant 2 : i32
      %add3A_302 = arith.addi %add3A_276, %add3A_301 : i32
      %lt3A_303 = arith.constant 80 : i32
      %lt3A_304 = arith.cmpi slt, %add3A_302, %lt3A_303 : i32
      %convert_element_type3A_305 = arith.extui %lt3A_304 : i1 to i32
      %cond3A_306 = arith.constant 0 : i32
      %cond3A_307 = arith.cmpi ne, %convert_element_type3A_305, %cond3A_306 : i32
      scf.if %cond3A_307 {
        %mul3A_343 = arith.constant 80 : i32
        %mul3A_344 = arith.muli %add3A, %mul3A_343 : i32
        %add3A_345 = arith.addi %mul3A_344, %add3A_276 : i32
        %add3A_346 = arith.constant 2 : i32
        %add3A_347 = arith.addi %add3A_345, %add3A_346 : i32
        %dma_wait3A_348 = arith.constant 0 : i32
        %dma_wait3A_349 = arith.constant 0 : i32
        %dma_wait3A_350 = arith.constant 0 : i32
        %dma_wait3A_351 = arith.constant 0 : i32
        %dma_wait3A_352 = tpu.memref_slice %arg7[%dma_wait3A_348, %dma_wait3A_350, %dma_wait3A_351] : memref<4x1x128xi32, #tpu.memory_space<vmem>> -> memref<1x1x128xi32, #tpu.memory_space<vmem>>
        %dma_wait3A_353 = tpu.memref_squeeze %dma_wait3A_352 : memref<1x1x128xi32, #tpu.memory_space<vmem>> -> memref<1x128xi32, #tpu.memory_space<vmem>>
        %dma_wait3A_354 = arith.constant 0 : i32
        %dma_wait3A_355 = arith.constant 0 : i32
        %dma_wait3A_356 = tpu.memref_slice %arg3[%add3A_347, %dma_wait3A_354, %dma_wait3A_355] : memref<2560x1x128xi32, #tpu.memory_space<hbm>> -> memref<1x1x128xi32, #tpu.memory_space<hbm>>
        %dma_wait3A_357 = tpu.memref_squeeze %dma_wait3A_356 : memref<1x1x128xi32, #tpu.memory_space<hbm>> -> memref<1x128xi32, #tpu.memory_space<hbm>>
        %dma_wait3A_358 = tpu.memref_slice %arg11[%dma_wait3A_349] : memref<4x!tpu.dma_semaphore, #tpu.memory_space<semaphore_mem>> -> memref<1x!tpu.dma_semaphore, #tpu.memory_space<semaphore_mem>>
        %dma_wait3A_359 = tpu.memref_squeeze %dma_wait3A_358 : memref<1x!tpu.dma_semaphore, #tpu.memory_space<semaphore_mem>> -> memref<!tpu.dma_semaphore, #tpu.memory_space<semaphore_mem>>
        %dma_wait3A_360 = arith.constant 0 : i32
        %dma_wait3A_361 = arith.constant 0 : i32
        %dma_wait3A_362 = tpu.memref_slice %arg7[%dma_wait3A_348, %dma_wait3A_360, %dma_wait3A_361] : memref<4x1x128xi32, #tpu.memory_space<vmem>> -> memref<1x1x128xi32, #tpu.memory_space<vmem>>
        %dma_wait3A_363 = tpu.memref_squeeze %dma_wait3A_362 : memref<1x1x128xi32, #tpu.memory_space<vmem>> -> memref<1x128xi32, #tpu.memory_space<vmem>>
        %dma_wait3A_364 = arith.constant 0 : i32
        %dma_wait3A_365 = arith.constant 0 : i32
        %dma_wait3A_366 = tpu.memref_slice %arg3[%add3A_347, %dma_wait3A_364, %dma_wait3A_365] : memref<2560x1x128xi32, #tpu.memory_space<hbm>> -> memref<1x1x128xi32, #tpu.memory_space<hbm>>
        %dma_wait3A_367 = tpu.memref_squeeze %dma_wait3A_366 : memref<1x1x128xi32, #tpu.memory_space<hbm>> -> memref<1x128xi32, #tpu.memory_space<hbm>>
        tpu.wait_dma2 semaphore(%dma_wait3A_359 : memref<!tpu.dma_semaphore, #tpu.memory_space<semaphore_mem>>) src(%dma_wait3A_367 : memref<1x128xi32, #tpu.memory_space<hbm>>) dst(%dma_wait3A_363 : memref<1x128xi32, #tpu.memory_space<vmem>>)
        %dma_start3A_368 = arith.constant 0 : i32
        %dma_start3A_369 = arith.constant 0 : i32
        %dma_start3A_370 = arith.constant 0 : i32
        %dma_start3A_371 = arith.constant 0 : i32
        %dma_start3A_372 = arith.constant 0 : i32
        %dma_start3A_373 = arith.constant 0 : i32
        %dma_start3A_374 = tpu.memref_slice %arg6[%dma_start3A_370, %dma_start3A_372, %dma_start3A_373] : memref<2x128x128xf32, #tpu.memory_space<vmem>> -> memref<1x128x128xf32, #tpu.memory_space<vmem>>
        %dma_start3A_375 = tpu.memref_squeeze %dma_start3A_374 : memref<1x128x128xf32, #tpu.memory_space<vmem>> -> memref<128x128xf32, #tpu.memory_space<vmem>>
        %dma_start3A_376 = arith.constant 0 : i32
        %dma_start3A_377 = tpu.memref_slice %arg7[%dma_start3A_368, %dma_start3A_369, %dma_start3A_376] : memref<4x1x128xi32, #tpu.memory_space<vmem>> -> memref<1x1x128xi32, #tpu.memory_space<vmem>>
        %dma_start3A_378 = tpu.memref_squeeze %dma_start3A_377 : memref<1x1x128xi32, #tpu.memory_space<vmem>> -> memref<128xi32, #tpu.memory_space<vmem>>
        %dma_start3A_379 = arith.constant 0 : i32
        %dma_start3A_380 = arith.constant 0 : i32
        %dma_start3A_381 = tpu.memref_slice %arg2[%dma_start3A_379, %dma_start3A_380] : memref<10240x128xf32, #tpu.memory_space<hbm>> -> memref<10240x128xf32, #tpu.memory_space<hbm>>
        %dma_start3A_382 = tpu.memref_slice %arg10[%dma_start3A_371] : memref<2x!tpu.dma_semaphore, #tpu.memory_space<semaphore_mem>> -> memref<1x!tpu.dma_semaphore, #tpu.memory_space<semaphore_mem>>
        %dma_start3A_383 = tpu.memref_squeeze %dma_start3A_382 : memref<1x!tpu.dma_semaphore, #tpu.memory_space<semaphore_mem>> -> memref<!tpu.dma_semaphore, #tpu.memory_space<semaphore_mem>>
        tpu.enqueue_indirect_dma source(%dma_start3A_381 : memref<10240x128xf32, #tpu.memory_space<hbm>>) target(%dma_start3A_375 : memref<128x128xf32, #tpu.memory_space<vmem>>) offsets(%dma_start3A_378 : memref<128xi32, #tpu.memory_space<vmem>>) semaphore(%dma_start3A_383 : memref<!tpu.dma_semaphore, #tpu.memory_space<semaphore_mem>>)
      } else {
      }
      %mul3A_308 = arith.constant 4 : i32
      %mul3A_309 = arith.muli %scan3A_205, %mul3A_308 : i32
      %add3A_310 = arith.constant 3 : i32
      %add3A_311 = arith.addi %mul3A_309, %add3A_310 : i32
      %dma_wait3A_312 = arith.constant 3 : i32
      %dma_wait3A_313 = arith.constant 0 : i32
      %dma_wait3A_314 = arith.constant 1 : i32
      %dma_wait3A_315 = arith.constant 1 : i32
      %dma_wait3A_316 = arith.constant 0 : i32
      %dma_wait3A_317 = arith.constant 0 : i32
      %dma_wait3A_318 = tpu.memref_slice %arg6[%dma_wait3A_314, %dma_wait3A_316, %dma_wait3A_317] : memref<2x128x128xf32, #tpu.memory_space<vmem>> -> memref<1x128x128xf32, #tpu.memory_space<vmem>>
      %dma_wait3A_319 = tpu.memref_squeeze %dma_wait3A_318 : memref<1x128x128xf32, #tpu.memory_space<vmem>> -> memref<128x128xf32, #tpu.memory_space<vmem>>
      %dma_wait3A_320 = arith.constant 0 : i32
      %dma_wait3A_321 = tpu.memref_slice %arg7[%dma_wait3A_312, %dma_wait3A_313, %dma_wait3A_320] : memref<4x1x128xi32, #tpu.memory_space<vmem>> -> memref<1x1x128xi32, #tpu.memory_space<vmem>>
      %dma_wait3A_322 = tpu.memref_squeeze %dma_wait3A_321 : memref<1x1x128xi32, #tpu.memory_space<vmem>> -> memref<128xi32, #tpu.memory_space<vmem>>
      %dma_wait3A_323 = arith.constant 0 : i32
      %dma_wait3A_324 = arith.constant 0 : i32
      %dma_wait3A_325 = tpu.memref_slice %arg2[%dma_wait3A_323, %dma_wait3A_324] : memref<10240x128xf32, #tpu.memory_space<hbm>> -> memref<10240x128xf32, #tpu.memory_space<hbm>>
      %dma_wait3A_326 = tpu.memref_slice %arg10[%dma_wait3A_315] : memref<2x!tpu.dma_semaphore, #tpu.memory_space<semaphore_mem>> -> memref<1x!tpu.dma_semaphore, #tpu.memory_space<semaphore_mem>>
      %dma_wait3A_327 = tpu.memref_squeeze %dma_wait3A_326 : memref<1x!tpu.dma_semaphore, #tpu.memory_space<semaphore_mem>> -> memref<!tpu.dma_semaphore, #tpu.memory_space<semaphore_mem>>
      tpu.wait_indirect_dma semaphore(%dma_wait3A_327 : memref<!tpu.dma_semaphore, #tpu.memory_space<semaphore_mem>>) src(%dma_wait3A_325 : memref<10240x128xf32, #tpu.memory_space<hbm>>) dst(%dma_wait3A_319 : memref<128x128xf32, #tpu.memory_space<vmem>>)
      %run_scoped3A_328 = arith.constant 1 : i32
      "tpu.region"() ({
        %run_scoped3A_343 = tpu.sem_alloc : memref<!tpu.dma_semaphore, #tpu.memory_space<semaphore_mem>>
        %dma_start3A_344 = arith.constant 0 : i32
        %dma_start3A_345 = arith.constant 0 : i32
        %dma_start3A_346 = tpu.memref_slice %arg6[%run_scoped3A_328, %dma_start3A_344, %dma_start3A_345] : memref<2x128x128xf32, #tpu.memory_space<vmem>> -> memref<1x128x128xf32, #tpu.memory_space<vmem>>
        %dma_start3A_347 = tpu.memref_squeeze %dma_start3A_346 : memref<1x128x128xf32, #tpu.memory_space<vmem>> -> memref<128x128xf32, #tpu.memory_space<vmem>>
        %dma_start3A_348 = arith.constant 0 : i32
        %dma_start3A_349 = tpu.memref_slice %arg8[%add3A_311, %dma_start3A_348] : memref<80x128xi32, #tpu.memory_space<vmem>> -> memref<1x128xi32, #tpu.memory_space<vmem>>
        %dma_start3A_350 = tpu.memref_squeeze %dma_start3A_349 : memref<1x128xi32, #tpu.memory_space<vmem>> -> memref<128xi32, #tpu.memory_space<vmem>>
        %dma_start3A_351 = arith.constant 0 : i32
        %dma_start3A_352 = arith.constant 0 : i32
        %dma_start3A_353 = tpu.memref_slice %arg9[%dma_start3A_351, %dma_start3A_352] : memref<10240x128xf32, #tpu.memory_space<vmem_shared>> -> memref<10240x128xf32, #tpu.memory_space<vmem_shared>>
        tpu.enqueue_indirect_dma source(%dma_start3A_347 : memref<128x128xf32, #tpu.memory_space<vmem>>) target(%dma_start3A_353 : memref<10240x128xf32, #tpu.memory_space<vmem_shared>>) offsets(%dma_start3A_350 : memref<128xi32, #tpu.memory_space<vmem>>) semaphore(%run_scoped3A_343 : memref<!tpu.dma_semaphore, #tpu.memory_space<semaphore_mem>>) {add = true}
        %dma_wait3A_354 = arith.constant 0 : i32
        %dma_wait3A_355 = arith.constant 0 : i32
        %dma_wait3A_356 = tpu.memref_slice %arg6[%run_scoped3A_328, %dma_wait3A_354, %dma_wait3A_355] : memref<2x128x128xf32, #tpu.memory_space<vmem>> -> memref<1x128x128xf32, #tpu.memory_space<vmem>>
        %dma_wait3A_357 = tpu.memref_squeeze %dma_wait3A_356 : memref<1x128x128xf32, #tpu.memory_space<vmem>> -> memref<128x128xf32, #tpu.memory_space<vmem>>
        %dma_wait3A_358 = arith.constant 0 : i32
        %dma_wait3A_359 = tpu.memref_slice %arg8[%add3A_311, %dma_wait3A_358] : memref<80x128xi32, #tpu.memory_space<vmem>> -> memref<1x128xi32, #tpu.memory_space<vmem>>
        %dma_wait3A_360 = tpu.memref_squeeze %dma_wait3A_359 : memref<1x128xi32, #tpu.memory_space<vmem>> -> memref<128xi32, #tpu.memory_space<vmem>>
        %dma_wait3A_361 = arith.constant 0 : i32
        %dma_wait3A_362 = arith.constant 0 : i32
        %dma_wait3A_363 = tpu.memref_slice %arg9[%dma_wait3A_361, %dma_wait3A_362] : memref<10240x128xf32, #tpu.memory_space<vmem_shared>> -> memref<10240x128xf32, #tpu.memory_space<vmem_shared>>
        tpu.wait_indirect_dma semaphore(%run_scoped3A_343 : memref<!tpu.dma_semaphore, #tpu.memory_space<semaphore_mem>>) src(%dma_wait3A_357 : memref<128x128xf32, #tpu.memory_space<vmem>>) dst(%dma_wait3A_363 : memref<10240x128xf32, #tpu.memory_space<vmem_shared>>)
        tpu.yield
      }) : () -> ()
      %add3A_329 = arith.constant 4 : i32
      %add3A_330 = arith.addi %add3A_311, %add3A_329 : i32
      %lt3A_331 = arith.constant 80 : i32
      %lt3A_332 = arith.cmpi slt, %add3A_330, %lt3A_331 : i32
      %convert_element_type3A_333 = arith.extui %lt3A_332 : i1 to i32
      %cond3A_334 = arith.constant 0 : i32
      %cond3A_335 = arith.cmpi ne, %convert_element_type3A_333, %cond3A_334 : i32
      scf.if %cond3A_335 {
        %mul3A_343 = arith.constant 80 : i32
        %mul3A_344 = arith.muli %add3A, %mul3A_343 : i32
        %add3A_345 = arith.addi %mul3A_344, %add3A_311 : i32
        %add3A_346 = arith.constant 4 : i32
        %add3A_347 = arith.addi %add3A_345, %add3A_346 : i32
        %dma_start3A_348 = arith.constant 3 : i32
        %dma_start3A_349 = arith.constant 3 : i32
        %dma_start3A_350 = arith.constant 0 : i32
        %dma_start3A_351 = arith.constant 0 : i32
        %dma_start3A_352 = tpu.memref_slice %arg7[%dma_start3A_348, %dma_start3A_350, %dma_start3A_351] : memref<4x1x128xi32, #tpu.memory_space<vmem>> -> memref<1x1x128xi32, #tpu.memory_space<vmem>>
        %dma_start3A_353 = tpu.memref_squeeze %dma_start3A_352 : memref<1x1x128xi32, #tpu.memory_space<vmem>> -> memref<1x128xi32, #tpu.memory_space<vmem>>
        %dma_start3A_354 = arith.constant 0 : i32
        %dma_start3A_355 = arith.constant 0 : i32
        %dma_start3A_356 = tpu.memref_slice %arg3[%add3A_347, %dma_start3A_354, %dma_start3A_355] : memref<2560x1x128xi32, #tpu.memory_space<hbm>> -> memref<1x1x128xi32, #tpu.memory_space<hbm>>
        %dma_start3A_357 = tpu.memref_squeeze %dma_start3A_356 : memref<1x1x128xi32, #tpu.memory_space<hbm>> -> memref<1x128xi32, #tpu.memory_space<hbm>>
        %dma_start3A_358 = tpu.memref_slice %arg11[%dma_start3A_349] : memref<4x!tpu.dma_semaphore, #tpu.memory_space<semaphore_mem>> -> memref<1x!tpu.dma_semaphore, #tpu.memory_space<semaphore_mem>>
        %dma_start3A_359 = tpu.memref_squeeze %dma_start3A_358 : memref<1x!tpu.dma_semaphore, #tpu.memory_space<semaphore_mem>> -> memref<!tpu.dma_semaphore, #tpu.memory_space<semaphore_mem>>
        %dma_start3A_360 = arith.constant 0 : i32
        %dma_start3A_361 = arith.constant 0 : i32
        %dma_start3A_362 = tpu.memref_slice %arg7[%dma_start3A_348, %dma_start3A_360, %dma_start3A_361] : memref<4x1x128xi32, #tpu.memory_space<vmem>> -> memref<1x1x128xi32, #tpu.memory_space<vmem>>
        %dma_start3A_363 = tpu.memref_squeeze %dma_start3A_362 : memref<1x1x128xi32, #tpu.memory_space<vmem>> -> memref<1x128xi32, #tpu.memory_space<vmem>>
        %dma_start3A_364 = arith.constant 0 : i32
        %dma_start3A_365 = arith.constant 0 : i32
        %dma_start3A_366 = tpu.memref_slice %arg3[%add3A_347, %dma_start3A_364, %dma_start3A_365] : memref<2560x1x128xi32, #tpu.memory_space<hbm>> -> memref<1x1x128xi32, #tpu.memory_space<hbm>>
        %dma_start3A_367 = tpu.memref_squeeze %dma_start3A_366 : memref<1x1x128xi32, #tpu.memory_space<hbm>> -> memref<1x128xi32, #tpu.memory_space<hbm>>
        tpu.enqueue_dma source(%dma_start3A_367 : memref<1x128xi32, #tpu.memory_space<hbm>>) target(%dma_start3A_363 : memref<1x128xi32, #tpu.memory_space<vmem>>) target_semaphore(%dma_start3A_359 : memref<!tpu.dma_semaphore, #tpu.memory_space<semaphore_mem>>)
      } else {
      }
      %add3A_336 = arith.constant 2 : i32
      %add3A_337 = arith.addi %add3A_311, %add3A_336 : i32
      %lt3A_338 = arith.constant 80 : i32
      %lt3A_339 = arith.cmpi slt, %add3A_337, %lt3A_338 : i32
      %convert_element_type3A_340 = arith.extui %lt3A_339 : i1 to i32
      %cond3A_341 = arith.constant 0 : i32
      %cond3A_342 = arith.cmpi ne, %convert_element_type3A_340, %cond3A_341 : i32
      scf.if %cond3A_342 {
        %mul3A_343 = arith.constant 80 : i32
        %mul3A_344 = arith.muli %add3A, %mul3A_343 : i32
        %add3A_345 = arith.addi %mul3A_344, %add3A_311 : i32
        %add3A_346 = arith.constant 2 : i32
        %add3A_347 = arith.addi %add3A_345, %add3A_346 : i32
        %dma_wait3A_348 = arith.constant 1 : i32
        %dma_wait3A_349 = arith.constant 1 : i32
        %dma_wait3A_350 = arith.constant 0 : i32
        %dma_wait3A_351 = arith.constant 0 : i32
        %dma_wait3A_352 = tpu.memref_slice %arg7[%dma_wait3A_348, %dma_wait3A_350, %dma_wait3A_351] : memref<4x1x128xi32, #tpu.memory_space<vmem>> -> memref<1x1x128xi32, #tpu.memory_space<vmem>>
        %dma_wait3A_353 = tpu.memref_squeeze %dma_wait3A_352 : memref<1x1x128xi32, #tpu.memory_space<vmem>> -> memref<1x128xi32, #tpu.memory_space<vmem>>
        %dma_wait3A_354 = arith.constant 0 : i32
        %dma_wait3A_355 = arith.constant 0 : i32
        %dma_wait3A_356 = tpu.memref_slice %arg3[%add3A_347, %dma_wait3A_354, %dma_wait3A_355] : memref<2560x1x128xi32, #tpu.memory_space<hbm>> -> memref<1x1x128xi32, #tpu.memory_space<hbm>>
        %dma_wait3A_357 = tpu.memref_squeeze %dma_wait3A_356 : memref<1x1x128xi32, #tpu.memory_space<hbm>> -> memref<1x128xi32, #tpu.memory_space<hbm>>
        %dma_wait3A_358 = tpu.memref_slice %arg11[%dma_wait3A_349] : memref<4x!tpu.dma_semaphore, #tpu.memory_space<semaphore_mem>> -> memref<1x!tpu.dma_semaphore, #tpu.memory_space<semaphore_mem>>
        %dma_wait3A_359 = tpu.memref_squeeze %dma_wait3A_358 : memref<1x!tpu.dma_semaphore, #tpu.memory_space<semaphore_mem>> -> memref<!tpu.dma_semaphore, #tpu.memory_space<semaphore_mem>>
        %dma_wait3A_360 = arith.constant 0 : i32
        %dma_wait3A_361 = arith.constant 0 : i32
        %dma_wait3A_362 = tpu.memref_slice %arg7[%dma_wait3A_348, %dma_wait3A_360, %dma_wait3A_361] : memref<4x1x128xi32, #tpu.memory_space<vmem>> -> memref<1x1x128xi32, #tpu.memory_space<vmem>>
        %dma_wait3A_363 = tpu.memref_squeeze %dma_wait3A_362 : memref<1x1x128xi32, #tpu.memory_space<vmem>> -> memref<1x128xi32, #tpu.memory_space<vmem>>
        %dma_wait3A_364 = arith.constant 0 : i32
        %dma_wait3A_365 = arith.constant 0 : i32
        %dma_wait3A_366 = tpu.memref_slice %arg3[%add3A_347, %dma_wait3A_364, %dma_wait3A_365] : memref<2560x1x128xi32, #tpu.memory_space<hbm>> -> memref<1x1x128xi32, #tpu.memory_space<hbm>>
        %dma_wait3A_367 = tpu.memref_squeeze %dma_wait3A_366 : memref<1x1x128xi32, #tpu.memory_space<hbm>> -> memref<1x128xi32, #tpu.memory_space<hbm>>
        tpu.wait_dma2 semaphore(%dma_wait3A_359 : memref<!tpu.dma_semaphore, #tpu.memory_space<semaphore_mem>>) src(%dma_wait3A_367 : memref<1x128xi32, #tpu.memory_space<hbm>>) dst(%dma_wait3A_363 : memref<1x128xi32, #tpu.memory_space<vmem>>)
        %dma_start3A_368 = arith.constant 1 : i32
        %dma_start3A_369 = arith.constant 0 : i32
        %dma_start3A_370 = arith.constant 1 : i32
        %dma_start3A_371 = arith.constant 1 : i32
        %dma_start3A_372 = arith.constant 0 : i32
        %dma_start3A_373 = arith.constant 0 : i32
        %dma_start3A_374 = tpu.memref_slice %arg6[%dma_start3A_370, %dma_start3A_372, %dma_start3A_373] : memref<2x128x128xf32, #tpu.memory_space<vmem>> -> memref<1x128x128xf32, #tpu.memory_space<vmem>>
        %dma_start3A_375 = tpu.memref_squeeze %dma_start3A_374 : memref<1x128x128xf32, #tpu.memory_space<vmem>> -> memref<128x128xf32, #tpu.memory_space<vmem>>
        %dma_start3A_376 = arith.constant 0 : i32
        %dma_start3A_377 = tpu.memref_slice %arg7[%dma_start3A_368, %dma_start3A_369, %dma_start3A_376] : memref<4x1x128xi32, #tpu.memory_space<vmem>> -> memref<1x1x128xi32, #tpu.memory_space<vmem>>
        %dma_start3A_378 = tpu.memref_squeeze %dma_start3A_377 : memref<1x1x128xi32, #tpu.memory_space<vmem>> -> memref<128xi32, #tpu.memory_space<vmem>>
        %dma_start3A_379 = arith.constant 0 : i32
        %dma_start3A_380 = arith.constant 0 : i32
        %dma_start3A_381 = tpu.memref_slice %arg2[%dma_start3A_379, %dma_start3A_380] : memref<10240x128xf32, #tpu.memory_space<hbm>> -> memref<10240x128xf32, #tpu.memory_space<hbm>>
        %dma_start3A_382 = tpu.memref_slice %arg10[%dma_start3A_371] : memref<2x!tpu.dma_semaphore, #tpu.memory_space<semaphore_mem>> -> memref<1x!tpu.dma_semaphore, #tpu.memory_space<semaphore_mem>>
        %dma_start3A_383 = tpu.memref_squeeze %dma_start3A_382 : memref<1x!tpu.dma_semaphore, #tpu.memory_space<semaphore_mem>> -> memref<!tpu.dma_semaphore, #tpu.memory_space<semaphore_mem>>
        tpu.enqueue_indirect_dma source(%dma_start3A_381 : memref<10240x128xf32, #tpu.memory_space<hbm>>) target(%dma_start3A_375 : memref<128x128xf32, #tpu.memory_space<vmem>>) offsets(%dma_start3A_378 : memref<128xi32, #tpu.memory_space<vmem>>) semaphore(%dma_start3A_383 : memref<!tpu.dma_semaphore, #tpu.memory_space<semaphore_mem>>)
      } else {
      }
    }
    %scan3A_203 = arith.constant 20 : i32
    %barrier3A_204 = arith.constant 0 : index
    tpu.barrier barrier_id(%barrier3A_204)
    "tpu.region"() ({
      %run_scoped3A_205 = tpu.sem_alloc : memref<!tpu.dma_semaphore, #tpu.memory_space<semaphore_mem>>
      %dma_start3A_206 = arith.constant 0 : i32
      %dma_start3A_207 = arith.constant 0 : i32
      %dma_start3A_208 = tpu.memref_slice %arg5[%arg0, %dma_start3A_206, %dma_start3A_207] : memref<2x10240x128xf32, #tpu.memory_space<hbm>> -> memref<1x10240x128xf32, #tpu.memory_space<hbm>>
      %dma_start3A_209 = tpu.memref_squeeze %dma_start3A_208 : memref<1x10240x128xf32, #tpu.memory_space<hbm>> -> memref<10240x128xf32, #tpu.memory_space<hbm>>
      %dma_start3A_210 = arith.constant 0 : i32
      %dma_start3A_211 = tpu.memref_slice %dma_start3A_209[%mul3A_2, %dma_start3A_210] : memref<10240x128xf32, #tpu.memory_space<hbm>> -> memref<640x128xf32, #tpu.memory_space<hbm>>
      %dma_start3A_212 = arith.constant 0 : i32
      %dma_start3A_213 = tpu.memref_slice %arg9[%mul3A_2, %dma_start3A_212] : memref<10240x128xf32, #tpu.memory_space<vmem_shared>> -> memref<640x128xf32, #tpu.memory_space<vmem_shared>>
      tpu.enqueue_dma source(%dma_start3A_213 : memref<640x128xf32, #tpu.memory_space<vmem_shared>>) target(%dma_start3A_211 : memref<640x128xf32, #tpu.memory_space<hbm>>) target_semaphore(%run_scoped3A_205 : memref<!tpu.dma_semaphore, #tpu.memory_space<semaphore_mem>>)
      %dma_wait3A_214 = arith.constant 0 : i32
      %dma_wait3A_215 = arith.constant 0 : i32
      %dma_wait3A_216 = tpu.memref_slice %arg5[%arg0, %dma_wait3A_214, %dma_wait3A_215] : memref<2x10240x128xf32, #tpu.memory_space<hbm>> -> memref<1x10240x128xf32, #tpu.memory_space<hbm>>
      %dma_wait3A_217 = tpu.memref_squeeze %dma_wait3A_216 : memref<1x10240x128xf32, #tpu.memory_space<hbm>> -> memref<10240x128xf32, #tpu.memory_space<hbm>>
      %dma_wait3A_218 = arith.constant 0 : i32
      %dma_wait3A_219 = tpu.memref_slice %dma_wait3A_217[%mul3A_2, %dma_wait3A_218] : memref<10240x128xf32, #tpu.memory_space<hbm>> -> memref<640x128xf32, #tpu.memory_space<hbm>>
      %dma_wait3A_220 = arith.constant 0 : i32
      %dma_wait3A_221 = tpu.memref_slice %arg9[%mul3A_2, %dma_wait3A_220] : memref<10240x128xf32, #tpu.memory_space<vmem_shared>> -> memref<640x128xf32, #tpu.memory_space<vmem_shared>>
      tpu.wait_dma2 semaphore(%run_scoped3A_205 : memref<!tpu.dma_semaphore, #tpu.memory_space<semaphore_mem>>) src(%dma_wait3A_221 : memref<640x128xf32, #tpu.memory_space<vmem_shared>>) dst(%dma_wait3A_219 : memref<640x128xf32, #tpu.memory_space<hbm>>)
      tpu.yield
    }) : () -> ()
    return
  }
}

module attributes {stable_mosaic.version = 14 : i64} {
  func.func @_b1_body(%arg0: i32, %arg1: memref<1024x128xf32, #tpu.memory_space<vmem>>, %arg2: memref<128x128xf32, #tpu.memory_space<vmem>>, %arg3: memref<32x1024xf32, #tpu.memory_space<vmem>>, %arg4: memref<1024x128xf32, #tpu.memory_space<vmem>>) attributes {dimension_semantics = [#tpu.dimension_semantics<arbitrary>], iteration_bounds = array<i64: 10>, scalar_prefetch = 0 : i64, scratch_operands = 0 : i64, tpu.core_type = #tpu.core_type<tc>, window_params = [{transform_indices = @transform_0, window_bounds = array<i64: 1024, 128>}, {pipeline_mode = #tpu.pipeline_mode<synchronous>, transform_indices = @transform_1, window_bounds = array<i64: 128, 128>}, {transform_indices = @transform_2, window_bounds = array<i64: 32, 1024>}, {transform_indices = @transform_3, window_bounds = array<i64: 1024, 128>}]} {
    %get3A = arith.constant 0 : index
    %get3A_0 = arith.constant 0 : index
    %get3A_1 = vector.load %arg3[%get3A, %get3A_0] : memref<32x1024xf32, #tpu.memory_space<vmem>>, vector<32x1024xf32>
    %reduce_sum3A = arith.constant dense<0.000000e+00> : vector<1024xf32>
    %reduce_sum3A_2 = vector.multi_reduction <add>, %get3A_1, %reduce_sum3A [0] : vector<32x1024xf32> to vector<1024xf32>
    %add3A = arith.constant 1.000000e+00 : f32
    %add3A_3 = vector.broadcast %add3A : f32 to vector<1024xf32>
    %add3A_4 = arith.addf %reduce_sum3A_2, %add3A_3 : vector<1024xf32>
    %max3A = arith.constant 1.000000e+00 : f32
    %max3A_5 = vector.broadcast %max3A : f32 to vector<1024xf32>
    %max3A_6 = arith.maximumf %add3A_4, %max3A_5 : vector<1024xf32>
    %rsqrt3A = math.rsqrt %max3A_6 : vector<1024xf32>
    %get3A_7 = arith.constant 0 : index
    %get3A_8 = arith.constant 0 : index
    %get3A_9 = vector.load %arg1[%get3A_7, %get3A_8] : memref<1024x128xf32, #tpu.memory_space<vmem>>, vector<1024x128xf32>
    %get3A_10 = arith.constant 0 : index
    %get3A_11 = arith.constant 0 : index
    %get3A_12 = vector.load %arg2[%get3A_10, %get3A_11] : memref<128x128xf32, #tpu.memory_space<vmem>>, vector<128x128xf32>
    %dot_general3A = arith.constant dense<0.000000e+00> : vector<1024x128xf32>
    %dot_general3A_13 = tpu.matmul %get3A_9, %get3A_12, %dot_general3A {dimension_numbers = #tpu.dot_dimension_numbers<[1], [0], [0], [1], [0, 0, 1, 1], [], []>, transpose_lhs_hint = false} : vector<1024x128xf32>, vector<128x128xf32>, vector<1024x128xf32> -> vector<1024x128xf32>
    %broadcast_in_dim3A = vector.shape_cast %rsqrt3A : vector<1024xf32> to vector<1024x1xf32>
    %mul3A = vector.broadcast %broadcast_in_dim3A : vector<1024x1xf32> to vector<1024x128xf32>
    %mul3A_14 = arith.mulf %dot_general3A_13, %mul3A : vector<1024x128xf32>
    %swap3A = arith.constant 0 : index
    %swap3A_15 = arith.constant 0 : index
    %swap3A_16 = vector.load %arg4[%swap3A, %swap3A_15] : memref<1024x128xf32, #tpu.memory_space<vmem>>, vector<1024x128xf32>
    tpu.vector_store %arg4[%swap3A, %swap3A_15], %mul3A_14 {strides = array<i32>} : memref<1024x128xf32, #tpu.memory_space<vmem>>, vector<1024x128xf32>,
    return
  }
  func.func @transform_0(%arg0: i32) -> (i32, i32) {
    %c0_i32 = arith.constant 0 : i32
    %c0_i32_0 = arith.constant 0 : i32
    return %arg0, %c0_i32 : i32, i32
  }
  func.func @transform_1(%arg0: i32) -> (i32, i32) {
    %c0_i32 = arith.constant 0 : i32
    %c0_i32_0 = arith.constant 0 : i32
    %c0_i32_1 = arith.constant 0 : i32
    return %c0_i32, %c0_i32_0 : i32, i32
  }
  func.func @transform_2(%arg0: i32) -> (i32, i32) {
    %c0_i32 = arith.constant 0 : i32
    %c0_i32_0 = arith.constant 0 : i32
    return %c0_i32, %arg0 : i32, i32
  }
  func.func @transform_3(%arg0: i32) -> (i32, i32) {
    %c0_i32 = arith.constant 0 : i32
    %c0_i32_0 = arith.constant 0 : i32
    return %arg0, %c0_i32 : i32, i32
  }
}

module attributes {stable_mosaic.version = 14 : i64} {
  func.func @_b2_body(%arg0: i32, %arg1: memref<2x1024x128xf32, #tpu.memory_space<vmem>>, %arg2: memref<1024x128xf32, #tpu.memory_space<vmem>>, %arg3: memref<32x1024xf32, #tpu.memory_space<vmem>>, %arg4: memref<128x128xf32, #tpu.memory_space<vmem>>, %arg5: memref<1x128xf32, #tpu.memory_space<vmem>>, %arg6: memref<1024x128xf32, #tpu.memory_space<vmem>>) attributes {dimension_semantics = [#tpu.dimension_semantics<arbitrary>], iteration_bounds = array<i64: 10>, scalar_prefetch = 0 : i64, scratch_operands = 0 : i64, tpu.core_type = #tpu.core_type<tc>, window_params = [{transform_indices = @transform_0, window_bounds = array<i64: 2, 1024, 128>}, {transform_indices = @transform_1, window_bounds = array<i64: 1024, 128>}, {transform_indices = @transform_2, window_bounds = array<i64: 32, 1024>}, {pipeline_mode = #tpu.pipeline_mode<synchronous>, transform_indices = @transform_3, window_bounds = array<i64: 128, 128>}, {pipeline_mode = #tpu.pipeline_mode<synchronous>, transform_indices = @transform_4, window_bounds = array<i64: 1, 128>}, {transform_indices = @transform_5, window_bounds = array<i64: 1024, 128>}]} {
    %get3A = arith.constant 0 : index
    %get3A_0 = arith.constant 0 : index
    %get3A_1 = vector.load %arg3[%get3A, %get3A_0] : memref<32x1024xf32, #tpu.memory_space<vmem>>, vector<32x1024xf32>
    %reduce_sum3A = arith.constant dense<0.000000e+00> : vector<1024xf32>
    %reduce_sum3A_2 = vector.multi_reduction <add>, %get3A_1, %reduce_sum3A [0] : vector<32x1024xf32> to vector<1024xf32>
    %add3A = arith.constant 1.000000e+00 : f32
    %add3A_3 = vector.broadcast %add3A : f32 to vector<1024xf32>
    %add3A_4 = arith.addf %reduce_sum3A_2, %add3A_3 : vector<1024xf32>
    %max3A = arith.constant 1.000000e+00 : f32
    %max3A_5 = vector.broadcast %max3A : f32 to vector<1024xf32>
    %max3A_6 = arith.maximumf %add3A_4, %max3A_5 : vector<1024xf32>
    %rsqrt3A = math.rsqrt %max3A_6 : vector<1024xf32>
    %get3A_7 = arith.constant 0 : index
    %get3A_8 = arith.constant 0 : index
    %get3A_9 = arith.constant 0 : index
    %get3A_10 = vector.load %arg1[%get3A_7, %get3A_8, %get3A_9] : memref<2x1024x128xf32, #tpu.memory_space<vmem>>, vector<1x1024x128xf32>
    %get3A_11 = vector.shape_cast %get3A_10 : vector<1x1024x128xf32> to vector<1024x128xf32>
    %get3A_12 = arith.constant 1 : index
    %get3A_13 = arith.constant 0 : index
    %get3A_14 = arith.constant 0 : index
    %get3A_15 = vector.load %arg1[%get3A_12, %get3A_13, %get3A_14] : memref<2x1024x128xf32, #tpu.memory_space<vmem>>, vector<1x1024x128xf32>
    %get3A_16 = vector.shape_cast %get3A_15 : vector<1x1024x128xf32> to vector<1024x128xf32>
    %add3A_17 = arith.addf %get3A_11, %get3A_16 : vector<1024x128xf32>
    %get3A_18 = arith.constant 0 : index
    %get3A_19 = arith.constant 0 : index
    %get3A_20 = vector.load %arg2[%get3A_18, %get3A_19] : memref<1024x128xf32, #tpu.memory_space<vmem>>, vector<1024x128xf32>
    %add3A_21 = arith.addf %add3A_17, %get3A_20 : vector<1024x128xf32>
    %broadcast_in_dim3A = vector.shape_cast %rsqrt3A : vector<1024xf32> to vector<1024x1xf32>
    %mul3A = vector.broadcast %broadcast_in_dim3A : vector<1024x1xf32> to vector<1024x128xf32>
    %mul3A_22 = arith.mulf %add3A_21, %mul3A : vector<1024x128xf32>
    %get3A_23 = arith.constant 0 : index
    %get3A_24 = arith.constant 0 : index
    %get3A_25 = vector.load %arg5[%get3A_23, %get3A_24] : memref<1x128xf32, #tpu.memory_space<vmem>>, vector<1x128xf32>
    %get3A_26 = vector.shape_cast %get3A_25 : vector<1x128xf32> to vector<128xf32>
    %broadcast_in_dim3A_27 = vector.shape_cast %get3A_26 : vector<128xf32> to vector<1x128xf32>
    %add3A_28 = vector.broadcast %broadcast_in_dim3A_27 : vector<1x128xf32> to vector<1024x128xf32>
    %add3A_29 = arith.addf %mul3A_22, %add3A_28 : vector<1024x128xf32>
    %max3A_30 = arith.constant 0.000000e+00 : f32
    %max3A_31 = vector.broadcast %max3A_30 : f32 to vector<1024x128xf32>
    %max3A_32 = arith.maximumf %add3A_29, %max3A_31 : vector<1024x128xf32>
    %get3A_33 = arith.constant 0 : index
    %get3A_34 = arith.constant 0 : index
    %get3A_35 = vector.load %arg4[%get3A_33, %get3A_34] : memref<128x128xf32, #tpu.memory_space<vmem>>, vector<128x128xf32>
    %dot_general3A = arith.constant dense<0.000000e+00> : vector<1024x128xf32>
    %dot_general3A_36 = tpu.matmul %max3A_32, %get3A_35, %dot_general3A {dimension_numbers = #tpu.dot_dimension_numbers<[1], [0], [0], [1], [0, 0, 1, 1], [], []>, transpose_lhs_hint = false} : vector<1024x128xf32>, vector<128x128xf32>, vector<1024x128xf32> -> vector<1024x128xf32>
    %broadcast_in_dim3A_37 = vector.shape_cast %rsqrt3A : vector<1024xf32> to vector<1024x1xf32>
    %mul3A_38 = vector.broadcast %broadcast_in_dim3A_37 : vector<1024x1xf32> to vector<1024x128xf32>
    %mul3A_39 = arith.mulf %dot_general3A_36, %mul3A_38 : vector<1024x128xf32>
    %swap3A = arith.constant 0 : index
    %swap3A_40 = arith.constant 0 : index
    %swap3A_41 = vector.load %arg6[%swap3A, %swap3A_40] : memref<1024x128xf32, #tpu.memory_space<vmem>>, vector<1024x128xf32>
    tpu.vector_store %arg6[%swap3A, %swap3A_40], %mul3A_39 {strides = array<i32>} : memref<1024x128xf32, #tpu.memory_space<vmem>>, vector<1024x128xf32>,
    return
  }
  func.func @transform_0(%arg0: i32) -> (i32, i32, i32) {
    %c0_i32 = arith.constant 0 : i32
    %c0_i32_0 = arith.constant 0 : i32
    %c0_i32_1 = arith.constant 0 : i32
    return %c0_i32, %arg0, %c0_i32_0 : i32, i32, i32
  }
  func.func @transform_1(%arg0: i32) -> (i32, i32) {
    %c0_i32 = arith.constant 0 : i32
    %c0_i32_0 = arith.constant 0 : i32
    return %arg0, %c0_i32 : i32, i32
  }
  func.func @transform_2(%arg0: i32) -> (i32, i32) {
    %c0_i32 = arith.constant 0 : i32
    %c0_i32_0 = arith.constant 0 : i32
    return %c0_i32, %arg0 : i32, i32
  }
  func.func @transform_3(%arg0: i32) -> (i32, i32) {
    %c0_i32 = arith.constant 0 : i32
    %c0_i32_0 = arith.constant 0 : i32
    %c0_i32_1 = arith.constant 0 : i32
    return %c0_i32, %c0_i32_0 : i32, i32
  }
  func.func @transform_4(%arg0: i32) -> (i32, i32) {
    %c0_i32 = arith.constant 0 : i32
    %c0_i32_0 = arith.constant 0 : i32
    %c0_i32_1 = arith.constant 0 : i32
    return %c0_i32, %c0_i32_0 : i32, i32
  }
  func.func @transform_5(%arg0: i32) -> (i32, i32) {
    %c0_i32 = arith.constant 0 : i32
    %c0_i32_0 = arith.constant 0 : i32
    return %arg0, %c0_i32 : i32, i32
  }
}

module attributes {stable_mosaic.version = 14 : i64} {
  func.func @_b3_body(%arg0: i32, %arg1: memref<2x1024x128xf32, #tpu.memory_space<vmem>>, %arg2: memref<1024x128xf32, #tpu.memory_space<vmem>>, %arg3: memref<32x1024xf32, #tpu.memory_space<vmem>>, %arg4: memref<1x1x1024xi32, #tpu.memory_space<vmem>>, %arg5: memref<64x2xf32, #tpu.memory_space<vmem>>, %arg6: memref<2x128xf32, #tpu.memory_space<vmem>>, %arg7: memref<1x128xf32, #tpu.memory_space<vmem>>, %arg8: memref<1x128xf32, #tpu.memory_space<vmem>>, %arg9: memref<128x2xf32, #tpu.memory_space<vmem>>, %arg10: memref<128x2xf32, #tpu.memory_space<vmem>>, %arg11: memref<1x2xf32, #tpu.memory_space<vmem>>, %arg12: memref<64x2xf32, #tpu.memory_space<vmem>>, %arg13: memref<64x128xf32, #tpu.memory_space<vmem>>, %arg14: memref<64x128xf32, #tpu.memory_space<vmem>>) attributes {dimension_semantics = [#tpu.dimension_semantics<arbitrary>], iteration_bounds = array<i64: 10>, scalar_prefetch = 0 : i64, scratch_operands = 2 : i64, tpu.core_type = #tpu.core_type<tc>, window_params = [{transform_indices = @transform_0, window_bounds = array<i64: 2, 1024, 128>}, {transform_indices = @transform_1, window_bounds = array<i64: 1024, 128>}, {transform_indices = @transform_2, window_bounds = array<i64: 32, 1024>}, {transform_indices = @transform_3, window_bounds = array<i64: 1, 1, 1024>}, {pipeline_mode = #tpu.pipeline_mode<synchronous>, transform_indices = @transform_4, window_bounds = array<i64: 64, 2>}, {pipeline_mode = #tpu.pipeline_mode<synchronous>, transform_indices = @transform_5, window_bounds = array<i64: 2, 128>}, {pipeline_mode = #tpu.pipeline_mode<synchronous>, transform_indices = @transform_6, window_bounds = array<i64: 1, 128>}, {pipeline_mode = #tpu.pipeline_mode<synchronous>, transform_indices = @transform_7, window_bounds = array<i64: 1, 128>}, {pipeline_mode = #tpu.pipeline_mode<synchronous>, transform_indices = @transform_8, window_bounds = array<i64: 128, 2>}, {pipeline_mode = #tpu.pipeline_mode<synchronous>, transform_indices = @transform_9, window_bounds = array<i64: 128, 2>}, {pipeline_mode = #tpu.pipeline_mode<synchronous>, transform_indices = @transform_10, window_bounds = array<i64: 1, 2>}, {pipeline_mode = #tpu.pipeline_mode<synchronous>, transform_indices = @transform_11, window_bounds = array<i64: 64, 2>}]} {
    %eq3A = arith.constant 0 : i32
    %eq3A_0 = arith.cmpi eq, %arg0, %eq3A : i32
    %convert_element_type3A = arith.extui %eq3A_0 : i1 to i32
    %cond3A = arith.constant 0 : i32
    %cond3A_1 = arith.cmpi ne, %convert_element_type3A, %cond3A : i32
    scf.if %cond3A_1 {
      %broadcast_in_dim3A_65 = arith.constant 0.000000e+00 : f32
      %broadcast_in_dim3A_66 = vector.broadcast %broadcast_in_dim3A_65 : f32 to vector<64x128xf32>
      %swap3A_67 = arith.constant 0 : index
      %swap3A_68 = arith.constant 0 : index
      %swap3A_69 = vector.load %arg13[%swap3A_67, %swap3A_68] : memref<64x128xf32, #tpu.memory_space<vmem>>, vector<64x128xf32>
      tpu.vector_store %arg13[%swap3A_67, %swap3A_68], %broadcast_in_dim3A_66 {strides = array<i32>} : memref<64x128xf32, #tpu.memory_space<vmem>>, vector<64x128xf32>,
      %broadcast_in_dim3A_70 = arith.constant 0.000000e+00 : f32
      %broadcast_in_dim3A_71 = vector.broadcast %broadcast_in_dim3A_70 : f32 to vector<64x128xf32>
      %swap3A_72 = arith.constant 0 : index
      %swap3A_73 = arith.constant 0 : index
      %swap3A_74 = vector.load %arg14[%swap3A_72, %swap3A_73] : memref<64x128xf32, #tpu.memory_space<vmem>>, vector<64x128xf32>
      tpu.vector_store %arg14[%swap3A_72, %swap3A_73], %broadcast_in_dim3A_71 {strides = array<i32>} : memref<64x128xf32, #tpu.memory_space<vmem>>, vector<64x128xf32>,
    } else {
    }
    %get3A = arith.constant 0 : index
    %get3A_2 = arith.constant 0 : index
    %get3A_3 = vector.load %arg3[%get3A, %get3A_2] : memref<32x1024xf32, #tpu.memory_space<vmem>>, vector<32x1024xf32>
    %reduce_sum3A = arith.constant dense<0.000000e+00> : vector<1024xf32>
    %reduce_sum3A_4 = vector.multi_reduction <add>, %get3A_3, %reduce_sum3A [0] : vector<32x1024xf32> to vector<1024xf32>
    %add3A = arith.constant 1.000000e+00 : f32
    %add3A_5 = vector.broadcast %add3A : f32 to vector<1024xf32>
    %add3A_6 = arith.addf %reduce_sum3A_4, %add3A_5 : vector<1024xf32>
    %max3A = arith.constant 1.000000e+00 : f32
    %max3A_7 = vector.broadcast %max3A : f32 to vector<1024xf32>
    %max3A_8 = arith.maximumf %add3A_6, %max3A_7 : vector<1024xf32>
    %rsqrt3A = math.rsqrt %max3A_8 : vector<1024xf32>
    %get3A_9 = arith.constant 0 : index
    %get3A_10 = arith.constant 0 : index
    %get3A_11 = arith.constant 0 : index
    %get3A_12 = vector.load %arg1[%get3A_9, %get3A_10, %get3A_11] : memref<2x1024x128xf32, #tpu.memory_space<vmem>>, vector<1x1024x128xf32>
    %get3A_13 = vector.shape_cast %get3A_12 : vector<1x1024x128xf32> to vector<1024x128xf32>
    %get3A_14 = arith.constant 1 : index
    %get3A_15 = arith.constant 0 : index
    %get3A_16 = arith.constant 0 : index
    %get3A_17 = vector.load %arg1[%get3A_14, %get3A_15, %get3A_16] : memref<2x1024x128xf32, #tpu.memory_space<vmem>>, vector<1x1024x128xf32>
    %get3A_18 = vector.shape_cast %get3A_17 : vector<1x1024x128xf32> to vector<1024x128xf32>
    %add3A_19 = arith.addf %get3A_13, %get3A_18 : vector<1024x128xf32>
    %get3A_20 = arith.constant 0 : index
    %get3A_21 = arith.constant 0 : index
    %get3A_22 = vector.load %arg2[%get3A_20, %get3A_21] : memref<1024x128xf32, #tpu.memory_space<vmem>>, vector<1024x128xf32>
    %add3A_23 = arith.addf %add3A_19, %get3A_22 : vector<1024x128xf32>
    %broadcast_in_dim3A = vector.shape_cast %rsqrt3A : vector<1024xf32> to vector<1024x1xf32>
    %mul3A = vector.broadcast %broadcast_in_dim3A : vector<1024x1xf32> to vector<1024x128xf32>
    %mul3A_24 = arith.mulf %add3A_23, %mul3A : vector<1024x128xf32>
    %get3A_25 = arith.constant 0 : index
    %get3A_26 = arith.constant 0 : index
    %get3A_27 = vector.load %arg7[%get3A_25, %get3A_26] : memref<1x128xf32, #tpu.memory_space<vmem>>, vector<1x128xf32>
    %get3A_28 = vector.shape_cast %get3A_27 : vector<1x128xf32> to vector<128xf32>
    %broadcast_in_dim3A_29 = vector.shape_cast %get3A_28 : vector<128xf32> to vector<1x128xf32>
    %add3A_30 = vector.broadcast %broadcast_in_dim3A_29 : vector<1x128xf32> to vector<1024x128xf32>
    %add3A_31 = arith.addf %mul3A_24, %add3A_30 : vector<1024x128xf32>
    %get3A_32 = arith.constant 0 : index
    %get3A_33 = arith.constant 0 : index
    %get3A_34 = arith.constant 0 : index
    %get3A_35 = vector.load %arg4[%get3A_32, %get3A_33, %get3A_34] : memref<1x1x1024xi32, #tpu.memory_space<vmem>>, vector<1x1x1024xi32>
    %get3A_36 = vector.shape_cast %get3A_35 : vector<1x1x1024xi32> to vector<1024xi32>
    %iota3A = tpu.iota {dimensions = array<i32: 0>} : vector<64x1024xi32>
    %broadcast_in_dim3A_37 = vector.shape_cast %get3A_36 : vector<1024xi32> to vector<1x1024xi32>
    %eq3A_38 = vector.broadcast %broadcast_in_dim3A_37 : vector<1x1024xi32> to vector<64x1024xi32>
    %eq3A_39 = arith.cmpi eq, %iota3A, %eq3A_38 : vector<64x1024xi32>
    %convert_element_type3A_40 = arith.extui %eq3A_39 : vector<64x1024xi1> to vector<64x1024xi32>
    %convert_element_type3A_41 = arith.sitofp %convert_element_type3A_40 : vector<64x1024xi32> to vector<64x1024xf32>
    %get3A_42 = arith.constant 0 : index
    %get3A_43 = arith.constant 0 : index
    %get3A_44 = vector.load %arg13[%get3A_42, %get3A_43] : memref<64x128xf32, #tpu.memory_space<vmem>>, vector<64x128xf32>
    %dot_general3A = arith.constant dense<0.000000e+00> : vector<64x128xf32>
    %dot_general3A_45 = tpu.matmul %convert_element_type3A_41, %add3A_31, %dot_general3A {dimension_numbers = #tpu.dot_dimension_numbers<[1], [0], [0], [1], [0, 0, 1, 1], [], []>, transpose_lhs_hint = false} : vector<64x1024xf32>, vector<1024x128xf32>, vector<64x128xf32> -> vector<64x128xf32>
    %add3A_46 = arith.addf %get3A_44, %dot_general3A_45 : vector<64x128xf32>
    %swap3A = arith.constant 0 : index
    %swap3A_47 = arith.constant 0 : index
    %swap3A_48 = vector.load %arg13[%swap3A, %swap3A_47] : memref<64x128xf32, #tpu.memory_space<vmem>>, vector<64x128xf32>
    tpu.vector_store %arg13[%swap3A, %swap3A_47], %add3A_46 {strides = array<i32>} : memref<64x128xf32, #tpu.memory_space<vmem>>, vector<64x128xf32>,
    %get3A_49 = arith.constant 0 : index
    %get3A_50 = arith.constant 0 : index
    %get3A_51 = vector.load %arg14[%get3A_49, %get3A_50] : memref<64x128xf32, #tpu.memory_space<vmem>>, vector<64x128xf32>
    %reduce_sum3A_52 = arith.constant dense<0.000000e+00> : vector<64xf32>
    %reduce_sum3A_53 = vector.multi_reduction <add>, %convert_element_type3A_41, %reduce_sum3A_52 [1] : vector<64x1024xf32> to vector<64xf32>
    %broadcast_in_dim3A_54 = vector.shape_cast %reduce_sum3A_53 : vector<64xf32> to vector<64x1xf32>
    %add3A_55 = vector.broadcast %broadcast_in_dim3A_54 : vector<64x1xf32> to vector<64x128xf32>
    %add3A_56 = arith.addf %get3A_51, %add3A_55 : vector<64x128xf32>
    %swap3A_57 = arith.constant 0 : index
    %swap3A_58 = arith.constant 0 : index
    %swap3A_59 = vector.load %arg14[%swap3A_57, %swap3A_58] : memref<64x128xf32, #tpu.memory_space<vmem>>, vector<64x128xf32>
    tpu.vector_store %arg14[%swap3A_57, %swap3A_58], %add3A_56 {strides = array<i32>} : memref<64x128xf32, #tpu.memory_space<vmem>>, vector<64x128xf32>,
    %eq3A_60 = arith.constant 9 : i32
    %eq3A_61 = arith.cmpi eq, %arg0, %eq3A_60 : i32
    %convert_element_type3A_62 = arith.extui %eq3A_61 : i1 to i32
    %cond3A_63 = arith.constant 0 : i32
    %cond3A_64 = arith.cmpi ne, %convert_element_type3A_62, %cond3A_63 : i32
    scf.if %cond3A_64 {
      %get3A_65 = arith.constant 0 : index
      %get3A_66 = arith.constant 0 : index
      %get3A_67 = vector.load %arg13[%get3A_65, %get3A_66] : memref<64x128xf32, #tpu.memory_space<vmem>>, vector<64x128xf32>
      %get3A_68 = arith.constant 0 : index
      %get3A_69 = arith.constant 0 : index
      %get3A_70 = vector.load %arg14[%get3A_68, %get3A_69] : memref<64x128xf32, #tpu.memory_space<vmem>>, vector<64x128xf32>
      %max3A_71 = arith.constant 1.000000e+00 : f32
      %max3A_72 = vector.broadcast %max3A_71 : f32 to vector<64x128xf32>
      %max3A_73 = arith.maximumf %get3A_70, %max3A_72 : vector<64x128xf32>
      %div3A = arith.divf %get3A_67, %max3A_73 : vector<64x128xf32>
      %get3A_74 = arith.constant 0 : index
      %get3A_75 = arith.constant 0 : index
      %get3A_76 = vector.load %arg5[%get3A_74, %get3A_75] : memref<64x2xf32, #tpu.memory_space<vmem>>, vector<64x2xf32>
      %get3A_77 = arith.constant 0 : index
      %get3A_78 = arith.constant 0 : index
      %get3A_79 = vector.load %arg6[%get3A_77, %get3A_78] : memref<2x128xf32, #tpu.memory_space<vmem>>, vector<2x128xf32>
      %dot_general3A_80 = arith.constant dense<0.000000e+00> : vector<64x128xf32>
      %dot_general3A_81 = tpu.matmul %get3A_76, %get3A_79, %dot_general3A_80 {dimension_numbers = #tpu.dot_dimension_numbers<[1], [0], [0], [1], [0, 0, 1, 1], [], []>, transpose_lhs_hint = false} : vector<64x2xf32>, vector<2x128xf32>, vector<64x128xf32> -> vector<64x128xf32>
      %get3A_82 = arith.constant 0 : index
      %get3A_83 = arith.constant 0 : index
      %get3A_84 = vector.load %arg8[%get3A_82, %get3A_83] : memref<1x128xf32, #tpu.memory_space<vmem>>, vector<1x128xf32>
      %get3A_85 = vector.shape_cast %get3A_84 : vector<1x128xf32> to vector<128xf32>
      %broadcast_in_dim3A_86 = vector.shape_cast %get3A_85 : vector<128xf32> to vector<1x128xf32>
      %add3A_87 = vector.broadcast %broadcast_in_dim3A_86 : vector<1x128xf32> to vector<64x128xf32>
      %add3A_88 = arith.addf %dot_general3A_81, %add3A_87 : vector<64x128xf32>
      %get3A_89 = arith.constant 0 : index
      %get3A_90 = arith.constant 0 : index
      %get3A_91 = vector.load %arg9[%get3A_89, %get3A_90] : memref<128x2xf32, #tpu.memory_space<vmem>>, vector<128x2xf32>
      %dot_general3A_92 = arith.constant dense<0.000000e+00> : vector<64x2xf32>
      %dot_general3A_93 = tpu.matmul %div3A, %get3A_91, %dot_general3A_92 {dimension_numbers = #tpu.dot_dimension_numbers<[1], [0], [0], [1], [0, 0, 1, 1], [], []>, transpose_lhs_hint = false} : vector<64x128xf32>, vector<128x2xf32>, vector<64x2xf32> -> vector<64x2xf32>
      %get3A_94 = arith.constant 0 : index
      %get3A_95 = arith.constant 0 : index
      %get3A_96 = vector.load %arg10[%get3A_94, %get3A_95] : memref<128x2xf32, #tpu.memory_space<vmem>>, vector<128x2xf32>
      %dot_general3A_97 = arith.constant dense<0.000000e+00> : vector<64x2xf32>
      %dot_general3A_98 = tpu.matmul %add3A_88, %get3A_96, %dot_general3A_97 {dimension_numbers = #tpu.dot_dimension_numbers<[1], [0], [0], [1], [0, 0, 1, 1], [], []>, transpose_lhs_hint = false} : vector<64x128xf32>, vector<128x2xf32>, vector<64x2xf32> -> vector<64x2xf32>
      %add3A_99 = arith.addf %dot_general3A_93, %dot_general3A_98 : vector<64x2xf32>
      %get3A_100 = arith.constant 0 : index
      %get3A_101 = arith.constant 0 : index
      %get3A_102 = vector.load %arg11[%get3A_100, %get3A_101] : memref<1x2xf32, #tpu.memory_space<vmem>>, vector<1x2xf32>
      %get3A_103 = vector.shape_cast %get3A_102 : vector<1x2xf32> to vector<2xf32>
      %broadcast_in_dim3A_104 = vector.shape_cast %get3A_103 : vector<2xf32> to vector<1x2xf32>
      %add3A_105 = vector.broadcast %broadcast_in_dim3A_104 : vector<1x2xf32> to vector<64x2xf32>
      %add3A_106 = arith.addf %add3A_99, %add3A_105 : vector<64x2xf32>
      %swap3A_107 = arith.constant 0 : index
      %swap3A_108 = arith.constant 0 : index
      %swap3A_109 = vector.load %arg12[%swap3A_107, %swap3A_108] : memref<64x2xf32, #tpu.memory_space<vmem>>, vector<64x2xf32>
      tpu.vector_store %arg12[%swap3A_107, %swap3A_108], %add3A_106 {strides = array<i32>} : memref<64x2xf32, #tpu.memory_space<vmem>>, vector<64x2xf32>,
    } else {
    }
    return
  }
  func.func @transform_0(%arg0: i32) -> (i32, i32, i32) {
    %c0_i32 = arith.constant 0 : i32
    %c0_i32_0 = arith.constant 0 : i32
    %c0_i32_1 = arith.constant 0 : i32
    return %c0_i32, %arg0, %c0_i32_0 : i32, i32, i32
  }
  func.func @transform_1(%arg0: i32) -> (i32, i32) {
    %c0_i32 = arith.constant 0 : i32
    %c0_i32_0 = arith.constant 0 : i32
    return %arg0, %c0_i32 : i32, i32
  }
  func.func @transform_2(%arg0: i32) -> (i32, i32) {
    %c0_i32 = arith.constant 0 : i32
    %c0_i32_0 = arith.constant 0 : i32
    return %c0_i32, %arg0 : i32, i32
  }
  func.func @transform_3(%arg0: i32) -> (i32, i32, i32) {
    %c0_i32 = arith.constant 0 : i32
    %c0_i32_0 = arith.constant 0 : i32
    %c0_i32_1 = arith.constant 0 : i32
    return %arg0, %c0_i32, %c0_i32_0 : i32, i32, i32
  }
  func.func @transform_4(%arg0: i32) -> (i32, i32) {
    %c0_i32 = arith.constant 0 : i32
    %c0_i32_0 = arith.constant 0 : i32
    %c0_i32_1 = arith.constant 0 : i32
    return %c0_i32, %c0_i32_0 : i32, i32
  }
  func.func @transform_5(%arg0: i32) -> (i32, i32) {
    %c0_i32 = arith.constant 0 : i32
    %c0_i32_0 = arith.constant 0 : i32
    %c0_i32_1 = arith.constant 0 : i32
    return %c0_i32, %c0_i32_0 : i32, i32
  }
  func.func @transform_6(%arg0: i32) -> (i32, i32) {
    %c0_i32 = arith.constant 0 : i32
    %c0_i32_0 = arith.constant 0 : i32
    %c0_i32_1 = arith.constant 0 : i32
    return %c0_i32, %c0_i32_0 : i32, i32
  }
  func.func @transform_7(%arg0: i32) -> (i32, i32) {
    %c0_i32 = arith.constant 0 : i32
    %c0_i32_0 = arith.constant 0 : i32
    %c0_i32_1 = arith.constant 0 : i32
    return %c0_i32, %c0_i32_0 : i32, i32
  }
  func.func @transform_8(%arg0: i32) -> (i32, i32) {
    %c0_i32 = arith.constant 0 : i32
    %c0_i32_0 = arith.constant 0 : i32
    %c0_i32_1 = arith.constant 0 : i32
    return %c0_i32, %c0_i32_0 : i32, i32
  }
  func.func @transform_9(%arg0: i32) -> (i32, i32) {
    %c0_i32 = arith.constant 0 : i32
    %c0_i32_0 = arith.constant 0 : i32
    %c0_i32_1 = arith.constant 0 : i32
    return %c0_i32, %c0_i32_0 : i32, i32
  }
  func.func @transform_10(%arg0: i32) -> (i32, i32) {
    %c0_i32 = arith.constant 0 : i32
    %c0_i32_0 = arith.constant 0 : i32
    %c0_i32_1 = arith.constant 0 : i32
    return %c0_i32, %c0_i32_0 : i32, i32
  }
  func.func @transform_11(%arg0: i32) -> (i32, i32) {
    %c0_i32 = arith.constant 0 : i32
    %c0_i32_0 = arith.constant 0 : i32
    %c0_i32_1 = arith.constant 0 : i32
    return %c0_i32, %c0_i32_0 : i32, i32
  }
}

</mosaic_0001>

<sc_bundles>
// kernel: kernel.11.cloned.1.call-start
scs
__scs_entry_jumppad:
0x0: {  	(pc) =	sbr.rel $0x88, $3  }
0x1: {  	(tag) =	ssettag $0x0;
	lr =	simm.s32 $0x1  }
0x2: {  	[smem:$0x3F95] =	sst lr;
	_ =	strace $0xD0000000  }
0x3: {  	_ = 	snop  }
0x4: {  	_ = 	snop  }
0x5: {  	_ = 	snop  }
0x6: {  	_ = 	snop  }
0x7: {  	_ = 	snop  }
__scs_overlays_trampoline_lowered:
0x8: {  	[smem:$0x3FA4] =	sst s0  }
0x9: {  	[smem:$0x3FA5] =	sst s1  }
0xa: {  	[smem:$0x3FA6] =	sst s2  }
0xb: {  	[smem:$0x3FA7] =	sst s3  }
0xc: {  	[smem:$0x3FA8] =	sst s4  }
0xd: {  	[smem:$0x3FA9] =	sst s5  }
0xe: {  	[smem:$0x3FAA] =	sst s6  }
0xf: {  	[smem:$0x3FAB] =	sst s7  }
0x10: {  	[smem:$0x3FAC] =	sst s8  }
0x11: {  	[smem:$0x3FAD] =	sst s9;
	s0 =	simm.s32 @!p0 $0x0  }
0x12: {  	s1 =	sld [smem:$0x3F93];
	s0 =	simm.s32 @p0 $0x1  }
0x13: {  	[smem:$0x3FAE] =	sst s0;
	s0 =	simm.s32 @!p1 $0x0  }
0x14: {  	s2 =	sld [smem:$0x3F92];
	s0 =	simm.s32 @p1 $0x1  }
0x15: {  	[smem:$0x3FAF] =	sst s0;
	s0 =	simm.s32 @!p2 $0x0  }
0x16: {  	s3 =	sld [smem:$0x3FDB];
	s0 =	simm.s32 @p2 $0x1  }
0x17: {  	s4 =	simm.s32 $0x1BF5;
	[smem:$0x3FB1] =	sst s0  }
0x18: {  	s0 =	sld [smem:$0x3F94];
	_ =	swait.ge [sflag:s4], $0x0  }
0x19: {  	s7 =	sld [smem:$0x3F95]  }
0x1a: {  	s8 =	sadd.s32 $0xFFFFE003, lr  }
0x1b: {  	s9 =	sadd.s32 $0xFFFFFEF7, lr;
	s5 =	simm.s32 $0xFFFFFFFF;
	p2 =	slt.u32 s8, $0xFFFFF086  }
0x1c: {  	p1 =	slt.u32 s9, $0xF7A;
	s5 =	simm.s32 @!p2 $0x0  }
0x1d: {  	s5 =	simm.s32 @p1 $0x1;
	p0 =	seq.s32 s7, s2  }
0x1e: {  	s7 =	smul.u32 @!p0 $0xF7A, s2;
	p2 =	seq.s32 @!p0 s5, $0x0  }
0x1f: {  	s9 =	smul.u32 $0xF7A, s1;
	s8 =	simm.s32 @!p0 $0x1BF5;
	p2 =	por !p2, p0  }
0x20: {  	[sflag:s8] =	ssyncset.s32 @!p0 $0xFFFFF086;
	s6 =	sadd.s32 @!p0 s3, s7;
	s7 =	simm.s32 @!p0 $0x108  }
0x21: {  	s3 =	sadd.s32 s3, s9;
	s6 =	sadd.s32 @!p0 $0x88, s6;
	s7 =	simm.s32 @p2 $0x1082  }
0x22: {  	[simem:s7], [sflag:s8] =	dma.local @!p0 [hbm:s6], $0xF7A  }
0x23: {  	s9 =	sor.u32 $0xD0000000, s2;
	s6 =	simm.s32 $0x108;
	_ =	swait.ge @!p0 [sflag:s8], $0x0  }
0x24: {  	s3 =	sadd.s32 $0x88, s3;
	s6 =	simm.s32 @!p1 $0x1082;
	[sflag:s4] =	ssyncset.s32 $0xFFFFF086  }
0x25: {  	[simem:s6], [sflag:s4] =	dma.local [hbm:s3], $0xF7A  }
0x26: {  	[smem:$0x3F95] =	sst s1;
	(tag) =	ssettag s2;
	_ =	strace s9  }
0x27: {  	s1 =	sld [smem:$0x3FA5]  }
0x28: {  	s2 =	sld [smem:$0x3FA6]  }
0x29: {  	s4 =	sld [smem:$0x3FA8]  }
0x2a: {  	p0 =	seq.s32 s5, $0x0;
	s5 =	sld [smem:$0x3FA9]  }
0x2b: {  	s6 =	sld [smem:$0x3FAA]  }
0x2c: {  	s7 =	sld [smem:$0x3FAB]  }
0x2d: {  	s3 =	simm.s32 $0x108;
	s8 =	sld [smem:$0x3FAC]  }
0x2e: {  	s3 =	simm.s32 @!p0 $0x1082;
	s9 =	sld [smem:$0x3FAD]  }
0x2f: {  	lr =	sadd.s32 s0, s3;
	s0 =	sld [smem:$0x3FA4]  }
0x30: {  	s3 =	sld [smem:$0x3FA7]  }
0x31: {  	[smem:$0x3FB0] =	sst s10  }
0x32: {  	s10 =	sld [smem:$0x3FAE];
	_ =	sdelay $0x3  }
0x33: {  	p0 =	seq.s32 s10, $0x1;
	s10 =	sld [smem:$0x3FB0];
	_ =	sdelay $0x3  }
0x34: {  	[smem:$0x3FB0] =	sst s10  }
0x35: {  	s10 =	sld [smem:$0x3FAF];
	_ =	sdelay $0x3  }
0x36: {  	p1 =	seq.s32 s10, $0x1;
	s10 =	sld [smem:$0x3FB0];
	_ =	sdelay $0x3  }
0x37: {  	[smem:$0x3FB0] =	sst s10  }
0x38: {  	s10 =	sld [smem:$0x3FB1]  }
0x39: {  	_ = 	snop;
	(pc) =	sbr.ind lr, $3  }
0x3a: {  	_ = 	snop  }
0x3b: {  	_ = 	snop  }
0x3c: {  	p2 =	seq.s32 s10, $0x1;
	s10 =	sld [smem:$0x3FB0]  }
0x3d: {  	_ =	shalt  }
0x3e: {  	_ =	shalt  }
0x3f: {  	_ =	shalt  }
0x40: {  	_ =	shalt  }
0x41: {  	_ =	shalt  }
0x42: {  	_ =	shalt  }
0x43: {  	_ =	shalt  }
0x44: {  	_ =	shalt  }
0x45: {  	_ =	shalt  }
0x46: {  	_ =	shalt  }
0x47: {  	_ =	shalt  }
0x48: {  	_ =	shalt  }
0x49: {  	_ =	shalt  }
0x4a: {  	_ =	shalt  }
0x4b: {  	_ =	shalt  }
0x4c: {  	_ =	shalt  }
0x4d: {  	_ =	shalt  }
0x4e: {  	_ =	shalt  }
0x4f: {  	_ =	shalt  }
0x50: {  	_ =	shalt  }
0x51: {  	_ =	shalt  }
0x52: {  	_ =	shalt  }
0x53: {  	_ =	shalt  }
0x54: {  	_ =	shalt  }
0x55: {  	_ =	shalt  }
0x56: {  	_ =	shalt  }
0x57: {  	_ =	shalt  }
0x58: {  	_ =	shalt  }
0x59: {  	_ =	shalt  }
0x5a: {  	_ =	shalt  }
0x5b: {  	_ =	shalt  }
0x5c: {  	_ =	shalt  }
0x5d: {  	_ =	shalt  }
0x5e: {  	_ =	shalt  }
0x5f: {  	_ =	shalt  }
0x60: {  	_ =	shalt  }
0x61: {  	_ =	shalt  }
0x62: {  	_ =	shalt  }
0x63: {  	_ =	shalt  }
0x64: {  	_ =	shalt  }
0x65: {  	_ =	shalt  }
0x66: {  	_ =	shalt  }
0x67: {  	_ =	shalt  }
0x68: {  	_ =	shalt  }
0x69: {  	_ =	shalt  }
0x6a: {  	_ =	shalt  }
0x6b: {  	_ =	shalt  }
0x6c: {  	_ =	shalt  }
0x6d: {  	_ =	shalt  }
0x6e: {  	_ =	shalt  }
0x6f: {  	_ =	shalt  }
0x70: {  	_ =	shalt  }
0x71: {  	_ =	shalt  }
0x72: {  	_ =	shalt  }
0x73: {  	_ =	shalt  }
0x74: {  	_ =	shalt  }
0x75: {  	_ =	shalt  }
0x76: {  	_ =	shalt  }
0x77: {  	_ =	shalt  }
0x78: {  	_ =	shalt  }
0x79: {  	_ =	shalt  }
0x7a: {  	_ =	shalt  }
0x7b: {  	_ =	shalt  }
0x7c: {  	_ =	shalt  }
0x7d: {  	_ =	shalt  }
0x7e: {  	_ =	shalt  }
0x7f: {  	_ =	shalt  }
0x80: {  	_ =	shalt  }
0x81: {  	_ =	shalt  }
0x82: {  	_ =	shalt  }
0x83: {  	_ =	shalt  }
0x84: {  	_ =	shalt  }
0x85: {  	_ =	shalt  }
0x86: {  	_ =	shalt  }
0x87: {  	_ =	shalt  }
.Lfunc_end0:
.L_simem_size_0:
called_computation.1_lowered:
.L_overlay_start_0:
0x88: {  	s2 =	sld [smem:$0x3FD9]  }
0x89: {  	s3 =	sld [smem:$0x3FFE];
	_ =	sdelay $0x1  }
0x8a: {  	s1 =	srdreg.scid  }
0x8b: {  	s0 =	sand.u32 $0x1, s1  }
0x8c: {  	s16 =	sshll.u32 s0, $0xA;
	s2 =	sadd.s32 s3, s2  }
0x8d: {  	s2 =	sadd.s32 s2, s16  }
0x8e: {  	[smem:$0x3FBC] =	sst s2  }
0x8f: {  	_ = 	snop  }
0x90: {  	(tm) =	ssettm $0x1  }
0x91: {  	s17 =	sld [smem:$0x3FFB];
	_ =	sdelay $0x3  }
0x92: {  	_ =	strace s17  }
0x93: {  	s2 =	sld [smem:$0x3FFC];
	_ =	sdelay $0x3  }
0x94: {  	_ =	strace s2  }
0x95: {  	s2 =	sld [smem:$0x3FFD];
	_ =	sdelay $0x3  }
0x96: {  	_ =	strace s2  }
0x97: {  	_ =	strace $0x8FFFFFFF  }
0x98: {  	s18 =	sld [smem:$0x3FDB];
	_ =	sdelay $0x1  }
0x99: {  	s19 =	simm.s32 $_scs_section_size  }
0x9a: {  	s4 =	simm.s32 $_size__tile_overlayer_lowered;
	s5 =	simm.s32 $_tile_overlayer_lowered  }
0x9b: {  	s22 =	simm.s32 $0x1BFF;
	s21 =	sshll.u32 s5, $0x1;
	s2 =	sadd.s32 s19, s18  }
0x9c: {  	s6 =	simm.s32 $0x0;
	s20 =	sshll.u32 s4, $0x1;
	s4 =	sadd.s32 s21, s2  }
0x9d: {  	[timem:s6], [sflag:s22] =	dma.local [hbm:s4], s20  }
0x9e: {  	_ =	swait.ge [sflag:s22], s20  }
0x9f: {  	s3 =	ssub.s32 $0x0, s20;
	[sflag:s22] =	ssyncset.done $0x0  }
0xa0: {  	[sflag:s22] =	ssyncadd.s32 s3;
	_ =	sdelay $0x1  }
0xa1: {  	s23 =	simm.s32 $0x1B8B  }
0xa2: {  	_ =	swait.ge [sflag:s23], $0x1  }
0xa3: {  	[sflag:s23] =	ssyncset.done $0x0  }
0xa4: {  	s25 =	simm.s32 $0x1B8E;
	s24 =	sld [smem:$0x3FFE];
	[sflag:s23] =	ssyncadd.s32 $0xFFFFFFFF  }
0xa5: {  	s26 =	simm.s32 $execute0_lowered;
	[smem:$0x3FD2] =	sst s25  }
0xa6: {  	s4 =	sshll.u32 s26, $0x1;
	_ =	strace $0x80000049;
	[dreg:$0x1] =	wrdreg $0xFFFFFFFF  }
0xa7: {  	s28 =	simm.s32 $_size_execute0_lowered;
	s2 =	sadd.s32 s2, s4;
	[dreg:$0x0] =	wrdreg $0x0  }
0xa8: {  	s4 =	sshll.u32 s28, $0x1;
	[dreg:$0x2] =	wrdreg s2  }
0xa9: {  	[dreg:$0x3] =	wrdreg s4  }
0xaa: {  	[dreg:$0x4] =	wrdreg $0xC0  }
0xab: {  	_ =	task [dreg:s6], $0x5FFFF  }
0xac: {  	[dreg:$0x1] =	wrdreg $0xFFFFFFFF  }
0xad: {  	[dreg:$0x0] =	wrdreg $0x60  }
0xae: {  	[dreg:$0x2] =	wrdreg s24  }
0xaf: {  	[dreg:$0x3] =	wrdreg $0xAA000  }
0xb0: {  	[dreg:$0x4] =	wrdreg $0x9  }
0xb1: {  	_ =	task.clear_ibuf [dreg:s6], $0x5FFFF;
	_ =	strace $0x90000049  }
0xb2: {  	s29 =	simm.s32 $0x9;
	_ =	strace $0x8000004B  }
0xb3: {  	_ =	swait.ge [sflag:s29], $0x1  }
0xb4: {  	[sflag:s29] =	ssyncadd.s32 $0xFFFFFFFF  }
0xb5: {  	_ =	strace $0x9000004B  }
0xb6: {  	_ =	sfence  }
0xb7: {  	s30 =	sld [smem:$0x0];
	_ =	sdelay $0x2  }
0xb8: {  	s31 =	sshll.u32 s1, $0xD;
	s1 =	sshrl.u32 s1, $0x2  }
0xb9: {  	s3 =	sand.u32 $0x4000, s31;
	s1 =	sadd.s32 s1, s30  }
0xba: {  	s0 =	sor.u32 s3, s0;
	s1 =	sshll.u32 s1, $0x11  }
0xbb: {  	s0 =	sor.u32 s1, s0  }
0xbc: {  	s0 =	sadd.s32 $0x8F2B, s0  }
0xbd: {  	[sflag:s0] =	ssyncadd.remote.s32 $0x1  }
0xbe: {  	_ =	sfence.sel $0xFFFF  }
0xbf: {  	[dreg:$0x0] =	wrdreg $0xFFFFFFFF;
	(pc) =	sbr.abs _section_cstart, $3  }
0xc0: {  	[dreg:$0x1] =	wrdreg $0xFFFFFFFF  }
0xc1: {  	_ =	task.clear_ibuf [dreg:s6], $0x2FFFF;
	_ =	strace $0x9FFFFFFF  }
0xc2: {  	(tm) =	ssettm $0x7FFFFFFF  }
0xc3: {  	_ =	shalt  }
tec
execute0_lowered:
.L_overlay_start_1:
0x0: {  	(tag) =	ssettag $0x1  }
0x1: {  	s0 =	rddreg [dreg:$0x0]  }
0x2: {  	s1 =	rddreg [dreg:$0x1];
	s2 =	srdreg.scid  }
0x3: {  	s3 =	simm.s32 $0x0;
	s11 =	stileid.u32;
	s18 =	simm.s32 $0x7  }
0x4: {  	s19 =	simm.s32 $0x8000;
	s28 =	simm.s32 $0x4000;
	s29 =	simm.s32 $0x1  }
0x5: {  	s30 =	simm.s32 $0x5;
	s31 =	simm.s32 $0x2;
	s9 =	smul.u32 $0x50000, s11  }
0x6: {  	s17 =	simm.s32 $0x0;
	s2 =	sand.u32 $0x1, s2;
	s26 =	smul.u32 $0x500, s11  }
0x7: {  	[smem:$0x7FF] =	sst s3;
	s15 =	sadd.s32 $0x21800, s0;
	s16 =	smul.u32 $0x2800, s11  }
0x8: {  	s4 =	sshll.u32 s2, $0x4;
	_ =	strace $0x8000004A;
	s6 =	smul.u32 $0x28000, s2  }
0x9: {  	s7 =	ssub.s32 $0x2, s2;
	s2 =	smul.u32 $0x5000, s2;
	s4 =	sor.u32 s11, s4  }
0xa: {  	s8 =	sshrl.u32 s7, $0x1;
	s21 =	sshrl.u32 s9, $0x2;
	s5 =	smul.u32 $0x500, s4  }
0xb: {  	s4 =	sadd.s32 $0x2B800, s0;
	s7 =	ssub.s32 s7, s8;
	s9 =	sadd.s32 s21, s1  }
0xc: {  	s2 =	sadd.s32 s2, s15;
	s21 =	simm.s32 $0x8100;
	s25 =	sadd.s32 $0x4000, s9  }
0xd: {  	s12 =	sadd.s32 $0x8000, s9;
	s13 =	sadd.s32 $0xC000, s9;
	s14 =	sadd.s32 $0x10000, s9  }
0xe: {  	s2 =	sadd.s32 s26, s2;
	s26 =	simm.s32 $0x4;
	s10 =	sadd.s32 s5, s0  }
0xf: {  	s0 =	sadd.s32 s6, s0;
	s6 =	sadd.s32 s15, s5;
	[dreg:$0x7] =	wrdreg s25  }
0x10: {  	s15 =	smax.u32 s7, $0x1;
	s5 =	sadd.s32 $0x70, s2;
	s20 =	sadd.s32 $0xD800, s10  }
.Ltmp0:
0x11: {  	s22 =	sadd.s32 $0x10, s6;
	[dreg:$0x3] =	wrdreg s20;
	(pc) =	sbr.rel .LBB2_1-.Ltmp0, $4  }
0x12: {  	s25 =	simm.s32 $0x80;
	s23 =	sadd.s32 $0x20, s6;
	[dreg:$0x4] =	wrdreg s22  }
0x13: {  	s24 =	sadd.s32 $0x30, s6;
	s0 =	sadd.s32 $0x53800, s0;
	[dreg:$0x5] =	wrdreg s23  }
0x14: {  	[dreg:$0x6] =	wrdreg s24;
	s20 =	simm.s32 $0x8080;
	s22 =	simm.s32 $0x8180  }
0x15: {  	v0 =	vimm.f32 $0.0e+00;
	s23 =	simm.s32 $0x3;
	s24 =	sadd.s32 s16, s0;
	s0 =	simm.s32 $0x6  }
.LBB2_6:
0x16: {  	_ =	swait.ge [sflag:s31], $0x4000  }
0x17: {  	[sflag:s31] =	ssyncset.done $0x0  }
0x18: {  	s2 =	simm.s32 $0xA980;
	[sflag:s31] =	ssyncadd.s32 $0xFFFFC000  }
0x19: {  	[spmem:s1] =	stream.indirect.scatter.add.f32 [tilespmem:s28], [sflag:$0x7], $0x80, s2, s25, $0xb8;
	[tilespmem:$0x1EA00] =	vst v63  }
0x1a: {  	s16 =	stileid.u32;
	_ =	swait.ge [sflag:s18], $0x4000  }
0x1b: {  	s7 =	sshrl.u32 s9, $0x3;
	s17 =	sadd.s32 $0x1, s17;
	[sflag:s18] =	ssyncset.done $0x0  }
0x1c: {  	p0 =	sne.s32 s17, s15;
	s2 =	sshll.u32 s16, $0x6;
	[sflag:s18] =	ssyncadd.s32 $0xFFFFC000  }
.Ltmp1:
0x1d: {  	s2 =	sor.u32 $0x1C07, s2;
	[bflag:$0x0] =	sbarrier.arrive $0xFFFF;
	(pc) =	sbr.rel @!p0 .LBB2_7-.Ltmp1, $4  }
0x1e: {  	[hbm:s24], [sflag:s2] =	dma.local [spmem:s7], $0x2800  }
0x1f: {  	_ =	swait.ge [sflag:s18], $0x2800  }
0x20: {  	[sflag:s18] =	ssyncset.done $0x0  }
0x21: {  	[sflag:s18] =	ssyncadd.s32 $0xFFFFD800  }
.LBB2_1:
0x22: {  	s2 =	rddreg [dreg:$0x3];
	s7 =	simm.s32 $0x8200  }
0x23: {  	[tilespmem:s7], [sflag:$0x7] =	stream.linear.gather [hbm4b:s2+s3], $0x2800, $0x38;
	[tilespmem:$0x1EA00] =	vst v63  }
0x24: {  	_ =	swait.ge [sflag:s18], $0x2800  }
0x25: {  	[sflag:s18] =	ssyncset.done $0x0  }
0x26: {  	[sflag:s18] =	ssyncadd.s32 $0xFFFFD800  }
0x27: {  	[tilespmem:s19], [sflag:$0x3] =	stream.linear.gather [hbm4b:s6+s3], $0x80, $0x38;
	[tilespmem:$0x1EA00] =	vst v63  }
0x28: {  	s10 =	rddreg [dreg:$0x4]  }
0x29: {  	[tilespmem:s20], [sflag:$0x4] =	stream.linear.gather [hbm4b:s10+s3], $0x80, $0x38;
	[tilespmem:$0x1EA00] =	vst v63  }
0x2a: {  	s11 =	rddreg [dreg:$0x5]  }
0x2b: {  	[tilespmem:s21], [sflag:$0x5] =	stream.linear.gather [hbm4b:s11+s3], $0x80, $0x38;
	[tilespmem:$0x1EA00] =	vst v63  }
0x2c: {  	s2 =	simm.s32 $0x0;
	s7 =	simm.s32 $0x200;
	s16 =	rddreg [dreg:$0x6]  }
0x2d: {  	[tilespmem:s22], [sflag:$0x6] =	stream.linear.gather [hbm4b:s16+s3], $0x80, $0x38;
	[tilespmem:$0x1EA00] =	vst v63  }
.LBB2_2:
0x2e: {  	p0 =	sne.s32 s7, $0xFE00;
	[tilespmem:s2+$0x70] =	vst v0  }
0x2f: {  	[tilespmem:s2+$0x0] =	vst v0  }
0x30: {  	[tilespmem:s2+$0x10] =	vst v0  }
.Ltmp2:
0x31: {  	[tilespmem:s2+$0x20] =	vst v0;
	(pc) =	sbr.rel @p0 .LBB2_2-.Ltmp2, $4  }
0x32: {  	[tilespmem:s2+$0x30] =	vst v0  }
0x33: {  	[tilespmem:s2+$0x40] =	vst v0  }
0x34: {  	[tilespmem:s2+$0x50] =	vst v0  }
0x35: {  	[tilespmem:s2+$0x60] =	vst v0;
	s2 =	sshra.s32 s7, $0x2;
	s7 =	sadd.s32 $0x200, s7  }
0x36: {  	[tilespmem:s2+$0x70] =	vst v0  }
0x37: {  	[tilespmem:s2+$0x0] =	vst v0  }
0x38: {  	[tilespmem:s2+$0x10] =	vst v0  }
0x39: {  	[tilespmem:s2+$0x20] =	vst v0  }
0x3a: {  	[tilespmem:s2+$0x30] =	vst v0  }
0x3b: {  	[tilespmem:s2+$0x40] =	vst v0  }
0x3c: {  	[tilespmem:s2+$0x50] =	vst v0  }
0x3d: {  	[tilespmem:s2+$0x60] =	vst v0;
	s2 =	simm.s32 $0x0  }
0x3e: {  	[spmem:s9] =	stream.linear.scatter [tilespmem:s2], [sflag:$0x7], $0x4000, $0x38;
	[tilespmem:$0x1EA00] =	vst v63  }
0x3f: {  	_ =	swait.ge [sflag:s18], $0x4000  }
0x40: {  	[sflag:s18] =	ssyncset.done $0x0  }
0x41: {  	s7 =	rddreg [dreg:$0x7];
	[sflag:s18] =	ssyncadd.s32 $0xFFFFC000  }
0x42: {  	[spmem:s7] =	stream.linear.scatter [tilespmem:s2], [sflag:$0x7], $0x4000, $0x38;
	[tilespmem:$0x1EA00] =	vst v63  }
0x43: {  	_ =	swait.ge [sflag:s18], $0x4000  }
0x44: {  	[sflag:s18] =	ssyncset.done $0x0  }
0x45: {  	[sflag:s18] =	ssyncadd.s32 $0xFFFFC000  }
0x46: {  	[spmem:s12] =	stream.linear.scatter [tilespmem:s2], [sflag:$0x7], $0x4000, $0x38;
	[tilespmem:$0x1EA00] =	vst v63  }
0x47: {  	_ =	swait.ge [sflag:s18], $0x4000  }
0x48: {  	[sflag:s18] =	ssyncset.done $0x0  }
0x49: {  	[sflag:s18] =	ssyncadd.s32 $0xFFFFC000  }
0x4a: {  	[spmem:s13] =	stream.linear.scatter [tilespmem:s2], [sflag:$0x7], $0x4000, $0x38;
	[tilespmem:$0x1EA00] =	vst v63  }
0x4b: {  	_ =	swait.ge [sflag:s18], $0x4000  }
0x4c: {  	[sflag:s18] =	ssyncset.done $0x0  }
0x4d: {  	[sflag:s18] =	ssyncadd.s32 $0xFFFFC000  }
0x4e: {  	[spmem:s14] =	stream.linear.scatter [tilespmem:s2], [sflag:$0x7], $0x4000, $0x38;
	[tilespmem:$0x1EA00] =	vst v63  }
0x4f: {  	_ =	swait.ge [sflag:s18], $0x4000  }
0x50: {  	[sflag:s18] =	ssyncset.done $0x0  }
0x51: {  	[sflag:s18] =	ssyncadd.s32 $0xFFFFC000  }
0x52: {  	_ =	swait.ge [sflag:s23], $0x80  }
0x53: {  	[sflag:s23] =	ssyncset.done $0x0  }
0x54: {  	[sflag:s23] =	ssyncadd.s32 $0xFFFFFF80  }
0x55: {  	[tilespmem:s2], [sflag:$0x1] =	stream.indirect.gather [hbm4b:s4+s25], $0x80, s19, s25, $0xb8;
	[tilespmem:$0x1EA00] =	vst v63  }
0x56: {  	_ =	swait.ge [sflag:s26], $0x80  }
0x57: {  	[sflag:s26] =	ssyncset.done $0x0  }
0x58: {  	[sflag:s26] =	ssyncadd.s32 $0xFFFFFF80  }
0x59: {  	[tilespmem:s28], [sflag:$0x2] =	stream.indirect.gather [hbm4b:s4+s25], $0x80, s20, s25, $0xb8;
	[tilespmem:$0x1EA00] =	vst v63  }
0x5a: {  	s16 =	smov.u32 s5;
	[bflag:$0x0] =	sbarrier.arrive $0xFFFF  }
.LBB2_4:
0x5b: {  	_ =	swait.ge [sflag:s29], $0x4000  }
0x5c: {  	s7 =	sshra.s32 s2, $0x2;
	[sflag:s29] =	ssyncset.done $0x0  }
0x5d: {  	s8 =	sadd.s32 $0x8200, s7;
	[sflag:s29] =	ssyncadd.s32 $0xFFFFC000  }
0x5e: {  	[spmem:s1] =	stream.indirect.scatter.add.f32 [tilespmem:s3], [sflag:$0x7], $0x80, s8, s25, $0xb8;
	[tilespmem:$0x1EA00] =	vst v63  }
0x5f: {  	p0 =	seq.s32 s2, $0x9800;
	_ =	swait.ge [sflag:s18], $0x4000  }
0x60: {  	s10 =	simm.s32 @!p0 $0x0;
	[sflag:s18] =	ssyncset.done $0x0  }
0x61: {  	s11 =	simm.s32 @!p0 $0x8000;
	s8 =	sadd.s32 @!p0 $0xFFFFFFD0, s16;
	[sflag:s18] =	ssyncadd.s32 $0xFFFFC000  }
0x62: {  	[tilespmem:s11], [sflag:$0x3] =	stream.linear.gather @!p0 [hbm4b:s8+s10], $0x80, $0x38;
	[tilespmem:$0x1EA00] =	vst v63  }
0x63: {  	_ =	swait.ge [sflag:s30], $0x80  }
0x64: {  	[sflag:s30] =	ssyncset.done $0x0  }
0x65: {  	[sflag:s30] =	ssyncadd.s32 $0xFFFFFF80  }
0x66: {  	[tilespmem:s3], [sflag:$0x1] =	stream.indirect.gather [hbm4b:s4+s25], $0x80, s21, s25, $0xb8;
	[tilespmem:$0x1EA00] =	vst v63  }
0x67: {  	_ =	swait.ge [sflag:s31], $0x4000  }
0x68: {  	[sflag:s31] =	ssyncset.done $0x0  }
0x69: {  	s11 =	sadd.s32 $0x8280, s7;
	[sflag:s31] =	ssyncadd.s32 $0xFFFFC000  }
0x6a: {  	[spmem:s1] =	stream.indirect.scatter.add.f32 [tilespmem:s28], [sflag:$0x7], $0x80, s11, s25, $0xb8;
	[tilespmem:$0x1EA00] =	vst v63  }
0x6b: {  	_ =	swait.ge [sflag:s18], $0x4000  }
0x6c: {  	[sflag:s18] =	ssyncset.done $0x0  }
0x6d: {  	s8 =	sadd.s32 @!p0 $0xFFFFFFE0, s16;
	s11 =	simm.s32 @!p0 $0x8080;
	[sflag:s18] =	ssyncadd.s32 $0xFFFFC000  }
0x6e: {  	[tilespmem:s11], [sflag:$0x4] =	stream.linear.gather @!p0 [hbm4b:s8+s10], $0x80, $0x38;
	[tilespmem:$0x1EA00] =	vst v63  }
0x6f: {  	_ =	swait.ge [sflag:s0], $0x80  }
0x70: {  	[sflag:s0] =	ssyncset.done $0x0  }
0x71: {  	[sflag:s0] =	ssyncadd.s32 $0xFFFFFF80  }
0x72: {  	[tilespmem:s28], [sflag:$0x2] =	stream.indirect.gather [hbm4b:s4+s25], $0x80, s22, s25, $0xb8;
	[tilespmem:$0x1EA00] =	vst v63  }
0x73: {  	_ =	swait.ge [sflag:s29], $0x4000  }
0x74: {  	[sflag:s29] =	ssyncset.done $0x0  }
.Ltmp3:
0x75: {  	s11 =	sadd.s32 $0x8300, s7;
	[sflag:s29] =	ssyncadd.s32 $0xFFFFC000;
	(pc) =	sbr.rel @p0 .LBB2_6-.Ltmp3, $4  }
0x76: {  	[spmem:s1] =	stream.indirect.scatter.add.f32 [tilespmem:s3], [sflag:$0x7], $0x80, s11, s25, $0xb8;
	[tilespmem:$0x1EA00] =	vst v63  }
0x77: {  	_ =	swait.ge [sflag:s18], $0x4000  }
0x78: {  	[sflag:s18] =	ssyncset.done $0x0  }
0x79: {  	[sflag:s18] =	ssyncadd.s32 $0xFFFFC000  }
0x7a: {  	s8 =	sadd.s32 $0xFFFFFFF0, s16  }
0x7b: {  	[tilespmem:s21], [sflag:$0x5] =	stream.linear.gather [hbm4b:s8+s3], $0x80, $0x38;
	[tilespmem:$0x1EA00] =	vst v63  }
0x7c: {  	_ =	swait.ge [sflag:s23], $0x80  }
0x7d: {  	[sflag:s23] =	ssyncset.done $0x0  }
0x7e: {  	[sflag:s23] =	ssyncadd.s32 $0xFFFFFF80  }
0x7f: {  	[tilespmem:s3], [sflag:$0x1] =	stream.indirect.gather [hbm4b:s4+s25], $0x80, s19, s25, $0xb8;
	[tilespmem:$0x1EA00] =	vst v63  }
0x80: {  	_ =	swait.ge [sflag:s31], $0x4000  }
0x81: {  	[sflag:s31] =	ssyncset.done $0x0  }
0x82: {  	s7 =	sadd.s32 $0x8380, s7;
	[sflag:s31] =	ssyncadd.s32 $0xFFFFC000  }
0x83: {  	[spmem:s1] =	stream.indirect.scatter.add.f32 [tilespmem:s28], [sflag:$0x7], $0x80, s7, s25, $0xb8;
	[tilespmem:$0x1EA00] =	vst v63  }
0x84: {  	_ =	swait.ge [sflag:s18], $0x4000  }
0x85: {  	[sflag:s18] =	ssyncset.done $0x0  }
0x86: {  	[sflag:s18] =	ssyncadd.s32 $0xFFFFC000  }
0x87: {  	[tilespmem:s22], [sflag:$0x6] =	stream.linear.gather [hbm4b:s16+s3], $0x80, $0x38;
	[tilespmem:$0x1EA00] =	vst v63  }
.Ltmp4:
0x88: {  	_ = 	snop;
	(pc) =	sbr.rel .LBB2_4-.Ltmp4, $4  }
0x89: {  	_ =	swait.ge [sflag:s26], $0x80  }
0x8a: {  	[sflag:s26] =	ssyncset.done $0x0  }
0x8b: {  	s2 =	sadd.s32 $0x800, s2;
	s16 =	sadd.s32 $0x40, s16;
	[sflag:s26] =	ssyncadd.s32 $0xFFFFFF80  }
0x8c: {  	[tilespmem:s28], [sflag:$0x2] =	stream.indirect.gather [hbm4b:s4+s25], $0x80, s20, s25, $0xb8;
	[tilespmem:$0x1EA00] =	vst v63  }
.LBB2_7:
0x8d: {  	_ =	sfence.sel $0x180000  }
0x8e: {  	[bflag:$0x0] =	sbarrier.arrive $0xFFFF  }
0x8f: {  	_ =	strace $0x9000004A  }
0x90: {  	s0 =	stileid.u32;
	[bflag:$0x2] =	sbarrier.arrive $0xFFFF  }
0x91: {  	p0 =	sne.s32 s0, $0x0;
	s0 =	rddreg [dreg:$0x2]  }
0x92: {  	s0 =	sadd.s32 @!p0 $0x100000, s0  }
0x93: {  	[sflag:s0] =	ssyncadd.tile.s32 @!p0 $0x1;
	_ =	shalt  }
.Lfunc_end2:
_tile_overlayer_lowered:
.L_overlay_start_2:
0x94: {  	(tag) =	ssettag $0x2  }
0x95: {  	s0 =	rddreg [dreg:$0x0];
	s2 =	stileid.u32  }
0x96: {  	s1 =	rddreg [dreg:$0x1];
	p0 =	sne.s32 s2, $0x0  }
0x97: {  	s3 =	rddreg [dreg:$0x2];
	[bflag:$0x3] =	sbarrier.arrive $0xFFFF;
	s2 =	simm.s32 @!p0 $0x1C07  }
0x98: {  	[timem:s3], [sflag:s2] =	dma.local @!p0 [hbm:s0], s1  }
0x99: {  	s0 =	simm.s32 @!p0 $0x7  }
0x9a: {  	_ =	swait.ge @!p0 [sflag:s0], s1  }
0x9b: {  	s1 =	ssub.s32 @!p0 $0x0, s1;
	[sflag:s0] =	ssyncset.done @!p0 $0x0  }
0x9c: {  	[sflag:s0] =	ssyncadd.s32 @!p0 s1  }
0x9d: {  	[bflag:$0x3] =	sbarrier.arrive $0xFFFF  }
0x9e: {  	_ =	shalt  }

// kernel: kernel.14.cloned.1.call-start
scs
__scs_entry_jumppad:
0x0: {  	(pc) =	sbr.rel $0x88, $3  }
0x1: {  	(tag) =	ssettag $0x0;
	lr =	simm.s32 $0x1  }
0x2: {  	[smem:$0x3F95] =	sst lr;
	_ =	strace $0xD0000000  }
0x3: {  	_ = 	snop  }
0x4: {  	_ = 	snop  }
0x5: {  	_ = 	snop  }
0x6: {  	_ = 	snop  }
0x7: {  	_ = 	snop  }
__scs_overlays_trampoline_lowered:
0x8: {  	[smem:$0x3FA4] =	sst s0  }
0x9: {  	[smem:$0x3FA5] =	sst s1  }
0xa: {  	[smem:$0x3FA6] =	sst s2  }
0xb: {  	[smem:$0x3FA7] =	sst s3  }
0xc: {  	[smem:$0x3FA8] =	sst s4  }
0xd: {  	[smem:$0x3FA9] =	sst s5  }
0xe: {  	[smem:$0x3FAA] =	sst s6  }
0xf: {  	[smem:$0x3FAB] =	sst s7  }
0x10: {  	[smem:$0x3FAC] =	sst s8  }
0x11: {  	[smem:$0x3FAD] =	sst s9;
	s0 =	simm.s32 @!p0 $0x0  }
0x12: {  	s1 =	sld [smem:$0x3F93];
	s0 =	simm.s32 @p0 $0x1  }
0x13: {  	[smem:$0x3FAE] =	sst s0;
	s0 =	simm.s32 @!p1 $0x0  }
0x14: {  	s2 =	sld [smem:$0x3F92];
	s0 =	simm.s32 @p1 $0x1  }
0x15: {  	[smem:$0x3FAF] =	sst s0;
	s0 =	simm.s32 @!p2 $0x0  }
0x16: {  	s3 =	sld [smem:$0x3FDB];
	s0 =	simm.s32 @p2 $0x1  }
0x17: {  	s4 =	simm.s32 $0x1BF5;
	[smem:$0x3FB1] =	sst s0  }
0x18: {  	s0 =	sld [smem:$0x3F94];
	_ =	swait.ge [sflag:s4], $0x0  }
0x19: {  	s7 =	sld [smem:$0x3F95]  }
0x1a: {  	s8 =	sadd.s32 $0xFFFFE003, lr  }
0x1b: {  	s9 =	sadd.s32 $0xFFFFFEF7, lr;
	s5 =	simm.s32 $0xFFFFFFFF;
	p2 =	slt.u32 s8, $0xFFFFF086  }
0x1c: {  	p1 =	slt.u32 s9, $0xF7A;
	s5 =	simm.s32 @!p2 $0x0  }
0x1d: {  	s5 =	simm.s32 @p1 $0x1;
	p0 =	seq.s32 s7, s2  }
0x1e: {  	s7 =	smul.u32 @!p0 $0xF7A, s2;
	p2 =	seq.s32 @!p0 s5, $0x0  }
0x1f: {  	s9 =	smul.u32 $0xF7A, s1;
	s8 =	simm.s32 @!p0 $0x1BF5;
	p2 =	por !p2, p0  }
0x20: {  	[sflag:s8] =	ssyncset.s32 @!p0 $0xFFFFF086;
	s6 =	sadd.s32 @!p0 s3, s7;
	s7 =	simm.s32 @!p0 $0x108  }
0x21: {  	s3 =	sadd.s32 s3, s9;
	s6 =	sadd.s32 @!p0 $0x88, s6;
	s7 =	simm.s32 @p2 $0x1082  }
0x22: {  	[simem:s7], [sflag:s8] =	dma.local @!p0 [hbm:s6], $0xF7A  }
0x23: {  	s9 =	sor.u32 $0xD0000000, s2;
	s6 =	simm.s32 $0x108;
	_ =	swait.ge @!p0 [sflag:s8], $0x0  }
0x24: {  	s3 =	sadd.s32 $0x88, s3;
	s6 =	simm.s32 @!p1 $0x1082;
	[sflag:s4] =	ssyncset.s32 $0xFFFFF086  }
0x25: {  	[simem:s6], [sflag:s4] =	dma.local [hbm:s3], $0xF7A  }
0x26: {  	[smem:$0x3F95] =	sst s1;
	(tag) =	ssettag s2;
	_ =	strace s9  }
0x27: {  	s1 =	sld [smem:$0x3FA5]  }
0x28: {  	s2 =	sld [smem:$0x3FA6]  }
0x29: {  	s4 =	sld [smem:$0x3FA8]  }
0x2a: {  	p0 =	seq.s32 s5, $0x0;
	s5 =	sld [smem:$0x3FA9]  }
0x2b: {  	s6 =	sld [smem:$0x3FAA]  }
0x2c: {  	s7 =	sld [smem:$0x3FAB]  }
0x2d: {  	s3 =	simm.s32 $0x108;
	s8 =	sld [smem:$0x3FAC]  }
0x2e: {  	s3 =	simm.s32 @!p0 $0x1082;
	s9 =	sld [smem:$0x3FAD]  }
0x2f: {  	lr =	sadd.s32 s0, s3;
	s0 =	sld [smem:$0x3FA4]  }
0x30: {  	s3 =	sld [smem:$0x3FA7]  }
0x31: {  	[smem:$0x3FB0] =	sst s10  }
0x32: {  	s10 =	sld [smem:$0x3FAE];
	_ =	sdelay $0x3  }
0x33: {  	p0 =	seq.s32 s10, $0x1;
	s10 =	sld [smem:$0x3FB0];
	_ =	sdelay $0x3  }
0x34: {  	[smem:$0x3FB0] =	sst s10  }
0x35: {  	s10 =	sld [smem:$0x3FAF];
	_ =	sdelay $0x3  }
0x36: {  	p1 =	seq.s32 s10, $0x1;
	s10 =	sld [smem:$0x3FB0];
	_ =	sdelay $0x3  }
0x37: {  	[smem:$0x3FB0] =	sst s10  }
0x38: {  	s10 =	sld [smem:$0x3FB1]  }
0x39: {  	_ = 	snop;
	(pc) =	sbr.ind lr, $3  }
0x3a: {  	_ = 	snop  }
0x3b: {  	_ = 	snop  }
0x3c: {  	p2 =	seq.s32 s10, $0x1;
	s10 =	sld [smem:$0x3FB0]  }
0x3d: {  	_ =	shalt  }
0x3e: {  	_ =	shalt  }
0x3f: {  	_ =	shalt  }
0x40: {  	_ =	shalt  }
0x41: {  	_ =	shalt  }
0x42: {  	_ =	shalt  }
0x43: {  	_ =	shalt  }
0x44: {  	_ =	shalt  }
0x45: {  	_ =	shalt  }
0x46: {  	_ =	shalt  }
0x47: {  	_ =	shalt  }
0x48: {  	_ =	shalt  }
0x49: {  	_ =	shalt  }
0x4a: {  	_ =	shalt  }
0x4b: {  	_ =	shalt  }
0x4c: {  	_ =	shalt  }
0x4d: {  	_ =	shalt  }
0x4e: {  	_ =	shalt  }
0x4f: {  	_ =	shalt  }
0x50: {  	_ =	shalt  }
0x51: {  	_ =	shalt  }
0x52: {  	_ =	shalt  }
0x53: {  	_ =	shalt  }
0x54: {  	_ =	shalt  }
0x55: {  	_ =	shalt  }
0x56: {  	_ =	shalt  }
0x57: {  	_ =	shalt  }
0x58: {  	_ =	shalt  }
0x59: {  	_ =	shalt  }
0x5a: {  	_ =	shalt  }
0x5b: {  	_ =	shalt  }
0x5c: {  	_ =	shalt  }
0x5d: {  	_ =	shalt  }
0x5e: {  	_ =	shalt  }
0x5f: {  	_ =	shalt  }
0x60: {  	_ =	shalt  }
0x61: {  	_ =	shalt  }
0x62: {  	_ =	shalt  }
0x63: {  	_ =	shalt  }
0x64: {  	_ =	shalt  }
0x65: {  	_ =	shalt  }
0x66: {  	_ =	shalt  }
0x67: {  	_ =	shalt  }
0x68: {  	_ =	shalt  }
0x69: {  	_ =	shalt  }
0x6a: {  	_ =	shalt  }
0x6b: {  	_ =	shalt  }
0x6c: {  	_ =	shalt  }
0x6d: {  	_ =	shalt  }
0x6e: {  	_ =	shalt  }
0x6f: {  	_ =	shalt  }
0x70: {  	_ =	shalt  }
0x71: {  	_ =	shalt  }
0x72: {  	_ =	shalt  }
0x73: {  	_ =	shalt  }
0x74: {  	_ =	shalt  }
0x75: {  	_ =	shalt  }
0x76: {  	_ =	shalt  }
0x77: {  	_ =	shalt  }
0x78: {  	_ =	shalt  }
0x79: {  	_ =	shalt  }
0x7a: {  	_ =	shalt  }
0x7b: {  	_ =	shalt  }
0x7c: {  	_ =	shalt  }
0x7d: {  	_ =	shalt  }
0x7e: {  	_ =	shalt  }
0x7f: {  	_ =	shalt  }
0x80: {  	_ =	shalt  }
0x81: {  	_ =	shalt  }
0x82: {  	_ =	shalt  }
0x83: {  	_ =	shalt  }
0x84: {  	_ =	shalt  }
0x85: {  	_ =	shalt  }
0x86: {  	_ =	shalt  }
0x87: {  	_ =	shalt  }
.Lfunc_end0:
.L_simem_size_0:
called_computation.2_lowered:
.L_overlay_start_0:
0x88: {  	s2 =	sld [smem:$0x3FD9]  }
0x89: {  	s3 =	sld [smem:$0x3FFE];
	_ =	sdelay $0x1  }
0x8a: {  	s1 =	srdreg.scid  }
0x8b: {  	s0 =	sand.u32 $0x1, s1  }
0x8c: {  	s16 =	sshll.u32 s0, $0xA;
	s2 =	sadd.s32 s3, s2  }
0x8d: {  	s2 =	sadd.s32 s2, s16  }
0x8e: {  	[smem:$0x3FBC] =	sst s2  }
0x8f: {  	_ = 	snop  }
0x90: {  	(tm) =	ssettm $0x1  }
0x91: {  	s17 =	sld [smem:$0x3FFB];
	_ =	sdelay $0x3  }
0x92: {  	_ =	strace s17  }
0x93: {  	s2 =	sld [smem:$0x3FFC];
	_ =	sdelay $0x3  }
0x94: {  	_ =	strace s2  }
0x95: {  	s2 =	sld [smem:$0x3FFD];
	_ =	sdelay $0x3  }
0x96: {  	_ =	strace s2  }
0x97: {  	_ =	strace $0x8FFFFFFF  }
0x98: {  	s18 =	sld [smem:$0x3FDB];
	_ =	sdelay $0x1  }
0x99: {  	s19 =	simm.s32 $_scs_section_size  }
0x9a: {  	s4 =	simm.s32 $_size__tile_overlayer_lowered;
	s5 =	simm.s32 $_tile_overlayer_lowered  }
0x9b: {  	s22 =	simm.s32 $0x1BFF;
	s21 =	sshll.u32 s5, $0x1;
	s2 =	sadd.s32 s19, s18  }
0x9c: {  	s6 =	simm.s32 $0x0;
	s20 =	sshll.u32 s4, $0x1;
	s4 =	sadd.s32 s21, s2  }
0x9d: {  	[timem:s6], [sflag:s22] =	dma.local [hbm:s4], s20  }
0x9e: {  	_ =	swait.ge [sflag:s22], s20  }
0x9f: {  	s3 =	ssub.s32 $0x0, s20;
	[sflag:s22] =	ssyncset.done $0x0  }
0xa0: {  	[sflag:s22] =	ssyncadd.s32 s3;
	_ =	sdelay $0x1  }
0xa1: {  	s23 =	simm.s32 $0x1B8B  }
0xa2: {  	_ =	swait.ge [sflag:s23], $0x1  }
0xa3: {  	[sflag:s23] =	ssyncset.done $0x0  }
0xa4: {  	s25 =	simm.s32 $0x1B8E;
	s24 =	sld [smem:$0x3FFE];
	[sflag:s23] =	ssyncadd.s32 $0xFFFFFFFF  }
0xa5: {  	s26 =	simm.s32 $execute0_lowered;
	[smem:$0x3FD2] =	sst s25  }
0xa6: {  	s4 =	sshll.u32 s26, $0x1;
	_ =	strace $0x8000004C;
	[dreg:$0x1] =	wrdreg $0xFFFFFFFF  }
0xa7: {  	s28 =	simm.s32 $_size_execute0_lowered;
	s2 =	sadd.s32 s2, s4;
	[dreg:$0x0] =	wrdreg $0x0  }
0xa8: {  	s4 =	sshll.u32 s28, $0x1;
	[dreg:$0x2] =	wrdreg s2  }
0xa9: {  	[dreg:$0x3] =	wrdreg s4  }
0xaa: {  	[dreg:$0x4] =	wrdreg $0xC0  }
0xab: {  	_ =	task [dreg:s6], $0x5FFFF  }
0xac: {  	[dreg:$0x1] =	wrdreg $0xFFFFFFFF  }
0xad: {  	[dreg:$0x0] =	wrdreg $0x60  }
0xae: {  	[dreg:$0x2] =	wrdreg s24  }
0xaf: {  	[dreg:$0x3] =	wrdreg $0xAA000  }
0xb0: {  	[dreg:$0x4] =	wrdreg $0x9  }
0xb1: {  	_ =	task.clear_ibuf [dreg:s6], $0x5FFFF;
	_ =	strace $0x9000004C  }
0xb2: {  	s29 =	simm.s32 $0x9;
	_ =	strace $0x8000004E  }
0xb3: {  	_ =	swait.ge [sflag:s29], $0x1  }
0xb4: {  	[sflag:s29] =	ssyncadd.s32 $0xFFFFFFFF  }
0xb5: {  	_ =	strace $0x9000004E  }
0xb6: {  	_ =	sfence  }
0xb7: {  	s30 =	sld [smem:$0x0];
	_ =	sdelay $0x2  }
0xb8: {  	s31 =	sshll.u32 s1, $0xD;
	s1 =	sshrl.u32 s1, $0x2  }
0xb9: {  	s3 =	sand.u32 $0x4000, s31;
	s1 =	sadd.s32 s1, s30  }
0xba: {  	s0 =	sor.u32 s3, s0;
	s1 =	sshll.u32 s1, $0x11  }
0xbb: {  	s0 =	sor.u32 s1, s0  }
0xbc: {  	s0 =	sadd.s32 $0x8F2B, s0  }
0xbd: {  	[sflag:s0] =	ssyncadd.remote.s32 $0x1  }
0xbe: {  	_ =	sfence.sel $0xFFFF  }
0xbf: {  	[dreg:$0x0] =	wrdreg $0xFFFFFFFF;
	(pc) =	sbr.abs _section_cstart, $3  }
0xc0: {  	[dreg:$0x1] =	wrdreg $0xFFFFFFFF  }
0xc1: {  	_ =	task.clear_ibuf [dreg:s6], $0x2FFFF;
	_ =	strace $0x9FFFFFFF  }
0xc2: {  	(tm) =	ssettm $0x7FFFFFFF  }
0xc3: {  	_ =	shalt  }
tec
execute0_lowered:
.L_overlay_start_1:
0x0: {  	(tag) =	ssettag $0x1  }
0x1: {  	s0 =	rddreg [dreg:$0x0]  }
0x2: {  	s1 =	rddreg [dreg:$0x1];
	s2 =	srdreg.scid  }
0x3: {  	s3 =	simm.s32 $0x0;
	s11 =	stileid.u32;
	s18 =	simm.s32 $0x7  }
0x4: {  	s19 =	simm.s32 $0x8000;
	s28 =	simm.s32 $0x4000;
	s29 =	simm.s32 $0x1  }
0x5: {  	s30 =	simm.s32 $0x5;
	s31 =	simm.s32 $0x2;
	s9 =	smul.u32 $0x50000, s11  }
0x6: {  	s17 =	simm.s32 $0x0;
	s2 =	sand.u32 $0x1, s2;
	s26 =	smul.u32 $0x500, s11  }
0x7: {  	[smem:$0x7FF] =	sst s3;
	s15 =	sadd.s32 $0x21800, s0;
	s16 =	smul.u32 $0x2800, s11  }
0x8: {  	s4 =	sshll.u32 s2, $0x4;
	_ =	strace $0x8000004D;
	s6 =	smul.u32 $0x28000, s2  }
0x9: {  	s7 =	ssub.s32 $0x2, s2;
	s2 =	smul.u32 $0x5000, s2;
	s4 =	sor.u32 s11, s4  }
0xa: {  	s8 =	sshrl.u32 s7, $0x1;
	s21 =	sshrl.u32 s9, $0x2;
	s5 =	smul.u32 $0x500, s4  }
0xb: {  	s4 =	sadd.s32 $0x2B800, s0;
	s7 =	ssub.s32 s7, s8;
	s9 =	sadd.s32 s21, s1  }
0xc: {  	s2 =	sadd.s32 s2, s15;
	s21 =	simm.s32 $0x8100;
	s25 =	sadd.s32 $0x4000, s9  }
0xd: {  	s12 =	sadd.s32 $0x8000, s9;
	s13 =	sadd.s32 $0xC000, s9;
	s14 =	sadd.s32 $0x10000, s9  }
0xe: {  	s2 =	sadd.s32 s26, s2;
	s26 =	simm.s32 $0x4;
	s10 =	sadd.s32 s5, s0  }
0xf: {  	s0 =	sadd.s32 s6, s0;
	s6 =	sadd.s32 s15, s5;
	[dreg:$0x7] =	wrdreg s25  }
0x10: {  	s15 =	smax.u32 s7, $0x1;
	s5 =	sadd.s32 $0x70, s2;
	s20 =	sadd.s32 $0xD800, s10  }
.Ltmp0:
0x11: {  	s22 =	sadd.s32 $0x10, s6;
	[dreg:$0x3] =	wrdreg s20;
	(pc) =	sbr.rel .LBB2_1-.Ltmp0, $4  }
0x12: {  	s25 =	simm.s32 $0x80;
	s23 =	sadd.s32 $0x20, s6;
	[dreg:$0x4] =	wrdreg s22  }
0x13: {  	s24 =	sadd.s32 $0x30, s6;
	s0 =	sadd.s32 $0x53800, s0;
	[dreg:$0x5] =	wrdreg s23  }
0x14: {  	[dreg:$0x6] =	wrdreg s24;
	s20 =	simm.s32 $0x8080;
	s22 =	simm.s32 $0x8180  }
0x15: {  	v0 =	vimm.f32 $0.0e+00;
	s23 =	simm.s32 $0x3;
	s24 =	sadd.s32 s16, s0;
	s0 =	simm.s32 $0x6  }
.LBB2_6:
0x16: {  	_ =	swait.ge [sflag:s31], $0x4000  }
0x17: {  	[sflag:s31] =	ssyncset.done $0x0  }
0x18: {  	s2 =	simm.s32 $0xA980;
	[sflag:s31] =	ssyncadd.s32 $0xFFFFC000  }
0x19: {  	[spmem:s1] =	stream.indirect.scatter.add.f32 [tilespmem:s28], [sflag:$0x7], $0x80, s2, s25, $0xb8;
	[tilespmem:$0x1EA00] =	vst v63  }
0x1a: {  	s16 =	stileid.u32;
	_ =	swait.ge [sflag:s18], $0x4000  }
0x1b: {  	s7 =	sshrl.u32 s9, $0x3;
	s17 =	sadd.s32 $0x1, s17;
	[sflag:s18] =	ssyncset.done $0x0  }
0x1c: {  	p0 =	sne.s32 s17, s15;
	s2 =	sshll.u32 s16, $0x6;
	[sflag:s18] =	ssyncadd.s32 $0xFFFFC000  }
.Ltmp1:
0x1d: {  	s2 =	sor.u32 $0x1C07, s2;
	[bflag:$0x0] =	sbarrier.arrive $0xFFFF;
	(pc) =	sbr.rel @!p0 .LBB2_7-.Ltmp1, $4  }
0x1e: {  	[hbm:s24], [sflag:s2] =	dma.local [spmem:s7], $0x2800  }
0x1f: {  	_ =	swait.ge [sflag:s18], $0x2800  }
0x20: {  	[sflag:s18] =	ssyncset.done $0x0  }
0x21: {  	[sflag:s18] =	ssyncadd.s32 $0xFFFFD800  }
.LBB2_1:
0x22: {  	s2 =	rddreg [dreg:$0x3];
	s7 =	simm.s32 $0x8200  }
0x23: {  	[tilespmem:s7], [sflag:$0x7] =	stream.linear.gather [hbm4b:s2+s3], $0x2800, $0x38;
	[tilespmem:$0x1EA00] =	vst v63  }
0x24: {  	_ =	swait.ge [sflag:s18], $0x2800  }
0x25: {  	[sflag:s18] =	ssyncset.done $0x0  }
0x26: {  	[sflag:s18] =	ssyncadd.s32 $0xFFFFD800  }
0x27: {  	[tilespmem:s19], [sflag:$0x3] =	stream.linear.gather [hbm4b:s6+s3], $0x80, $0x38;
	[tilespmem:$0x1EA00] =	vst v63  }
0x28: {  	s10 =	rddreg [dreg:$0x4]  }
0x29: {  	[tilespmem:s20], [sflag:$0x4] =	stream.linear.gather [hbm4b:s10+s3], $0x80, $0x38;
	[tilespmem:$0x1EA00] =	vst v63  }
0x2a: {  	s11 =	rddreg [dreg:$0x5]  }
0x2b: {  	[tilespmem:s21], [sflag:$0x5] =	stream.linear.gather [hbm4b:s11+s3], $0x80, $0x38;
	[tilespmem:$0x1EA00] =	vst v63  }
0x2c: {  	s2 =	simm.s32 $0x0;
	s7 =	simm.s32 $0x200;
	s16 =	rddreg [dreg:$0x6]  }
0x2d: {  	[tilespmem:s22], [sflag:$0x6] =	stream.linear.gather [hbm4b:s16+s3], $0x80, $0x38;
	[tilespmem:$0x1EA00] =	vst v63  }
.LBB2_2:
0x2e: {  	p0 =	sne.s32 s7, $0xFE00;
	[tilespmem:s2+$0x70] =	vst v0  }
0x2f: {  	[tilespmem:s2+$0x0] =	vst v0  }
0x30: {  	[tilespmem:s2+$0x10] =	vst v0  }
.Ltmp2:
0x31: {  	[tilespmem:s2+$0x20] =	vst v0;
	(pc) =	sbr.rel @p0 .LBB2_2-.Ltmp2, $4  }
0x32: {  	[tilespmem:s2+$0x30] =	vst v0  }
0x33: {  	[tilespmem:s2+$0x40] =	vst v0  }
0x34: {  	[tilespmem:s2+$0x50] =	vst v0  }
0x35: {  	[tilespmem:s2+$0x60] =	vst v0;
	s2 =	sshra.s32 s7, $0x2;
	s7 =	sadd.s32 $0x200, s7  }
0x36: {  	[tilespmem:s2+$0x70] =	vst v0  }
0x37: {  	[tilespmem:s2+$0x0] =	vst v0  }
0x38: {  	[tilespmem:s2+$0x10] =	vst v0  }
0x39: {  	[tilespmem:s2+$0x20] =	vst v0  }
0x3a: {  	[tilespmem:s2+$0x30] =	vst v0  }
0x3b: {  	[tilespmem:s2+$0x40] =	vst v0  }
0x3c: {  	[tilespmem:s2+$0x50] =	vst v0  }
0x3d: {  	[tilespmem:s2+$0x60] =	vst v0;
	s2 =	simm.s32 $0x0  }
0x3e: {  	[spmem:s9] =	stream.linear.scatter [tilespmem:s2], [sflag:$0x7], $0x4000, $0x38;
	[tilespmem:$0x1EA00] =	vst v63  }
0x3f: {  	_ =	swait.ge [sflag:s18], $0x4000  }
0x40: {  	[sflag:s18] =	ssyncset.done $0x0  }
0x41: {  	s7 =	rddreg [dreg:$0x7];
	[sflag:s18] =	ssyncadd.s32 $0xFFFFC000  }
0x42: {  	[spmem:s7] =	stream.linear.scatter [tilespmem:s2], [sflag:$0x7], $0x4000, $0x38;
	[tilespmem:$0x1EA00] =	vst v63  }
0x43: {  	_ =	swait.ge [sflag:s18], $0x4000  }
0x44: {  	[sflag:s18] =	ssyncset.done $0x0  }
0x45: {  	[sflag:s18] =	ssyncadd.s32 $0xFFFFC000  }
0x46: {  	[spmem:s12] =	stream.linear.scatter [tilespmem:s2], [sflag:$0x7], $0x4000, $0x38;
	[tilespmem:$0x1EA00] =	vst v63  }
0x47: {  	_ =	swait.ge [sflag:s18], $0x4000  }
0x48: {  	[sflag:s18] =	ssyncset.done $0x0  }
0x49: {  	[sflag:s18] =	ssyncadd.s32 $0xFFFFC000  }
0x4a: {  	[spmem:s13] =	stream.linear.scatter [tilespmem:s2], [sflag:$0x7], $0x4000, $0x38;
	[tilespmem:$0x1EA00] =	vst v63  }
0x4b: {  	_ =	swait.ge [sflag:s18], $0x4000  }
0x4c: {  	[sflag:s18] =	ssyncset.done $0x0  }
0x4d: {  	[sflag:s18] =	ssyncadd.s32 $0xFFFFC000  }
0x4e: {  	[spmem:s14] =	stream.linear.scatter [tilespmem:s2], [sflag:$0x7], $0x4000, $0x38;
	[tilespmem:$0x1EA00] =	vst v63  }
0x4f: {  	_ =	swait.ge [sflag:s18], $0x4000  }
0x50: {  	[sflag:s18] =	ssyncset.done $0x0  }
0x51: {  	[sflag:s18] =	ssyncadd.s32 $0xFFFFC000  }
0x52: {  	_ =	swait.ge [sflag:s23], $0x80  }
0x53: {  	[sflag:s23] =	ssyncset.done $0x0  }
0x54: {  	[sflag:s23] =	ssyncadd.s32 $0xFFFFFF80  }
0x55: {  	[tilespmem:s2], [sflag:$0x1] =	stream.indirect.gather [hbm4b:s4+s25], $0x80, s19, s25, $0xb8;
	[tilespmem:$0x1EA00] =	vst v63  }
0x56: {  	_ =	swait.ge [sflag:s26], $0x80  }
0x57: {  	[sflag:s26] =	ssyncset.done $0x0  }
0x58: {  	[sflag:s26] =	ssyncadd.s32 $0xFFFFFF80  }
0x59: {  	[tilespmem:s28], [sflag:$0x2] =	stream.indirect.gather [hbm4b:s4+s25], $0x80, s20, s25, $0xb8;
	[tilespmem:$0x1EA00] =	vst v63  }
0x5a: {  	s16 =	smov.u32 s5;
	[bflag:$0x0] =	sbarrier.arrive $0xFFFF  }
.LBB2_4:
0x5b: {  	_ =	swait.ge [sflag:s29], $0x4000  }
0x5c: {  	s7 =	sshra.s32 s2, $0x2;
	[sflag:s29] =	ssyncset.done $0x0  }
0x5d: {  	s8 =	sadd.s32 $0x8200, s7;
	[sflag:s29] =	ssyncadd.s32 $0xFFFFC000  }
0x5e: {  	[spmem:s1] =	stream.indirect.scatter.add.f32 [tilespmem:s3], [sflag:$0x7], $0x80, s8, s25, $0xb8;
	[tilespmem:$0x1EA00] =	vst v63  }
0x5f: {  	p0 =	seq.s32 s2, $0x9800;
	_ =	swait.ge [sflag:s18], $0x4000  }
0x60: {  	s10 =	simm.s32 @!p0 $0x0;
	[sflag:s18] =	ssyncset.done $0x0  }
0x61: {  	s11 =	simm.s32 @!p0 $0x8000;
	s8 =	sadd.s32 @!p0 $0xFFFFFFD0, s16;
	[sflag:s18] =	ssyncadd.s32 $0xFFFFC000  }
0x62: {  	[tilespmem:s11], [sflag:$0x3] =	stream.linear.gather @!p0 [hbm4b:s8+s10], $0x80, $0x38;
	[tilespmem:$0x1EA00] =	vst v63  }
0x63: {  	_ =	swait.ge [sflag:s30], $0x80  }
0x64: {  	[sflag:s30] =	ssyncset.done $0x0  }
0x65: {  	[sflag:s30] =	ssyncadd.s32 $0xFFFFFF80  }
0x66: {  	[tilespmem:s3], [sflag:$0x1] =	stream.indirect.gather [hbm4b:s4+s25], $0x80, s21, s25, $0xb8;
	[tilespmem:$0x1EA00] =	vst v63  }
0x67: {  	_ =	swait.ge [sflag:s31], $0x4000  }
0x68: {  	[sflag:s31] =	ssyncset.done $0x0  }
0x69: {  	s11 =	sadd.s32 $0x8280, s7;
	[sflag:s31] =	ssyncadd.s32 $0xFFFFC000  }
0x6a: {  	[spmem:s1] =	stream.indirect.scatter.add.f32 [tilespmem:s28], [sflag:$0x7], $0x80, s11, s25, $0xb8;
	[tilespmem:$0x1EA00] =	vst v63  }
0x6b: {  	_ =	swait.ge [sflag:s18], $0x4000  }
0x6c: {  	[sflag:s18] =	ssyncset.done $0x0  }
0x6d: {  	s8 =	sadd.s32 @!p0 $0xFFFFFFE0, s16;
	s11 =	simm.s32 @!p0 $0x8080;
	[sflag:s18] =	ssyncadd.s32 $0xFFFFC000  }
0x6e: {  	[tilespmem:s11], [sflag:$0x4] =	stream.linear.gather @!p0 [hbm4b:s8+s10], $0x80, $0x38;
	[tilespmem:$0x1EA00] =	vst v63  }
0x6f: {  	_ =	swait.ge [sflag:s0], $0x80  }
0x70: {  	[sflag:s0] =	ssyncset.done $0x0  }
0x71: {  	[sflag:s0] =	ssyncadd.s32 $0xFFFFFF80  }
0x72: {  	[tilespmem:s28], [sflag:$0x2] =	stream.indirect.gather [hbm4b:s4+s25], $0x80, s22, s25, $0xb8;
	[tilespmem:$0x1EA00] =	vst v63  }
0x73: {  	_ =	swait.ge [sflag:s29], $0x4000  }
0x74: {  	[sflag:s29] =	ssyncset.done $0x0  }
.Ltmp3:
0x75: {  	s11 =	sadd.s32 $0x8300, s7;
	[sflag:s29] =	ssyncadd.s32 $0xFFFFC000;
	(pc) =	sbr.rel @p0 .LBB2_6-.Ltmp3, $4  }
0x76: {  	[spmem:s1] =	stream.indirect.scatter.add.f32 [tilespmem:s3], [sflag:$0x7], $0x80, s11, s25, $0xb8;
	[tilespmem:$0x1EA00] =	vst v63  }
0x77: {  	_ =	swait.ge [sflag:s18], $0x4000  }
0x78: {  	[sflag:s18] =	ssyncset.done $0x0  }
0x79: {  	[sflag:s18] =	ssyncadd.s32 $0xFFFFC000  }
0x7a: {  	s8 =	sadd.s32 $0xFFFFFFF0, s16  }
0x7b: {  	[tilespmem:s21], [sflag:$0x5] =	stream.linear.gather [hbm4b:s8+s3], $0x80, $0x38;
	[tilespmem:$0x1EA00] =	vst v63  }
0x7c: {  	_ =	swait.ge [sflag:s23], $0x80  }
0x7d: {  	[sflag:s23] =	ssyncset.done $0x0  }
0x7e: {  	[sflag:s23] =	ssyncadd.s32 $0xFFFFFF80  }
0x7f: {  	[tilespmem:s3], [sflag:$0x1] =	stream.indirect.gather [hbm4b:s4+s25], $0x80, s19, s25, $0xb8;
	[tilespmem:$0x1EA00] =	vst v63  }
0x80: {  	_ =	swait.ge [sflag:s31], $0x4000  }
0x81: {  	[sflag:s31] =	ssyncset.done $0x0  }
0x82: {  	s7 =	sadd.s32 $0x8380, s7;
	[sflag:s31] =	ssyncadd.s32 $0xFFFFC000  }
0x83: {  	[spmem:s1] =	stream.indirect.scatter.add.f32 [tilespmem:s28], [sflag:$0x7], $0x80, s7, s25, $0xb8;
	[tilespmem:$0x1EA00] =	vst v63  }
0x84: {  	_ =	swait.ge [sflag:s18], $0x4000  }
0x85: {  	[sflag:s18] =	ssyncset.done $0x0  }
0x86: {  	[sflag:s18] =	ssyncadd.s32 $0xFFFFC000  }
0x87: {  	[tilespmem:s22], [sflag:$0x6] =	stream.linear.gather [hbm4b:s16+s3], $0x80, $0x38;
	[tilespmem:$0x1EA00] =	vst v63  }
.Ltmp4:
0x88: {  	_ = 	snop;
	(pc) =	sbr.rel .LBB2_4-.Ltmp4, $4  }
0x89: {  	_ =	swait.ge [sflag:s26], $0x80  }
0x8a: {  	[sflag:s26] =	ssyncset.done $0x0  }
0x8b: {  	s2 =	sadd.s32 $0x800, s2;
	s16 =	sadd.s32 $0x40, s16;
	[sflag:s26] =	ssyncadd.s32 $0xFFFFFF80  }
0x8c: {  	[tilespmem:s28], [sflag:$0x2] =	stream.indirect.gather [hbm4b:s4+s25], $0x80, s20, s25, $0xb8;
	[tilespmem:$0x1EA00] =	vst v63  }
.LBB2_7:
0x8d: {  	_ =	sfence.sel $0x180000  }
0x8e: {  	[bflag:$0x0] =	sbarrier.arrive $0xFFFF  }
0x8f: {  	_ =	strace $0x9000004D  }
0x90: {  	s0 =	stileid.u32;
	[bflag:$0x2] =	sbarrier.arrive $0xFFFF  }
0x91: {  	p0 =	sne.s32 s0, $0x0;
	s0 =	rddreg [dreg:$0x2]  }
0x92: {  	s0 =	sadd.s32 @!p0 $0x100000, s0  }
0x93: {  	[sflag:s0] =	ssyncadd.tile.s32 @!p0 $0x1;
	_ =	shalt  }
.Lfunc_end2:
_tile_overlayer_lowered:
.L_overlay_start_2:
0x94: {  	(tag) =	ssettag $0x2  }
0x95: {  	s0 =	rddreg [dreg:$0x0];
	s2 =	stileid.u32  }
0x96: {  	s1 =	rddreg [dreg:$0x1];
	p0 =	sne.s32 s2, $0x0  }
0x97: {  	s3 =	rddreg [dreg:$0x2];
	[bflag:$0x3] =	sbarrier.arrive $0xFFFF;
	s2 =	simm.s32 @!p0 $0x1C07  }
0x98: {  	[timem:s3], [sflag:s2] =	dma.local @!p0 [hbm:s0], s1  }
0x99: {  	s0 =	simm.s32 @!p0 $0x7  }
0x9a: {  	_ =	swait.ge @!p0 [sflag:s0], s1  }
0x9b: {  	s1 =	ssub.s32 @!p0 $0x0, s1;
	[sflag:s0] =	ssyncset.done @!p0 $0x0  }
0x9c: {  	[sflag:s0] =	ssyncadd.s32 @!p0 s1  }
0x9d: {  	[bflag:$0x3] =	sbarrier.arrive $0xFFFF  }
0x9e: {  	_ =	shalt  }

// kernel: kernel.8.cloned.1.call-start
scs
__scs_entry_jumppad:
0x0: {  	(pc) =	sbr.rel $0x88, $3  }
0x1: {  	(tag) =	ssettag $0x0;
	lr =	simm.s32 $0x1  }
0x2: {  	[smem:$0x3F95] =	sst lr;
	_ =	strace $0xD0000000  }
0x3: {  	_ = 	snop  }
0x4: {  	_ = 	snop  }
0x5: {  	_ = 	snop  }
0x6: {  	_ = 	snop  }
0x7: {  	_ = 	snop  }
__scs_overlays_trampoline_lowered:
0x8: {  	[smem:$0x3FA4] =	sst s0  }
0x9: {  	[smem:$0x3FA5] =	sst s1  }
0xa: {  	[smem:$0x3FA6] =	sst s2  }
0xb: {  	[smem:$0x3FA7] =	sst s3  }
0xc: {  	[smem:$0x3FA8] =	sst s4  }
0xd: {  	[smem:$0x3FA9] =	sst s5  }
0xe: {  	[smem:$0x3FAA] =	sst s6  }
0xf: {  	[smem:$0x3FAB] =	sst s7  }
0x10: {  	[smem:$0x3FAC] =	sst s8  }
0x11: {  	[smem:$0x3FAD] =	sst s9;
	s0 =	simm.s32 @!p0 $0x0  }
0x12: {  	s1 =	sld [smem:$0x3F93];
	s0 =	simm.s32 @p0 $0x1  }
0x13: {  	[smem:$0x3FAE] =	sst s0;
	s0 =	simm.s32 @!p1 $0x0  }
0x14: {  	s2 =	sld [smem:$0x3F92];
	s0 =	simm.s32 @p1 $0x1  }
0x15: {  	[smem:$0x3FAF] =	sst s0;
	s0 =	simm.s32 @!p2 $0x0  }
0x16: {  	s3 =	sld [smem:$0x3FDB];
	s0 =	simm.s32 @p2 $0x1  }
0x17: {  	s4 =	simm.s32 $0x1BF5;
	[smem:$0x3FB1] =	sst s0  }
0x18: {  	s0 =	sld [smem:$0x3F94];
	_ =	swait.ge [sflag:s4], $0x0  }
0x19: {  	s7 =	sld [smem:$0x3F95]  }
0x1a: {  	s8 =	sadd.s32 $0xFFFFE003, lr  }
0x1b: {  	s9 =	sadd.s32 $0xFFFFFEF7, lr;
	s5 =	simm.s32 $0xFFFFFFFF;
	p2 =	slt.u32 s8, $0xFFFFF086  }
0x1c: {  	p1 =	slt.u32 s9, $0xF7A;
	s5 =	simm.s32 @!p2 $0x0  }
0x1d: {  	s5 =	simm.s32 @p1 $0x1;
	p0 =	seq.s32 s7, s2  }
0x1e: {  	s7 =	smul.u32 @!p0 $0xF7A, s2;
	p2 =	seq.s32 @!p0 s5, $0x0  }
0x1f: {  	s9 =	smul.u32 $0xF7A, s1;
	s8 =	simm.s32 @!p0 $0x1BF5;
	p2 =	por !p2, p0  }
0x20: {  	[sflag:s8] =	ssyncset.s32 @!p0 $0xFFFFF086;
	s6 =	sadd.s32 @!p0 s3, s7;
	s7 =	simm.s32 @!p0 $0x108  }
0x21: {  	s3 =	sadd.s32 s3, s9;
	s6 =	sadd.s32 @!p0 $0x88, s6;
	s7 =	simm.s32 @p2 $0x1082  }
0x22: {  	[simem:s7], [sflag:s8] =	dma.local @!p0 [hbm:s6], $0xF7A  }
0x23: {  	s9 =	sor.u32 $0xD0000000, s2;
	s6 =	simm.s32 $0x108;
	_ =	swait.ge @!p0 [sflag:s8], $0x0  }
0x24: {  	s3 =	sadd.s32 $0x88, s3;
	s6 =	simm.s32 @!p1 $0x1082;
	[sflag:s4] =	ssyncset.s32 $0xFFFFF086  }
0x25: {  	[simem:s6], [sflag:s4] =	dma.local [hbm:s3], $0xF7A  }
0x26: {  	[smem:$0x3F95] =	sst s1;
	(tag) =	ssettag s2;
	_ =	strace s9  }
0x27: {  	s1 =	sld [smem:$0x3FA5]  }
0x28: {  	s2 =	sld [smem:$0x3FA6]  }
0x29: {  	s4 =	sld [smem:$0x3FA8]  }
0x2a: {  	p0 =	seq.s32 s5, $0x0;
	s5 =	sld [smem:$0x3FA9]  }
0x2b: {  	s6 =	sld [smem:$0x3FAA]  }
0x2c: {  	s7 =	sld [smem:$0x3FAB]  }
0x2d: {  	s3 =	simm.s32 $0x108;
	s8 =	sld [smem:$0x3FAC]  }
0x2e: {  	s3 =	simm.s32 @!p0 $0x1082;
	s9 =	sld [smem:$0x3FAD]  }
0x2f: {  	lr =	sadd.s32 s0, s3;
	s0 =	sld [smem:$0x3FA4]  }
0x30: {  	s3 =	sld [smem:$0x3FA7]  }
0x31: {  	[smem:$0x3FB0] =	sst s10  }
0x32: {  	s10 =	sld [smem:$0x3FAE];
	_ =	sdelay $0x3  }
0x33: {  	p0 =	seq.s32 s10, $0x1;
	s10 =	sld [smem:$0x3FB0];
	_ =	sdelay $0x3  }
0x34: {  	[smem:$0x3FB0] =	sst s10  }
0x35: {  	s10 =	sld [smem:$0x3FAF];
	_ =	sdelay $0x3  }
0x36: {  	p1 =	seq.s32 s10, $0x1;
	s10 =	sld [smem:$0x3FB0];
	_ =	sdelay $0x3  }
0x37: {  	[smem:$0x3FB0] =	sst s10  }
0x38: {  	s10 =	sld [smem:$0x3FB1]  }
0x39: {  	_ = 	snop;
	(pc) =	sbr.ind lr, $3  }
0x3a: {  	_ = 	snop  }
0x3b: {  	_ = 	snop  }
0x3c: {  	p2 =	seq.s32 s10, $0x1;
	s10 =	sld [smem:$0x3FB0]  }
0x3d: {  	_ =	shalt  }
0x3e: {  	_ =	shalt  }
0x3f: {  	_ =	shalt  }
0x40: {  	_ =	shalt  }
0x41: {  	_ =	shalt  }
0x42: {  	_ =	shalt  }
0x43: {  	_ =	shalt  }
0x44: {  	_ =	shalt  }
0x45: {  	_ =	shalt  }
0x46: {  	_ =	shalt  }
0x47: {  	_ =	shalt  }
0x48: {  	_ =	shalt  }
0x49: {  	_ =	shalt  }
0x4a: {  	_ =	shalt  }
0x4b: {  	_ =	shalt  }
0x4c: {  	_ =	shalt  }
0x4d: {  	_ =	shalt  }
0x4e: {  	_ =	shalt  }
0x4f: {  	_ =	shalt  }
0x50: {  	_ =	shalt  }
0x51: {  	_ =	shalt  }
0x52: {  	_ =	shalt  }
0x53: {  	_ =	shalt  }
0x54: {  	_ =	shalt  }
0x55: {  	_ =	shalt  }
0x56: {  	_ =	shalt  }
0x57: {  	_ =	shalt  }
0x58: {  	_ =	shalt  }
0x59: {  	_ =	shalt  }
0x5a: {  	_ =	shalt  }
0x5b: {  	_ =	shalt  }
0x5c: {  	_ =	shalt  }
0x5d: {  	_ =	shalt  }
0x5e: {  	_ =	shalt  }
0x5f: {  	_ =	shalt  }
0x60: {  	_ =	shalt  }
0x61: {  	_ =	shalt  }
0x62: {  	_ =	shalt  }
0x63: {  	_ =	shalt  }
0x64: {  	_ =	shalt  }
0x65: {  	_ =	shalt  }
0x66: {  	_ =	shalt  }
0x67: {  	_ =	shalt  }
0x68: {  	_ =	shalt  }
0x69: {  	_ =	shalt  }
0x6a: {  	_ =	shalt  }
0x6b: {  	_ =	shalt  }
0x6c: {  	_ =	shalt  }
0x6d: {  	_ =	shalt  }
0x6e: {  	_ =	shalt  }
0x6f: {  	_ =	shalt  }
0x70: {  	_ =	shalt  }
0x71: {  	_ =	shalt  }
0x72: {  	_ =	shalt  }
0x73: {  	_ =	shalt  }
0x74: {  	_ =	shalt  }
0x75: {  	_ =	shalt  }
0x76: {  	_ =	shalt  }
0x77: {  	_ =	shalt  }
0x78: {  	_ =	shalt  }
0x79: {  	_ =	shalt  }
0x7a: {  	_ =	shalt  }
0x7b: {  	_ =	shalt  }
0x7c: {  	_ =	shalt  }
0x7d: {  	_ =	shalt  }
0x7e: {  	_ =	shalt  }
0x7f: {  	_ =	shalt  }
0x80: {  	_ =	shalt  }
0x81: {  	_ =	shalt  }
0x82: {  	_ =	shalt  }
0x83: {  	_ =	shalt  }
0x84: {  	_ =	shalt  }
0x85: {  	_ =	shalt  }
0x86: {  	_ =	shalt  }
0x87: {  	_ =	shalt  }
.Lfunc_end0:
.L_simem_size_0:
called_computation_lowered:
.L_overlay_start_0:
0x88: {  	s2 =	sld [smem:$0x3FD9]  }
0x89: {  	s3 =	sld [smem:$0x3FFE];
	_ =	sdelay $0x1  }
0x8a: {  	s1 =	srdreg.scid  }
0x8b: {  	s0 =	sand.u32 $0x1, s1  }
0x8c: {  	s16 =	sshll.u32 s0, $0xA;
	s2 =	sadd.s32 s3, s2  }
0x8d: {  	s2 =	sadd.s32 s2, s16  }
0x8e: {  	[smem:$0x3FBC] =	sst s2  }
0x8f: {  	_ = 	snop  }
0x90: {  	(tm) =	ssettm $0x1  }
0x91: {  	s17 =	sld [smem:$0x3FFB];
	_ =	sdelay $0x3  }
0x92: {  	_ =	strace s17  }
0x93: {  	s2 =	sld [smem:$0x3FFC];
	_ =	sdelay $0x3  }
0x94: {  	_ =	strace s2  }
0x95: {  	s2 =	sld [smem:$0x3FFD];
	_ =	sdelay $0x3  }
0x96: {  	_ =	strace s2  }
0x97: {  	_ =	strace $0x8FFFFFFF  }
0x98: {  	s18 =	sld [smem:$0x3FDB];
	_ =	sdelay $0x1  }
0x99: {  	s19 =	simm.s32 $_scs_section_size  }
0x9a: {  	s4 =	simm.s32 $_size__tile_overlayer_lowered;
	s5 =	simm.s32 $_tile_overlayer_lowered  }
0x9b: {  	s22 =	simm.s32 $0x1BFF;
	s21 =	sshll.u32 s5, $0x1;
	s2 =	sadd.s32 s19, s18  }
0x9c: {  	s6 =	simm.s32 $0x0;
	s20 =	sshll.u32 s4, $0x1;
	s4 =	sadd.s32 s21, s2  }
0x9d: {  	[timem:s6], [sflag:s22] =	dma.local [hbm:s4], s20  }
0x9e: {  	_ =	swait.ge [sflag:s22], s20  }
0x9f: {  	s3 =	ssub.s32 $0x0, s20;
	[sflag:s22] =	ssyncset.done $0x0  }
0xa0: {  	[sflag:s22] =	ssyncadd.s32 s3;
	_ =	sdelay $0x1  }
0xa1: {  	s23 =	simm.s32 $0x1B8B  }
0xa2: {  	_ =	swait.ge [sflag:s23], $0x1  }
0xa3: {  	[sflag:s23] =	ssyncset.done $0x0  }
0xa4: {  	s25 =	simm.s32 $0x1B8E;
	s24 =	sld [smem:$0x3FFE];
	[sflag:s23] =	ssyncadd.s32 $0xFFFFFFFF  }
0xa5: {  	s26 =	simm.s32 $execute0_lowered;
	[smem:$0x3FD2] =	sst s25  }
0xa6: {  	s4 =	sshll.u32 s26, $0x1;
	_ =	strace $0x80000046;
	[dreg:$0x1] =	wrdreg $0xFFFFFFFF  }
0xa7: {  	s28 =	simm.s32 $_size_execute0_lowered;
	s2 =	sadd.s32 s2, s4;
	[dreg:$0x0] =	wrdreg $0x0  }
0xa8: {  	s4 =	sshll.u32 s28, $0x1;
	[dreg:$0x2] =	wrdreg s2  }
0xa9: {  	[dreg:$0x3] =	wrdreg s4  }
0xaa: {  	[dreg:$0x4] =	wrdreg $0xC0  }
0xab: {  	_ =	task [dreg:s6], $0x5FFFF  }
0xac: {  	[dreg:$0x1] =	wrdreg $0xFFFFFFFF  }
0xad: {  	[dreg:$0x0] =	wrdreg $0x60  }
0xae: {  	[dreg:$0x2] =	wrdreg s24  }
0xaf: {  	[dreg:$0x3] =	wrdreg $0x9  }
0xb0: {  	_ =	task.clear_ibuf [dreg:s6], $0x4FFFF;
	_ =	strace $0x90000046  }
0xb1: {  	s29 =	simm.s32 $0x9;
	_ =	strace $0x80000048  }
0xb2: {  	_ =	swait.ge [sflag:s29], $0x1  }
0xb3: {  	[sflag:s29] =	ssyncadd.s32 $0xFFFFFFFF  }
0xb4: {  	_ =	strace $0x90000048  }
0xb5: {  	_ =	sfence  }
0xb6: {  	s30 =	sld [smem:$0x0];
	_ =	sdelay $0x2  }
0xb7: {  	s31 =	sshll.u32 s1, $0xD;
	s1 =	sshrl.u32 s1, $0x2  }
0xb8: {  	s3 =	sand.u32 $0x4000, s31;
	s1 =	sadd.s32 s1, s30  }
0xb9: {  	s0 =	sor.u32 s3, s0;
	s1 =	sshll.u32 s1, $0x11  }
0xba: {  	s0 =	sor.u32 s1, s0  }
0xbb: {  	s0 =	sadd.s32 $0x8F2B, s0  }
0xbc: {  	[sflag:s0] =	ssyncadd.remote.s32 $0x1  }
0xbd: {  	_ =	sfence.sel $0xFFFF  }
0xbe: {  	[dreg:$0x0] =	wrdreg $0xFFFFFFFF;
	(pc) =	sbr.abs _section_cstart, $3  }
0xbf: {  	[dreg:$0x1] =	wrdreg $0xFFFFFFFF  }
0xc0: {  	_ =	task.clear_ibuf [dreg:s6], $0x2FFFF;
	_ =	strace $0x9FFFFFFF  }
0xc1: {  	(tm) =	ssettm $0x7FFFFFFF  }
tec
execute0_lowered:
.L_overlay_start_1:
0x0: {  	(tag) =	ssettag $0x1  }
0x1: {  	s0 =	srdreg.scid  }
0x2: {  	s3 =	sand.u32 $0x1, s0  }
0x3: {  	s4 =	rddreg [dreg:$0x0];
	s0 =	stileid.u32;
	s1 =	sshll.u32 s3, $0x4  }
0x4: {  	s2 =	simm.s32 $0x0;
	s8 =	simm.s32 $0x80;
	s5 =	sor.u32 s0, s1  }
0x5: {  	s9 =	simm.s32 $0x400;
	[smem:$0x7FF] =	sst s2;
	s6 =	sshrl.u32 s5, $0x3  }
0x6: {  	s7 =	sshll.u32 s0, $0x7;
	s3 =	ssub.s32 $0x2, s3;
	s6 =	smul.u32 $0x14000, s6  }
0x7: {  	s1 =	rddreg [dreg:$0x1];
	s7 =	sand.u32 $0x380, s7;
	s5 =	smul.u32 $0x500, s5  }
0x8: {  	_ =	strace $0x80000047;
	s30 =	sshrl.u32 s3, $0x1;
	s6 =	sor.u32 s7, s6  }
0x9: {  	s31 =	ssub.s32 s3, s30;
	s5 =	sadd.s32 s5, s4;
	s6 =	sshrl.u32 s6, $0x3  }
0xa: {  	s3 =	sadd.s32 $0x3800, s5;
	s5 =	smax.u32 s31, $0x1;
	s4 =	sadd.s32 s6, s4  }
0xb: {  	v0 =	vimm.f32 $0.0e+00;
	v1 =	vimm.f32 $1.000000000e+00;
	s7 =	simm.s32 $0x2800;
	s6 =	simm.s32 $0x1;
	s4 =	sadd.s32 $0x17800, s4  }
.LBB2_1:
0xc: {  	s10 =	simm.s32 $0x40;
	s11 =	simm.s32 $0x0  }
.LBB2_2:
0xd: {  	p0 =	sne.s32 s10, $0x9FC0;
	[tilespmem:s11+$0x2800] =	vst v0;
	s11 =	smov.u32 s10;
	s10 =	sadd.s32 $0x40, s10  }
.Ltmp0:
0xe: {  	(pc) =	sbr.rel @p0 .LBB2_2-.Ltmp0, $2  }
0xf: {  	_ =	sdelay $0x2  }
0x10: {  	s11 =	sshra.s32 s11, $0x2  }
0x11: {  	[tilespmem:s11+$0x2800] =	vst v0;
	s10 =	simm.s32 $0x0  }
0x12: {  	[tilespmem:s10], [sflag:$0x1] =	stream.linear.gather [hbm4b:s3+s10], $0x2800, $0x38;
	[tilespmem:$0x5000] =	vst v63  }
0x13: {  	_ =	swait.ge [sflag:s6], $0x2800  }
0x14: {  	[sflag:s6] =	ssyncset.done $0x0  }
0x15: {  	s11 =	simm.s32 $0x0;
	s10 =	simm.s32 $0x40;
	[sflag:s6] =	ssyncadd.s32 $0xFFFFD800  }
.LBB2_4:
0x16: {  	p0 =	sne.s32 s10, $0x9FC0;
	v2 =	vld [tilespmem:s11+$0x0];
	_ =	sdelay $0x3  }
.Ltmp1:
0x17: {  	(pc) =	sbr.rel @p0 .LBB2_4-.Ltmp1, $2  }
0x18: {  	_ =	sdelay $0x2  }
0x19: {  	s11 =	sshra.s32 s10, $0x2;
	s10 =	sadd.s32 $0x40, s10;
	[tilespmem:v2+s7+$0x0] =	vst.idx.add.f32.msk $0xffff, v1  }
0x1a: {  	v2 =	vld [tilespmem:s11+$0x0];
	_ =	sdelay $0x5  }
0x1b: {  	s2 =	sadd.s32 $0x1, s2  }
0x1c: {  	p0 =	sne.s32 s2, s5  }
.Ltmp2:
0x1d: {  	[tilespmem:v2+s7+$0x0] =	vst.idx.add.f32.msk $0xffff, v1;
	(pc) =	sbr.rel @p0 .LBB2_1-.Ltmp2, $4  }
0x1e: {  	[hbm4b:s4+s8] =	stream.strided.scatter [tilespmem:s7], [sflag:$0x1], $0x2800, s9, s8, $0x38;
	[tilespmem:$0x5000] =	vst v63  }
0x1f: {  	_ =	swait.ge [sflag:s6], $0x2800  }
0x20: {  	[sflag:s6] =	ssyncset.done $0x0  }
0x21: {  	[sflag:s6] =	ssyncadd.s32 $0xFFFFD800  }
0x22: {  	_ =	sfence.sel $0x180000  }
0x23: {  	[bflag:$0x0] =	sbarrier.arrive $0xFFFF  }
0x24: {  	p0 =	sne.s32 s0, $0x0;
	_ =	strace $0x90000047  }
0x25: {  	s0 =	sadd.s32 @!p0 $0x100000, s1;
	[bflag:$0x2] =	sbarrier.arrive $0xFFFF  }
0x26: {  	[sflag:s0] =	ssyncadd.tile.s32 @!p0 $0x1;
	_ =	shalt  }
.Lfunc_end2:
_tile_overlayer_lowered:
.L_overlay_start_2:
0x27: {  	(tag) =	ssettag $0x2  }
0x28: {  	s0 =	rddreg [dreg:$0x0];
	s2 =	stileid.u32  }
0x29: {  	s1 =	rddreg [dreg:$0x1];
	p0 =	sne.s32 s2, $0x0  }
0x2a: {  	s3 =	rddreg [dreg:$0x2];
	[bflag:$0x3] =	sbarrier.arrive $0xFFFF;
	s2 =	simm.s32 @!p0 $0x1C01  }
0x2b: {  	[timem:s3], [sflag:s2] =	dma.local @!p0 [hbm:s0], s1  }
0x2c: {  	s0 =	simm.s32 @!p0 $0x1  }
0x2d: {  	_ =	swait.ge @!p0 [sflag:s0], s1  }
0x2e: {  	s1 =	ssub.s32 @!p0 $0x0, s1;
	[sflag:s0] =	ssyncset.done @!p0 $0x0  }
0x2f: {  	[sflag:s0] =	ssyncadd.s32 @!p0 s1  }
0x30: {  	[bflag:$0x3] =	sbarrier.arrive $0xFFFF  }
0x31: {  	_ =	shalt  }

</sc_bundles>
